<compile_context>
chip_gen: v7x
topology: tpu7x:2x2x1
jax: 0.10.2.dev20260603
libtpu: 0.0.44.dev20260713+nightly
codegen_flags: <defaults>
</compile_context>

<pallas_src>
import functools

import jax
import jax.numpy as jnp
import numpy as np
from jax import lax
from jax.experimental import pallas as pl
from jax.experimental.pallas import tpu as pltpu
from jax.experimental.pallas import tpu_sc as plsc

_IN_DIM = 256
_NCLU = 512
_LAT = 256
_NTOK = 1024
_BETA = 1.0
_LAMDA = 1.0
_GAMMA = 0.01
_EPS = 1e-10
_BN_EPS = 1e-5
_TOL = 1e-4
_ITER_LIMIT = 10
_CK = 16
_CM = 128
_PTOT = _NTOK + _NCLU * (_CK - 1)
_PTOT_ALLOC = _PTOT + _CM - _CK

_F32 = jnp.float32
_I32 = jnp.int32


def _dgT(a, b):
    return lax.dot_general(a, b, (((1,), (1,)), ((), ())),
                           preferred_element_type=_F32)


def _dg(a, b):
    return lax.dot_general(a, b, (((1,), (0,)), ((), ())),
                           preferred_element_type=_F32)


def _dgL(a, b):
    return lax.dot_general(a, b, (((0,), (0,)), ((), ())),
                           preferred_element_type=_F32)


def _bnorm(h, g, bt):
    mean = jnp.sum(h, axis=0, keepdims=True) * (1.0 / _NTOK)
    c = h - mean
    var = jnp.sum(c * c, axis=0, keepdims=True) * (1.0 / _NTOK)
    return c / jnp.sqrt(var + _BN_EPS) * g + bt


def _fwd_body(refs_in, refs_out):
    (x_ref, w0, b0, w1, b1, g1, t1, w2, b2, g2, t2, w3, b3, g3, t3,
     v0, c0, e0, f0, v1, c1, e1, f1, v2, c2, e2, f2, v3, c3, clus) = refs_in
    lat_ref, rec_ref, pos_ref, counts_ref, pstart_ref = refs_out

    x = x_ref[...]
    h = jnp.maximum(_dgT(x, w0[...]) + b0[...], 0.0)
    h = _bnorm(jnp.maximum(_dgT(h, w1[...]) + b1[...], 0.0), g1[...], t1[...])
    h = _bnorm(jnp.maximum(_dgT(h, w2[...]) + b2[...], 0.0), g2[...], t2[...])
    lat = _bnorm(jnp.maximum(_dgT(h, w3[...]) + b3[...], 0.0), g3[...], t3[...])
    lat_ref[...] = lat

    d = _bnorm(jnp.maximum(_dgT(lat, v0[...]) + c0[...], 0.0), e0[...], f0[...])
    d = _bnorm(jnp.maximum(_dgT(d, v1[...]) + c1[...], 0.0), e1[...], f1[...])
    d = _bnorm(jnp.maximum(_dgT(d, v2[...]) + c2[...], 0.0), e2[...], f2[...])
    out = _dgT(d, v3[...]) + c3[...]
    r = x - out
    rec_ref[...] = jnp.sum(r * r).reshape(1, 1)

    cl = clus[...]
    g = _dgT(lat, cl)
    ones_row = jnp.ones((1, _LAT), _F32)
    cn = _dgT(ones_row, cl * cl)
    score = cn - 2.0 * g
    rowmin = jnp.min(score, axis=1, keepdims=True)
    li = lax.broadcasted_iota(_I32, (_NTOK, _NCLU), 1)
    ids = jnp.min(jnp.where(score == rowmin, li, _NCLU), axis=1, keepdims=True)

    oh = (li == ids).astype(_F32)
    ones_tok = jnp.ones((1, _NTOK), _F32)
    counts = _dg(ones_tok, oh)
    pcount = jnp.floor((counts + (_CK - 1.0)) * (1.0 / _CK)) * float(_CK)
    ri = lax.broadcasted_iota(_I32, (_NCLU, _NCLU), 0)
    ci = lax.broadcasted_iota(_I32, (_NCLU, _NCLU), 1)
    ustrict = (ri < ci).astype(_F32)
    pstart = _dg(pcount, ustrict)
    ti = lax.broadcasted_iota(_I32, (_NTOK, _NTOK), 0)
    tj = lax.broadcasted_iota(_I32, (_NTOK, _NTOK), 1)
    lstrict = (tj < ti).astype(_F32)
    prefix = _dg(lstrict, oh)
    pos = jnp.sum(oh * (pstart + prefix), axis=1, keepdims=True)
    pos_ref[...] = pos.astype(_I32)
    counts_ref[...] = counts.astype(_I32)
    pstart_ref[...] = pstart.astype(_I32)


def _fwd_call(args):
    out_shapes = (
        jax.ShapeDtypeStruct((_NTOK, _LAT), _F32),
        jax.ShapeDtypeStruct((1, 1), _F32),
        jax.ShapeDtypeStruct((_NTOK, 1), _I32),
        jax.ShapeDtypeStruct((1, _NCLU), _I32),
        jax.ShapeDtypeStruct((1, _NCLU), _I32),
    )
    def body(*refs):
        _fwd_body(refs[:len(args)], refs[len(args):])
    return pl.pallas_call(
        body,
        out_shape=out_shapes,
    )(*args)


_NC, _NS = 2, 16
_ROWS_PER_W = _NTOK // (_NC * _NS)


@functools.cache
def _make_sc_scatter():
    mesh = plsc.VectorSubcoreMesh(core_axis_name="c", subcore_axis_name="s")

    @functools.partial(
        pl.kernel,
        out_type=jax.ShapeDtypeStruct((_PTOT_ALLOC, _LAT), _F32),
        mesh=mesh,
        scratch_types=[
            pltpu.VMEM((_ROWS_PER_W,), _I32),
            pltpu.VMEM((_ROWS_PER_W, _LAT), _F32),
            pltpu.SemaphoreType.DMA,
        ],
    )
    def _sc_scatter(lat_hbm, pos_hbm, out_hbm, idx_v, rows_v, sem):
        wid = lax.axis_index("s") * _NC + lax.axis_index("c")
        base = wid * _ROWS_PER_W
        pltpu.sync_copy(pos_hbm.at[pl.ds(base, _ROWS_PER_W)], idx_v)
        pltpu.sync_copy(lat_hbm.at[pl.ds(base, _ROWS_PER_W)], rows_v)
        pltpu.async_copy(rows_v, out_hbm.at[idx_v], sem).wait()

    return _sc_scatter


def _scatter_rows(lat, pos):
    return _make_sc_scatter()(lat, pos)


def _kmeans_body(counts_ref, pstart_ref, ct_ref, xp_ref, out_ref,
                 C, prev, num, den, D, cn_ref, sc_ref, T):
    ct0 = ct_ref[...]
    C[...] = ct0
    cn_ref[...] = jnp.sum(ct0 * ct0, axis=0, keepdims=True)
    sc_ref[...] = jnp.sum(ct0, axis=0, keepdims=True)
    liota = lax.broadcasted_iota(_I32, (_LAT, _NCLU), 1)
    l512 = lax.broadcasted_iota(_I32, (1, _NCLU), 1)
    out_ref[...] = jnp.zeros((1, 1), _F32)

    def _sel(lanej, v):
        return jnp.sum(jnp.where(lanej, v, 0.0), axis=1, keepdims=True)

    def _seg_fast(M, j, cnt, ps):
        lanej = l512 == j
        vrow = lax.broadcasted_iota(_I32, (M, 1), 0) < cnt
        xc = jnp.where(vrow, xp_ref[pl.ds(ps, M), :], 0.0)
        xsq = jnp.sum(xc * xc, axis=1, keepdims=True)
        xsum = jnp.sum(xc, axis=1, keepdims=True)
        gram = _dgT(xc, xc)
        cn = cn_ref[...]
        dis0 = xsq + cn - 2.0 * _dg(xc, C[...])
        cnj0 = _sel(lanej, cn)
        discol0 = _sel(lanej, dis0)
        gj0 = (xsq + cnj0 - discol0) * 0.5
        xcv = gj0 - _EPS * xsum
        scj0 = _sel(lanej, sc_ref[...])
        vsq = cnj0 - (2.0 * _EPS) * scj0 + (_LAT * _EPS * _EPS)
        carry_t = False
        if not carry_t:
            T[pl.ds(0, M), :] = jnp.zeros((M, _NCLU), _F32)

        init = (jnp.int32(0), jnp.float32(0.0), gj0, cnj0,
                jnp.zeros((M, 1), _F32), jnp.ones((1, 1), _F32))
        if carry_t:
            init = init + (jnp.zeros((M, _NCLU), _F32),)

        def w_cond(s):
            it, shift = s[0], s[1]
            return (it == 0) | ((shift * shift >= _TOL) & (it < _ITER_LIMIT))

        def w_body(s):
            it, _, gj, cnj = s[0], s[1], s[2], s[3]
            tprev = s[6] if carry_t else T[pl.ds(0, M), :]
            dis = jnp.where(lanej, xsq + cnj - 2.0 * gj, dis0)
            mn = jnp.min(jnp.min(jnp.where(vrow, dis, jnp.inf),
                                 axis=0, keepdims=True), axis=1, keepdims=True)
            mx = jnp.max(jnp.max(jnp.where(vrow, dis, -jnp.inf),
                                 axis=0, keepdims=True), axis=1, keepdims=True)
            inv = 1.0 / (mx - mn)
            x = -_GAMMA * ((dis - mn) * inv)
            e = 1.0 + x * (1.0 + x * (0.5 + x * (1.0 / 6.0)))
            rs = 1.0 / jnp.sum(e, axis=1, keepdims=True)
            soft = jnp.where(vrow, e * rs + _EPS, 0.0)
            dn = jnp.sum(soft, axis=0, keepdims=True)
            t = soft * (1.0 / dn)
            dt = t - tprev
            ssq = jnp.sum(dt * _dg(gram, dt), axis=0, keepdims=True)
            corr = vsq - 2.0 * jnp.sum(t * xcv, axis=0, keepdims=True)
            ssq = ssq + jnp.where(it == 0, corr, jnp.zeros_like(corr))
            shift = jnp.sum(jnp.sqrt(jnp.maximum(ssq, 0.0)))
            softcol = _sel(lanej, soft)
            dj = _sel(lanej, dn)
            rdj = 1.0 / dj
            gs = _dg(gram, softcol)
            nsq = jnp.sum(softcol * gs, axis=0, keepdims=True)
            sxs = jnp.sum(softcol * xsum, axis=0, keepdims=True)
            cnj_n = (nsq * rdj * rdj + (2.0 * _EPS) * sxs * rdj
                     + (_LAT * _EPS * _EPS))
            gj_n = gs * rdj + _EPS * xsum
            if not carry_t:
                T[pl.ds(0, M), :] = t
            nxt = (it + 1, shift, gj_n, cnj_n, softcol, dj)
            if carry_t:
                nxt = nxt + (t,)
            return nxt

        fin = lax.while_loop(w_cond, w_body, init)
        gjf, cnjf, softcol, dj = fin[2], fin[3], fin[4], fin[5]

        rdj = 1.0 / dj
        cjf = _dgL(xc, softcol) * rdj + _EPS
        C[...] = jnp.where(liota == j, jnp.broadcast_to(cjf, (_LAT, _NCLU)),
                           C[...])
        cn_ref[...] = jnp.where(lanej, cnjf, cn_ref[...])
        sc_ref[...] = jnp.where(lanej, jnp.sum(cjf, axis=0, keepdims=True),
                                sc_ref[...])
        contrib = jnp.where(vrow, xsq - 2.0 * gjf + cnjf, 0.0)
        out_ref[...] = out_ref[...] + jnp.sum(contrib)

    def cluster_step(j, carry):
        cnt = counts_ref[0, j]
        ps = pl.multiple_of(pstart_ref[0, j], _CK)
        nch = (cnt + (_CK - 1)) // _CK

        @pl.when((cnt > 0) & (cnt <= _CK))
        def _():
            _seg_fast(_CK, j, cnt, ps)

        @pl.when((cnt > _CK) & (cnt <= 32))
        def _():
            _seg_fast(32, j, cnt, ps)

        @pl.when((cnt > 32) & (cnt <= 64))
        def _():
            _seg_fast(64, j, cnt, ps)

        @pl.when((cnt > 64) & (cnt <= _CM))
        def _():
            _seg_fast(_CM, j, cnt, ps)

        @pl.when(cnt > _CM)
        def _():
            ohc = (lax.broadcasted_iota(_I32, (_NCLU, 1), 0) == j).astype(_F32)
            cj0 = _dg(C[...], ohc)
            prev[...] = jnp.broadcast_to(cj0, (_LAT, _NCLU))

            def w_cond(s):
                it, shift = s
                return (it == 0) | ((shift * shift >= _TOL) & (it < _ITER_LIMIT))

            def w_body(s):
                it, _ = s
                ct = C[...]
                cn = jnp.sum(ct * ct, axis=0, keepdims=True)

                def p1(c, mm):
                    mn, mx = mm
                    xc = xp_ref[pl.ds(ps + c * _CK, _CK), :]
                    vrow = (lax.broadcasted_iota(_I32, (_CK, 1), 0)
                            + c * _CK) < cnt
                    xc = jnp.where(vrow, xc, 0.0)
                    xsq = jnp.sum(xc * xc, axis=1, keepdims=True)
                    dis = xsq + cn - 2.0 * _dg(xc, ct)
                    D[pl.ds(c * _CK, _CK), :] = dis
                    mn = jnp.minimum(mn, jnp.min(jnp.where(vrow, dis, jnp.inf)))
                    mx = jnp.maximum(mx, jnp.max(jnp.where(vrow, dis, -jnp.inf)))
                    return mn, mx

                mn, mx = lax.fori_loop(0, nch, p1,
                                       (jnp.float32(np.inf),
                                        jnp.float32(-np.inf)))
                num[...] = jnp.zeros((_LAT, _NCLU), _F32)
                den[...] = jnp.zeros((1, _NCLU), _F32)
                inv = 1.0 / (mx - mn)

                def p2(c, _):
                    dis = D[pl.ds(c * _CK, _CK), :]
                    vrow = (lax.broadcasted_iota(_I32, (_CK, 1), 0)
                            + c * _CK) < cnt
                    xc = jnp.where(vrow, xp_ref[pl.ds(ps + c * _CK, _CK), :],
                                   0.0)
                    disn = (dis - mn) * inv
                    e = jnp.exp(-_GAMMA * disn)
                    rs = jnp.sum(e, axis=1, keepdims=True)
                    soft = jnp.where(vrow, e / rs + _EPS, 0.0)
                    num[...] += _dgL(xc, soft)
                    den[...] += jnp.sum(soft, axis=0, keepdims=True)
                    return 0

                lax.fori_loop(0, nch, p2, 0)
                ns = num[...] / den[...] + _EPS
                diff = ns - prev[...]
                ssq = jnp.sum(diff * diff, axis=0, keepdims=True)
                shift = jnp.sum(jnp.sqrt(ssq))
                C[...] = jnp.where(liota == j, ns, C[...])
                prev[...] = ns
                return it + 1, shift

            lax.while_loop(w_cond, w_body, (jnp.int32(0), jnp.float32(0.0)))

            cjf = _dg(C[...], ohc)
            cnj = jnp.sum(cjf * cjf)
            cn_ref[...] = jnp.where(l512 == j, cnj, cn_ref[...])
            sc_ref[...] = jnp.where(l512 == j, jnp.sum(cjf), sc_ref[...])

            def pd(c, acc):
                xc = xp_ref[pl.ds(ps + c * _CK, _CK), :]
                vrow = (lax.broadcasted_iota(_I32, (_CK, 1), 0)
                        + c * _CK) < cnt
                xc = jnp.where(vrow, xc, 0.0)
                xsq = jnp.sum(xc * xc, axis=1, keepdims=True)
                gj = _dg(xc, cjf)
                contrib = jnp.where(vrow, xsq - 2.0 * gj + cnj, 0.0)
                return acc + jnp.sum(contrib)

            dsum = lax.fori_loop(0, nch, pd, jnp.float32(0.0))
            out_ref[...] = out_ref[...] + dsum

        return carry

    lax.fori_loop(0, _NCLU, cluster_step, 0)


def _kmeans_call(counts, pstart, clusters_t, xp):
    return pl.pallas_call(
        _kmeans_body,
        out_shape=jax.ShapeDtypeStruct((1, 1), _F32),
        in_specs=[
            pl.BlockSpec(memory_space=pltpu.SMEM),
            pl.BlockSpec(memory_space=pltpu.SMEM),
            pl.BlockSpec(),
            pl.BlockSpec(),
        ],
        scratch_shapes=[
            pltpu.VMEM((_LAT, _NCLU), _F32),
            pltpu.VMEM((_LAT, _NCLU), _F32),
            pltpu.VMEM((_LAT, _NCLU), _F32),
            pltpu.VMEM((1, _NCLU), _F32),
            pltpu.VMEM((_NTOK, _NCLU), _F32),
            pltpu.VMEM((1, _NCLU), _F32),
            pltpu.VMEM((1, _NCLU), _F32),
            pltpu.VMEM((_CM, _NCLU), _F32),
        ],
    )(counts, pstart, clusters_t, xp)


def kernel(data, enc, dec, clusters):
    data2 = jnp.transpose(data, (0, 2, 1)).reshape(-1, _IN_DIM)
    r1 = lambda v: v.reshape(1, -1)
    args = (
        data2,
        enc['W0'], r1(enc['b0']),
        enc['W1'], r1(enc['b1']), r1(enc['g1']), r1(enc['bt1']),
        enc['W2'], r1(enc['b2']), r1(enc['g2']), r1(enc['bt2']),
        enc['W3'], r1(enc['b3']), r1(enc['g3']), r1(enc['bt3']),
        dec['W0'], r1(dec['b0']), r1(dec['g0']), r1(dec['bt0']),
        dec['W1'], r1(dec['b1']), r1(dec['g1']), r1(dec['bt1']),
        dec['W2'], r1(dec['b2']), r1(dec['g2']), r1(dec['bt2']),
        dec['W3'], r1(dec['b3']),
        clusters,
    )
    lat, rec_sum, pos, counts, pstart = _fwd_call(args)
    xp = _scatter_rows(lat, pos.reshape(_NTOK))
    dist_sum = _kmeans_call(counts, pstart, clusters.T, xp)
    rec_loss = rec_sum[0, 0] * (1.0 / (_NTOK * _IN_DIM))
    dist_loss = 0.5 * _BETA * dist_sum[0, 0] * (1.0 / _NTOK)
    return _LAMDA * rec_loss + _BETA * dist_loss

# --- scband reference (transcript-rebuilt; emitter-appended) ---
"""Pipeline reference for scband-dcn-70523363000935 (READ-ONLY COPY).

The authoritative reference and input builder live on the scoring server;
editing this copy changes nothing except your own understanding.
"""

import jax, jax.numpy as jnp
import numpy as np

IN_DIM = 256
N_CLUSTERS = 512
LATENT = 256
BETA = 1.0
LAMDA = 1.0
GAMMA = 0.01
EPS = 1e-10
BN_EPS = 1e-5


def _linear_init(key, out_d, in_d):
    k1, k2 = jax.random.split(key)
    bound = 1.0 / np.sqrt(in_d)
    W = jax.random.uniform(k1, (out_d, in_d), minval=-bound, maxval=bound, dtype=jnp.float32)
    b = jax.random.uniform(k2, (out_d,), minval=-bound, maxval=bound, dtype=jnp.float32)
    return W, b


def setup_inputs(seed: int = 0) -> dict:
    key = jax.random.key(seed)
    ks = jax.random.split(key, 12)
    data = jax.random.normal(ks[0], (4, IN_DIM, 256), dtype=jnp.float32)
    edims = [IN_DIM, 500, 500, 2000, LATENT]
    enc = {}
    for i in range(4):
        W, b = _linear_init(ks[1 + i], edims[i + 1], edims[i])
        enc['W%d' % i] = W
        enc['b%d' % i] = b
        if i > 0:
            enc['g%d' % i] = jnp.ones((edims[i + 1],), dtype=jnp.float32)
            enc['bt%d' % i] = jnp.zeros((edims[i + 1],), dtype=jnp.float32)
    ddims = [LATENT, 2000, 500, 500, IN_DIM]
    dec = {}
    for i in range(4):
        W, b = _linear_init(ks[5 + i], ddims[i + 1], ddims[i])
        dec['W%d' % i] = W
        dec['b%d' % i] = b
        if i < 3:
            dec['g%d' % i] = jnp.ones((ddims[i + 1],), dtype=jnp.float32)
            dec['bt%d' % i] = jnp.zeros((ddims[i + 1],), dtype=jnp.float32)
    clusters = jax.random.normal(ks[9], (N_CLUSTERS, LATENT), dtype=jnp.float32)
    return {'data': data, 'enc': enc, 'dec': dec, 'clusters': clusters}


def _bn(x, g, b):
    mean = jnp.mean(x, axis=0)
    var = jnp.mean((x - mean) ** 2, axis=0)
    return (x - mean) / jnp.sqrt(var + BN_EPS) * g + b


def _ae_forward(x, enc, dec, latent=False):
    h = jax.nn.relu(x @ enc['W0'].T + enc['b0'])
    for i in (1, 2, 3):
        h = jax.nn.relu(h @ enc['W%d' % i].T + enc['b%d' % i])
        h = _bn(h, enc['g%d' % i], enc['bt%d' % i])
    lat = h
    if latent:
        return lat
    d = lat
    for i in (0, 1, 2):
        d = jax.nn.relu(d @ dec['W%d' % i].T + dec['b%d' % i])
        d = _bn(d, dec['g%d' % i], dec['bt%d' % i])
    out = d @ dec['W3'].T + dec['b3']
    return out, lat


def compute_dist(d1, d2):
    r = d1[:, :, None] - d2.T[None, :, :]
    dis = jnp.sum(r ** 2.0, axis=1)
    mn = jnp.min(dis)
    mx = jnp.max(dis)
    return (dis - mn) / (mx - mn)


def kmeans_iteration(X, mask, j, clusters, tol=1e-4, iter_limit=10):
    maskf = mask.astype(X.dtype)
    prev0 = jnp.broadcast_to(
        jax.lax.dynamic_slice_in_dim(clusters, j, 1, axis=0), clusters.shape
    )

    def body(state):
        it, clusters, prev, _ = state
        r = X[:, :, None] - clusters.T[None, :, :]
        dis = jnp.sum(r ** 2.0, axis=1)
        mn = jnp.min(jnp.where(mask[:, None], dis, jnp.inf))
        mx = jnp.max(jnp.where(mask[:, None], dis, -jnp.inf))
        disn = (dis - mn) / (mx - mn)
        e = jnp.exp(-GAMMA * disn)
        soft = (e.T / jnp.sum(e, axis=1) + EPS).T
        softm = soft * maskf[:, None]
        new_state = (jnp.matmul(softm.T, X).T / jnp.sum(softm, axis=0) + EPS).T
        shift = jnp.sum(jnp.sqrt(jnp.sum((new_state - prev) ** 2, axis=1)))
        clusters = clusters.at[j].set(new_state[j])
        return (it + 1, clusters, new_state, shift)

    def cond(state):
        it, _, _, shift = state
        return (it == 0) | ((shift ** 2 >= tol) & (it < iter_limit))

    init = (jnp.int32(0), clusters, prev0, jnp.float32(0.0))
    _, clusters, _, _ = jax.lax.while_loop(cond, body, init)
    return clusters


def train_batch_kmeans(embeddings, labels, clusters):
    def body(j, clusters):
        mask = labels == j
        return jax.lax.cond(
            jnp.any(mask),
            lambda c: kmeans_iteration(embeddings, mask, j, c),
            lambda c: c,
            clusters,
        )
    return jax.lax.fori_loop(0, clusters.shape[0], body, clusters)


def reference(data, enc, dec, clusters):
    data2 = jnp.transpose(data, (0, 2, 1)).reshape(-1, IN_DIM)
    latent_X = _ae_forward(data2, enc, dec, latent=True)
    cluster_id = jnp.argmin(compute_dist(latent_X, clusters), axis=1)
    new_emb, lat = _ae_forward(data2, enc, dec)
    clusters_upd = train_batch_kmeans(lat, cluster_id, clusters)
    ca = jnp.take(clusters_upd, cluster_id, axis=0)
    sub = lat - ca
    var2 = 0.5 * BETA * jnp.sum(sub ** 2, axis=1, keepdims=True)
    dist_loss = jnp.sum(var2) / lat.shape[0]
    rec_loss = jnp.mean((data2 - new_emb) ** 2)
    return LAMDA * rec_loss + BETA * dist_loss

if __name__ == "__main__":
    import jax
    _d = setup_inputs()
    print(jax.jit(kernel)(*tuple(_d.values())))

</pallas_src>

<mosaic_0001>
#map = affine_map<(d0, d1) -> (0, 0)>
#map1 = affine_map<(d0, d1) -> (0)>
module attributes {stable_mosaic.version = 14 : i64} {
  func.func @_sc_scatter(%arg0: i32, %arg1: i32, %arg2: memref<1024x256xf32, #tpu.memory_space<hbm>>, %arg3: memref<1024xi32, #tpu.memory_space<hbm>>, %arg4: memref<8816x256xf32, #tpu.memory_space<hbm>>, %arg5: memref<32xi32, #tpu.memory_space<vmem>>, %arg6: memref<32x256xf32, #tpu.memory_space<vmem>>, %arg7: memref<!tpu.dma_semaphore, #tpu.memory_space<semaphore_mem>>) attributes {dimension_semantics = [#tpu.dimension_semantics<core_parallel>, #tpu.dimension_semantics<subcore_parallel>], iteration_bounds = array<i64: 2, 16>, scalar_prefetch = 0 : i64, scratch_operands = 3 : i64, tpu.core_type = #tpu.core_type<sc_vector_subcore>, window_params = [{transform_indices = #map}, {transform_indices = #map1}, {transform_indices = #map}]} {
    %mul3A = arith.constant 2 : i32
    %mul3A_0 = arith.muli %arg1, %mul3A : i32
    %add3A = arith.addi %mul3A_0, %arg0 : i32
    %mul3A_1 = arith.constant 32 : i32
    %mul3A_2 = arith.muli %add3A, %mul3A_1 : i32
    "tpu.region"() ({
      %run_scoped3A = tpu.sem_alloc : memref<!tpu.dma_semaphore, #tpu.memory_space<semaphore_mem>>
      %dma_start3A_7 = tpu.memref_slice %arg3[%mul3A_2] : memref<1024xi32, #tpu.memory_space<hbm>> -> memref<32xi32, #tpu.memory_space<hbm>>
      %dma_start3A_8 = tpu.memref_slice %arg3[%mul3A_2] : memref<1024xi32, #tpu.memory_space<hbm>> -> memref<32xi32, #tpu.memory_space<hbm>>
      tpu.enqueue_dma source(%dma_start3A_8 : memref<32xi32, #tpu.memory_space<hbm>>) target(%arg5 : memref<32xi32, #tpu.memory_space<vmem>>) target_semaphore(%run_scoped3A : memref<!tpu.dma_semaphore, #tpu.memory_space<semaphore_mem>>)
      %dma_wait3A_9 = tpu.memref_slice %arg3[%mul3A_2] : memref<1024xi32, #tpu.memory_space<hbm>> -> memref<32xi32, #tpu.memory_space<hbm>>
      %dma_wait3A_10 = tpu.memref_slice %arg3[%mul3A_2] : memref<1024xi32, #tpu.memory_space<hbm>> -> memref<32xi32, #tpu.memory_space<hbm>>
      tpu.wait_dma2 semaphore(%run_scoped3A : memref<!tpu.dma_semaphore, #tpu.memory_space<semaphore_mem>>) src(%dma_wait3A_10 : memref<32xi32, #tpu.memory_space<hbm>>) dst(%arg5 : memref<32xi32, #tpu.memory_space<vmem>>)
      tpu.yield
    }) : () -> ()
    "tpu.region"() ({
      %run_scoped3A = tpu.sem_alloc : memref<!tpu.dma_semaphore, #tpu.memory_space<semaphore_mem>>
      %dma_start3A_7 = arith.constant 0 : i32
      %dma_start3A_8 = tpu.memref_slice %arg2[%mul3A_2, %dma_start3A_7] : memref<1024x256xf32, #tpu.memory_space<hbm>> -> memref<32x256xf32, #tpu.memory_space<hbm>>
      %dma_start3A_9 = arith.constant 0 : i32
      %dma_start3A_10 = tpu.memref_slice %arg2[%mul3A_2, %dma_start3A_9] : memref<1024x256xf32, #tpu.memory_space<hbm>> -> memref<32x256xf32, #tpu.memory_space<hbm>>
      tpu.enqueue_dma source(%dma_start3A_10 : memref<32x256xf32, #tpu.memory_space<hbm>>) target(%arg6 : memref<32x256xf32, #tpu.memory_space<vmem>>) target_semaphore(%run_scoped3A : memref<!tpu.dma_semaphore, #tpu.memory_space<semaphore_mem>>)
      %dma_wait3A_11 = arith.constant 0 : i32
      %dma_wait3A_12 = tpu.memref_slice %arg2[%mul3A_2, %dma_wait3A_11] : memref<1024x256xf32, #tpu.memory_space<hbm>> -> memref<32x256xf32, #tpu.memory_space<hbm>>
      %dma_wait3A_13 = arith.constant 0 : i32
      %dma_wait3A_14 = tpu.memref_slice %arg2[%mul3A_2, %dma_wait3A_13] : memref<1024x256xf32, #tpu.memory_space<hbm>> -> memref<32x256xf32, #tpu.memory_space<hbm>>
      tpu.wait_dma2 semaphore(%run_scoped3A : memref<!tpu.dma_semaphore, #tpu.memory_space<semaphore_mem>>) src(%dma_wait3A_14 : memref<32x256xf32, #tpu.memory_space<hbm>>) dst(%arg6 : memref<32x256xf32, #tpu.memory_space<vmem>>)
      tpu.yield
    }) : () -> ()
    %dma_start3A = arith.constant 0 : i32
    %dma_start3A_3 = arith.constant 0 : i32
    %dma_start3A_4 = tpu.memref_slice %arg4[%dma_start3A, %dma_start3A_3] : memref<8816x256xf32, #tpu.memory_space<hbm>> -> memref<8816x256xf32, #tpu.memory_space<hbm>>
    tpu.enqueue_indirect_dma source(%arg6 : memref<32x256xf32, #tpu.memory_space<vmem>>) target(%dma_start3A_4 : memref<8816x256xf32, #tpu.memory_space<hbm>>) offsets(%arg5 : memref<32xi32, #tpu.memory_space<vmem>>) semaphore(%arg7 : memref<!tpu.dma_semaphore, #tpu.memory_space<semaphore_mem>>)
    %dma_wait3A = arith.constant 0 : i32
    %dma_wait3A_5 = arith.constant 0 : i32
    %dma_wait3A_6 = tpu.memref_slice %arg4[%dma_wait3A, %dma_wait3A_5] : memref<8816x256xf32, #tpu.memory_space<hbm>> -> memref<8816x256xf32, #tpu.memory_space<hbm>>
    tpu.wait_indirect_dma semaphore(%arg7 : memref<!tpu.dma_semaphore, #tpu.memory_space<semaphore_mem>>) src(%arg6 : memref<32x256xf32, #tpu.memory_space<vmem>>) dst(%dma_wait3A_6 : memref<8816x256xf32, #tpu.memory_space<hbm>>)
    return
  }
}

module attributes {stable_mosaic.version = 14 : i64} {
  func.func @body(%arg0: memref<1024x256xf32, #tpu.memory_space<vmem>>, %arg1: memref<500x256xf32, #tpu.memory_space<vmem>>, %arg2: memref<1x500xf32, #tpu.memory_space<vmem>>, %arg3: memref<500x500xf32, #tpu.memory_space<vmem>>, %arg4: memref<1x500xf32, #tpu.memory_space<vmem>>, %arg5: memref<1x500xf32, #tpu.memory_space<vmem>>, %arg6: memref<1x500xf32, #tpu.memory_space<vmem>>, %arg7: memref<2000x500xf32, #tpu.memory_space<vmem>>, %arg8: memref<1x2000xf32, #tpu.memory_space<vmem>>, %arg9: memref<1x2000xf32, #tpu.memory_space<vmem>>, %arg10: memref<1x2000xf32, #tpu.memory_space<vmem>>, %arg11: memref<256x2000xf32, #tpu.memory_space<vmem>>, %arg12: memref<1x256xf32, #tpu.memory_space<vmem>>, %arg13: memref<1x256xf32, #tpu.memory_space<vmem>>, %arg14: memref<1x256xf32, #tpu.memory_space<vmem>>, %arg15: memref<2000x256xf32, #tpu.memory_space<vmem>>, %arg16: memref<1x2000xf32, #tpu.memory_space<vmem>>, %arg17: memref<1x2000xf32, #tpu.memory_space<vmem>>, %arg18: memref<1x2000xf32, #tpu.memory_space<vmem>>, %arg19: memref<500x2000xf32, #tpu.memory_space<vmem>>, %arg20: memref<1x500xf32, #tpu.memory_space<vmem>>, %arg21: memref<1x500xf32, #tpu.memory_space<vmem>>, %arg22: memref<1x500xf32, #tpu.memory_space<vmem>>, %arg23: memref<500x500xf32, #tpu.memory_space<vmem>>, %arg24: memref<1x500xf32, #tpu.memory_space<vmem>>, %arg25: memref<1x500xf32, #tpu.memory_space<vmem>>, %arg26: memref<1x500xf32, #tpu.memory_space<vmem>>, %arg27: memref<256x500xf32, #tpu.memory_space<vmem>>, %arg28: memref<1x256xf32, #tpu.memory_space<vmem>>, %arg29: memref<512x256xf32, #tpu.memory_space<vmem>>, %arg30: memref<1024x256xf32, #tpu.memory_space<vmem>>, %arg31: memref<1x1xf32, #tpu.memory_space<vmem>>, %arg32: memref<1024x1xi32, #tpu.memory_space<vmem>>, %arg33: memref<1x512xi32, #tpu.memory_space<vmem>>, %arg34: memref<1x512xi32, #tpu.memory_space<vmem>>) attributes {dimension_semantics = [], scalar_prefetch = 0 : i64, scratch_operands = 0 : i64, tpu.core_type = #tpu.core_type<tc>} {
    %get3A = arith.constant 0 : index
    %get3A_0 = arith.constant 0 : index
    %get3A_1 = vector.load %arg0[%get3A, %get3A_0] : memref<1024x256xf32, #tpu.memory_space<vmem>>, vector<1024x256xf32>
    %get3A_2 = arith.constant 0 : index
    %get3A_3 = arith.constant 0 : index
    %get3A_4 = vector.load %arg1[%get3A_2, %get3A_3] : memref<500x256xf32, #tpu.memory_space<vmem>>, vector<500x256xf32>
    %dot_general3A = arith.constant dense<0.000000e+00> : vector<1024x500xf32>
    %dot_general3A_5 = tpu.matmul %get3A_1, %get3A_4, %dot_general3A {dimension_numbers = #tpu.dot_dimension_numbers<[1], [1], [0], [0], [0, 0, 1, 0], [], []>, transpose_lhs_hint = false} : vector<1024x256xf32>, vector<500x256xf32>, vector<1024x500xf32> -> vector<1024x500xf32>
    %get3A_6 = arith.constant 0 : index
    %get3A_7 = arith.constant 0 : index
    %get3A_8 = vector.load %arg2[%get3A_6, %get3A_7] : memref<1x500xf32, #tpu.memory_space<vmem>>, vector<1x500xf32>
    %add3A = vector.broadcast %get3A_8 : vector<1x500xf32> to vector<1024x500xf32>
    %add3A_9 = arith.addf %dot_general3A_5, %add3A : vector<1024x500xf32>
    %max3A = arith.constant 0.000000e+00 : f32
    %max3A_10 = vector.broadcast %max3A : f32 to vector<1024x500xf32>
    %max3A_11 = arith.maximumf %add3A_9, %max3A_10 : vector<1024x500xf32>
    %get3A_12 = arith.constant 0 : index
    %get3A_13 = arith.constant 0 : index
    %get3A_14 = vector.load %arg3[%get3A_12, %get3A_13] : memref<500x500xf32, #tpu.memory_space<vmem>>, vector<500x500xf32>
    %dot_general3A_15 = arith.constant dense<0.000000e+00> : vector<1024x500xf32>
    %dot_general3A_16 = tpu.matmul %max3A_11, %get3A_14, %dot_general3A_15 {dimension_numbers = #tpu.dot_dimension_numbers<[1], [1], [0], [0], [0, 0, 1, 0], [], []>, transpose_lhs_hint = false} : vector<1024x500xf32>, vector<500x500xf32>, vector<1024x500xf32> -> vector<1024x500xf32>
    %get3A_17 = arith.constant 0 : index
    %get3A_18 = arith.constant 0 : index
    %get3A_19 = vector.load %arg4[%get3A_17, %get3A_18] : memref<1x500xf32, #tpu.memory_space<vmem>>, vector<1x500xf32>
    %add3A_20 = vector.broadcast %get3A_19 : vector<1x500xf32> to vector<1024x500xf32>
    %add3A_21 = arith.addf %dot_general3A_16, %add3A_20 : vector<1024x500xf32>
    %max3A_22 = arith.constant 0.000000e+00 : f32
    %max3A_23 = vector.broadcast %max3A_22 : f32 to vector<1024x500xf32>
    %max3A_24 = arith.maximumf %add3A_21, %max3A_23 : vector<1024x500xf32>
    %get3A_25 = arith.constant 0 : index
    %get3A_26 = arith.constant 0 : index
    %get3A_27 = vector.load %arg5[%get3A_25, %get3A_26] : memref<1x500xf32, #tpu.memory_space<vmem>>, vector<1x500xf32>
    %get3A_28 = arith.constant 0 : index
    %get3A_29 = arith.constant 0 : index
    %get3A_30 = vector.load %arg6[%get3A_28, %get3A_29] : memref<1x500xf32, #tpu.memory_space<vmem>>, vector<1x500xf32>
    %reduce_sum3A = arith.constant dense<0.000000e+00> : vector<500xf32>
    %reduce_sum3A_31 = vector.multi_reduction <add>, %max3A_24, %reduce_sum3A [0] : vector<1024x500xf32> to vector<500xf32>
    %broadcast_in_dim3A = vector.shape_cast %reduce_sum3A_31 : vector<500xf32> to vector<1x500xf32>
    %mul3A = arith.constant 9.765625E-4 : f32
    %mul3A_32 = vector.broadcast %mul3A : f32 to vector<1x500xf32>
    %mul3A_33 = arith.mulf %broadcast_in_dim3A, %mul3A_32 : vector<1x500xf32>
    %sub3A = vector.broadcast %mul3A_33 : vector<1x500xf32> to vector<1024x500xf32>
    %sub3A_34 = arith.subf %max3A_24, %sub3A : vector<1024x500xf32>
    %mul3A_35 = arith.mulf %sub3A_34, %sub3A_34 : vector<1024x500xf32>
    %reduce_sum3A_36 = arith.constant dense<0.000000e+00> : vector<500xf32>
    %reduce_sum3A_37 = vector.multi_reduction <add>, %mul3A_35, %reduce_sum3A_36 [0] : vector<1024x500xf32> to vector<500xf32>
    %broadcast_in_dim3A_38 = vector.shape_cast %reduce_sum3A_37 : vector<500xf32> to vector<1x500xf32>
    %mul3A_39 = arith.constant 9.765625E-4 : f32
    %mul3A_40 = vector.broadcast %mul3A_39 : f32 to vector<1x500xf32>
    %mul3A_41 = arith.mulf %broadcast_in_dim3A_38, %mul3A_40 : vector<1x500xf32>
    %add3A_42 = arith.constant 9.99999974E-6 : f32
    %add3A_43 = vector.broadcast %add3A_42 : f32 to vector<1x500xf32>
    %add3A_44 = arith.addf %mul3A_41, %add3A_43 : vector<1x500xf32>
    %sqrt3A = math.sqrt %add3A_44 : vector<1x500xf32>
    %div3A = vector.broadcast %sqrt3A : vector<1x500xf32> to vector<1024x500xf32>
    %div3A_45 = arith.divf %sub3A_34, %div3A : vector<1024x500xf32>
    %mul3A_46 = vector.broadcast %get3A_27 : vector<1x500xf32> to vector<1024x500xf32>
    %mul3A_47 = arith.mulf %div3A_45, %mul3A_46 : vector<1024x500xf32>
    %add3A_48 = vector.broadcast %get3A_30 : vector<1x500xf32> to vector<1024x500xf32>
    %add3A_49 = arith.addf %mul3A_47, %add3A_48 : vector<1024x500xf32>
    %get3A_50 = arith.constant 0 : index
    %get3A_51 = arith.constant 0 : index
    %get3A_52 = vector.load %arg7[%get3A_50, %get3A_51] : memref<2000x500xf32, #tpu.memory_space<vmem>>, vector<2000x500xf32>
    %dot_general3A_53 = arith.constant dense<0.000000e+00> : vector<1024x2000xf32>
    %dot_general3A_54 = tpu.matmul %add3A_49, %get3A_52, %dot_general3A_53 {dimension_numbers = #tpu.dot_dimension_numbers<[1], [1], [0], [0], [0, 0, 1, 0], [], []>, transpose_lhs_hint = false} : vector<1024x500xf32>, vector<2000x500xf32>, vector<1024x2000xf32> -> vector<1024x2000xf32>
    %get3A_55 = arith.constant 0 : index
    %get3A_56 = arith.constant 0 : index
    %get3A_57 = vector.load %arg8[%get3A_55, %get3A_56] : memref<1x2000xf32, #tpu.memory_space<vmem>>, vector<1x2000xf32>
    %add3A_58 = vector.broadcast %get3A_57 : vector<1x2000xf32> to vector<1024x2000xf32>
    %add3A_59 = arith.addf %dot_general3A_54, %add3A_58 : vector<1024x2000xf32>
    %max3A_60 = arith.constant 0.000000e+00 : f32
    %max3A_61 = vector.broadcast %max3A_60 : f32 to vector<1024x2000xf32>
    %max3A_62 = arith.maximumf %add3A_59, %max3A_61 : vector<1024x2000xf32>
    %get3A_63 = arith.constant 0 : index
    %get3A_64 = arith.constant 0 : index
    %get3A_65 = vector.load %arg9[%get3A_63, %get3A_64] : memref<1x2000xf32, #tpu.memory_space<vmem>>, vector<1x2000xf32>
    %get3A_66 = arith.constant 0 : index
    %get3A_67 = arith.constant 0 : index
    %get3A_68 = vector.load %arg10[%get3A_66, %get3A_67] : memref<1x2000xf32, #tpu.memory_space<vmem>>, vector<1x2000xf32>
    %reduce_sum3A_69 = arith.constant dense<0.000000e+00> : vector<2000xf32>
    %reduce_sum3A_70 = vector.multi_reduction <add>, %max3A_62, %reduce_sum3A_69 [0] : vector<1024x2000xf32> to vector<2000xf32>
    %broadcast_in_dim3A_71 = vector.shape_cast %reduce_sum3A_70 : vector<2000xf32> to vector<1x2000xf32>
    %mul3A_72 = arith.constant 9.765625E-4 : f32
    %mul3A_73 = vector.broadcast %mul3A_72 : f32 to vector<1x2000xf32>
    %mul3A_74 = arith.mulf %broadcast_in_dim3A_71, %mul3A_73 : vector<1x2000xf32>
    %sub3A_75 = vector.broadcast %mul3A_74 : vector<1x2000xf32> to vector<1024x2000xf32>
    %sub3A_76 = arith.subf %max3A_62, %sub3A_75 : vector<1024x2000xf32>
    %mul3A_77 = arith.mulf %sub3A_76, %sub3A_76 : vector<1024x2000xf32>
    %reduce_sum3A_78 = arith.constant dense<0.000000e+00> : vector<2000xf32>
    %reduce_sum3A_79 = vector.multi_reduction <add>, %mul3A_77, %reduce_sum3A_78 [0] : vector<1024x2000xf32> to vector<2000xf32>
    %broadcast_in_dim3A_80 = vector.shape_cast %reduce_sum3A_79 : vector<2000xf32> to vector<1x2000xf32>
    %mul3A_81 = arith.constant 9.765625E-4 : f32
    %mul3A_82 = vector.broadcast %mul3A_81 : f32 to vector<1x2000xf32>
    %mul3A_83 = arith.mulf %broadcast_in_dim3A_80, %mul3A_82 : vector<1x2000xf32>
    %add3A_84 = arith.constant 9.99999974E-6 : f32
    %add3A_85 = vector.broadcast %add3A_84 : f32 to vector<1x2000xf32>
    %add3A_86 = arith.addf %mul3A_83, %add3A_85 : vector<1x2000xf32>
    %sqrt3A_87 = math.sqrt %add3A_86 : vector<1x2000xf32>
    %div3A_88 = vector.broadcast %sqrt3A_87 : vector<1x2000xf32> to vector<1024x2000xf32>
    %div3A_89 = arith.divf %sub3A_76, %div3A_88 : vector<1024x2000xf32>
    %mul3A_90 = vector.broadcast %get3A_65 : vector<1x2000xf32> to vector<1024x2000xf32>
    %mul3A_91 = arith.mulf %div3A_89, %mul3A_90 : vector<1024x2000xf32>
    %add3A_92 = vector.broadcast %get3A_68 : vector<1x2000xf32> to vector<1024x2000xf32>
    %add3A_93 = arith.addf %mul3A_91, %add3A_92 : vector<1024x2000xf32>
    %get3A_94 = arith.constant 0 : index
    %get3A_95 = arith.constant 0 : index
    %get3A_96 = vector.load %arg11[%get3A_94, %get3A_95] : memref<256x2000xf32, #tpu.memory_space<vmem>>, vector<256x2000xf32>
    %dot_general3A_97 = arith.constant dense<0.000000e+00> : vector<1024x256xf32>
    %dot_general3A_98 = tpu.matmul %add3A_93, %get3A_96, %dot_general3A_97 {dimension_numbers = #tpu.dot_dimension_numbers<[1], [1], [0], [0], [0, 0, 1, 0], [], []>, transpose_lhs_hint = false} : vector<1024x2000xf32>, vector<256x2000xf32>, vector<1024x256xf32> -> vector<1024x256xf32>
    %get3A_99 = arith.constant 0 : index
    %get3A_100 = arith.constant 0 : index
    %get3A_101 = vector.load %arg12[%get3A_99, %get3A_100] : memref<1x256xf32, #tpu.memory_space<vmem>>, vector<1x256xf32>
    %add3A_102 = vector.broadcast %get3A_101 : vector<1x256xf32> to vector<1024x256xf32>
    %add3A_103 = arith.addf %dot_general3A_98, %add3A_102 : vector<1024x256xf32>
    %max3A_104 = arith.constant 0.000000e+00 : f32
    %max3A_105 = vector.broadcast %max3A_104 : f32 to vector<1024x256xf32>
    %max3A_106 = arith.maximumf %add3A_103, %max3A_105 : vector<1024x256xf32>
    %get3A_107 = arith.constant 0 : index
    %get3A_108 = arith.constant 0 : index
    %get3A_109 = vector.load %arg13[%get3A_107, %get3A_108] : memref<1x256xf32, #tpu.memory_space<vmem>>, vector<1x256xf32>
    %get3A_110 = arith.constant 0 : index
    %get3A_111 = arith.constant 0 : index
    %get3A_112 = vector.load %arg14[%get3A_110, %get3A_111] : memref<1x256xf32, #tpu.memory_space<vmem>>, vector<1x256xf32>
    %reduce_sum3A_113 = arith.constant dense<0.000000e+00> : vector<256xf32>
    %reduce_sum3A_114 = vector.multi_reduction <add>, %max3A_106, %reduce_sum3A_113 [0] : vector<1024x256xf32> to vector<256xf32>
    %broadcast_in_dim3A_115 = vector.shape_cast %reduce_sum3A_114 : vector<256xf32> to vector<1x256xf32>
    %mul3A_116 = arith.constant 9.765625E-4 : f32
    %mul3A_117 = vector.broadcast %mul3A_116 : f32 to vector<1x256xf32>
    %mul3A_118 = arith.mulf %broadcast_in_dim3A_115, %mul3A_117 : vector<1x256xf32>
    %sub3A_119 = vector.broadcast %mul3A_118 : vector<1x256xf32> to vector<1024x256xf32>
    %sub3A_120 = arith.subf %max3A_106, %sub3A_119 : vector<1024x256xf32>
    %mul3A_121 = arith.mulf %sub3A_120, %sub3A_120 : vector<1024x256xf32>
    %reduce_sum3A_122 = arith.constant dense<0.000000e+00> : vector<256xf32>
    %reduce_sum3A_123 = vector.multi_reduction <add>, %mul3A_121, %reduce_sum3A_122 [0] : vector<1024x256xf32> to vector<256xf32>
    %broadcast_in_dim3A_124 = vector.shape_cast %reduce_sum3A_123 : vector<256xf32> to vector<1x256xf32>
    %mul3A_125 = arith.constant 9.765625E-4 : f32
    %mul3A_126 = vector.broadcast %mul3A_125 : f32 to vector<1x256xf32>
    %mul3A_127 = arith.mulf %broadcast_in_dim3A_124, %mul3A_126 : vector<1x256xf32>
    %add3A_128 = arith.constant 9.99999974E-6 : f32
    %add3A_129 = vector.broadcast %add3A_128 : f32 to vector<1x256xf32>
    %add3A_130 = arith.addf %mul3A_127, %add3A_129 : vector<1x256xf32>
    %sqrt3A_131 = math.sqrt %add3A_130 : vector<1x256xf32>
    %div3A_132 = vector.broadcast %sqrt3A_131 : vector<1x256xf32> to vector<1024x256xf32>
    %div3A_133 = arith.divf %sub3A_120, %div3A_132 : vector<1024x256xf32>
    %mul3A_134 = vector.broadcast %get3A_109 : vector<1x256xf32> to vector<1024x256xf32>
    %mul3A_135 = arith.mulf %div3A_133, %mul3A_134 : vector<1024x256xf32>
    %add3A_136 = vector.broadcast %get3A_112 : vector<1x256xf32> to vector<1024x256xf32>
    %add3A_137 = arith.addf %mul3A_135, %add3A_136 : vector<1024x256xf32>
    %swap3A = arith.constant 0 : index
    %swap3A_138 = arith.constant 0 : index
    %swap3A_139 = vector.load %arg30[%swap3A, %swap3A_138] : memref<1024x256xf32, #tpu.memory_space<vmem>>, vector<1024x256xf32>
    tpu.vector_store %arg30[%swap3A, %swap3A_138], %add3A_137 {strides = array<i32>} : memref<1024x256xf32, #tpu.memory_space<vmem>>, vector<1024x256xf32>,
    %get3A_140 = arith.constant 0 : index
    %get3A_141 = arith.constant 0 : index
    %get3A_142 = vector.load %arg15[%get3A_140, %get3A_141] : memref<2000x256xf32, #tpu.memory_space<vmem>>, vector<2000x256xf32>
    %dot_general3A_143 = arith.constant dense<0.000000e+00> : vector<1024x2000xf32>
    %dot_general3A_144 = tpu.matmul %add3A_137, %get3A_142, %dot_general3A_143 {dimension_numbers = #tpu.dot_dimension_numbers<[1], [1], [0], [0], [0, 0, 1, 0], [], []>, transpose_lhs_hint = false} : vector<1024x256xf32>, vector<2000x256xf32>, vector<1024x2000xf32> -> vector<1024x2000xf32>
    %get3A_145 = arith.constant 0 : index
    %get3A_146 = arith.constant 0 : index
    %get3A_147 = vector.load %arg16[%get3A_145, %get3A_146] : memref<1x2000xf32, #tpu.memory_space<vmem>>, vector<1x2000xf32>
    %add3A_148 = vector.broadcast %get3A_147 : vector<1x2000xf32> to vector<1024x2000xf32>
    %add3A_149 = arith.addf %dot_general3A_144, %add3A_148 : vector<1024x2000xf32>
    %max3A_150 = arith.constant 0.000000e+00 : f32
    %max3A_151 = vector.broadcast %max3A_150 : f32 to vector<1024x2000xf32>
    %max3A_152 = arith.maximumf %add3A_149, %max3A_151 : vector<1024x2000xf32>
    %get3A_153 = arith.constant 0 : index
    %get3A_154 = arith.constant 0 : index
    %get3A_155 = vector.load %arg17[%get3A_153, %get3A_154] : memref<1x2000xf32, #tpu.memory_space<vmem>>, vector<1x2000xf32>
    %get3A_156 = arith.constant 0 : index
    %get3A_157 = arith.constant 0 : index
    %get3A_158 = vector.load %arg18[%get3A_156, %get3A_157] : memref<1x2000xf32, #tpu.memory_space<vmem>>, vector<1x2000xf32>
    %reduce_sum3A_159 = arith.constant dense<0.000000e+00> : vector<2000xf32>
    %reduce_sum3A_160 = vector.multi_reduction <add>, %max3A_152, %reduce_sum3A_159 [0] : vector<1024x2000xf32> to vector<2000xf32>
    %broadcast_in_dim3A_161 = vector.shape_cast %reduce_sum3A_160 : vector<2000xf32> to vector<1x2000xf32>
    %mul3A_162 = arith.constant 9.765625E-4 : f32
    %mul3A_163 = vector.broadcast %mul3A_162 : f32 to vector<1x2000xf32>
    %mul3A_164 = arith.mulf %broadcast_in_dim3A_161, %mul3A_163 : vector<1x2000xf32>
    %sub3A_165 = vector.broadcast %mul3A_164 : vector<1x2000xf32> to vector<1024x2000xf32>
    %sub3A_166 = arith.subf %max3A_152, %sub3A_165 : vector<1024x2000xf32>
    %mul3A_167 = arith.mulf %sub3A_166, %sub3A_166 : vector<1024x2000xf32>
    %reduce_sum3A_168 = arith.constant dense<0.000000e+00> : vector<2000xf32>
    %reduce_sum3A_169 = vector.multi_reduction <add>, %mul3A_167, %reduce_sum3A_168 [0] : vector<1024x2000xf32> to vector<2000xf32>
    %broadcast_in_dim3A_170 = vector.shape_cast %reduce_sum3A_169 : vector<2000xf32> to vector<1x2000xf32>
    %mul3A_171 = arith.constant 9.765625E-4 : f32
    %mul3A_172 = vector.broadcast %mul3A_171 : f32 to vector<1x2000xf32>
    %mul3A_173 = arith.mulf %broadcast_in_dim3A_170, %mul3A_172 : vector<1x2000xf32>
    %add3A_174 = arith.constant 9.99999974E-6 : f32
    %add3A_175 = vector.broadcast %add3A_174 : f32 to vector<1x2000xf32>
    %add3A_176 = arith.addf %mul3A_173, %add3A_175 : vector<1x2000xf32>
    %sqrt3A_177 = math.sqrt %add3A_176 : vector<1x2000xf32>
    %div3A_178 = vector.broadcast %sqrt3A_177 : vector<1x2000xf32> to vector<1024x2000xf32>
    %div3A_179 = arith.divf %sub3A_166, %div3A_178 : vector<1024x2000xf32>
    %mul3A_180 = vector.broadcast %get3A_155 : vector<1x2000xf32> to vector<1024x2000xf32>
    %mul3A_181 = arith.mulf %div3A_179, %mul3A_180 : vector<1024x2000xf32>
    %add3A_182 = vector.broadcast %get3A_158 : vector<1x2000xf32> to vector<1024x2000xf32>
    %add3A_183 = arith.addf %mul3A_181, %add3A_182 : vector<1024x2000xf32>
    %get3A_184 = arith.constant 0 : index
    %get3A_185 = arith.constant 0 : index
    %get3A_186 = vector.load %arg19[%get3A_184, %get3A_185] : memref<500x2000xf32, #tpu.memory_space<vmem>>, vector<500x2000xf32>
    %dot_general3A_187 = arith.constant dense<0.000000e+00> : vector<1024x500xf32>
    %dot_general3A_188 = tpu.matmul %add3A_183, %get3A_186, %dot_general3A_187 {dimension_numbers = #tpu.dot_dimension_numbers<[1], [1], [0], [0], [0, 0, 1, 0], [], []>, transpose_lhs_hint = false} : vector<1024x2000xf32>, vector<500x2000xf32>, vector<1024x500xf32> -> vector<1024x500xf32>
    %get3A_189 = arith.constant 0 : index
    %get3A_190 = arith.constant 0 : index
    %get3A_191 = vector.load %arg20[%get3A_189, %get3A_190] : memref<1x500xf32, #tpu.memory_space<vmem>>, vector<1x500xf32>
    %add3A_192 = vector.broadcast %get3A_191 : vector<1x500xf32> to vector<1024x500xf32>
    %add3A_193 = arith.addf %dot_general3A_188, %add3A_192 : vector<1024x500xf32>
    %max3A_194 = arith.constant 0.000000e+00 : f32
    %max3A_195 = vector.broadcast %max3A_194 : f32 to vector<1024x500xf32>
    %max3A_196 = arith.maximumf %add3A_193, %max3A_195 : vector<1024x500xf32>
    %get3A_197 = arith.constant 0 : index
    %get3A_198 = arith.constant 0 : index
    %get3A_199 = vector.load %arg21[%get3A_197, %get3A_198] : memref<1x500xf32, #tpu.memory_space<vmem>>, vector<1x500xf32>
    %get3A_200 = arith.constant 0 : index
    %get3A_201 = arith.constant 0 : index
    %get3A_202 = vector.load %arg22[%get3A_200, %get3A_201] : memref<1x500xf32, #tpu.memory_space<vmem>>, vector<1x500xf32>
    %reduce_sum3A_203 = arith.constant dense<0.000000e+00> : vector<500xf32>
    %reduce_sum3A_204 = vector.multi_reduction <add>, %max3A_196, %reduce_sum3A_203 [0] : vector<1024x500xf32> to vector<500xf32>
    %broadcast_in_dim3A_205 = vector.shape_cast %reduce_sum3A_204 : vector<500xf32> to vector<1x500xf32>
    %mul3A_206 = arith.constant 9.765625E-4 : f32
    %mul3A_207 = vector.broadcast %mul3A_206 : f32 to vector<1x500xf32>
    %mul3A_208 = arith.mulf %broadcast_in_dim3A_205, %mul3A_207 : vector<1x500xf32>
    %sub3A_209 = vector.broadcast %mul3A_208 : vector<1x500xf32> to vector<1024x500xf32>
    %sub3A_210 = arith.subf %max3A_196, %sub3A_209 : vector<1024x500xf32>
    %mul3A_211 = arith.mulf %sub3A_210, %sub3A_210 : vector<1024x500xf32>
    %reduce_sum3A_212 = arith.constant dense<0.000000e+00> : vector<500xf32>
    %reduce_sum3A_213 = vector.multi_reduction <add>, %mul3A_211, %reduce_sum3A_212 [0] : vector<1024x500xf32> to vector<500xf32>
    %broadcast_in_dim3A_214 = vector.shape_cast %reduce_sum3A_213 : vector<500xf32> to vector<1x500xf32>
    %mul3A_215 = arith.constant 9.765625E-4 : f32
    %mul3A_216 = vector.broadcast %mul3A_215 : f32 to vector<1x500xf32>
    %mul3A_217 = arith.mulf %broadcast_in_dim3A_214, %mul3A_216 : vector<1x500xf32>
    %add3A_218 = arith.constant 9.99999974E-6 : f32
    %add3A_219 = vector.broadcast %add3A_218 : f32 to vector<1x500xf32>
    %add3A_220 = arith.addf %mul3A_217, %add3A_219 : vector<1x500xf32>
    %sqrt3A_221 = math.sqrt %add3A_220 : vector<1x500xf32>
    %div3A_222 = vector.broadcast %sqrt3A_221 : vector<1x500xf32> to vector<1024x500xf32>
    %div3A_223 = arith.divf %sub3A_210, %div3A_222 : vector<1024x500xf32>
    %mul3A_224 = vector.broadcast %get3A_199 : vector<1x500xf32> to vector<1024x500xf32>
    %mul3A_225 = arith.mulf %div3A_223, %mul3A_224 : vector<1024x500xf32>
    %add3A_226 = vector.broadcast %get3A_202 : vector<1x500xf32> to vector<1024x500xf32>
    %add3A_227 = arith.addf %mul3A_225, %add3A_226 : vector<1024x500xf32>
    %get3A_228 = arith.constant 0 : index
    %get3A_229 = arith.constant 0 : index
    %get3A_230 = vector.load %arg23[%get3A_228, %get3A_229] : memref<500x500xf32, #tpu.memory_space<vmem>>, vector<500x500xf32>
    %dot_general3A_231 = arith.constant dense<0.000000e+00> : vector<1024x500xf32>
    %dot_general3A_232 = tpu.matmul %add3A_227, %get3A_230, %dot_general3A_231 {dimension_numbers = #tpu.dot_dimension_numbers<[1], [1], [0], [0], [0, 0, 1, 0], [], []>, transpose_lhs_hint = false} : vector<1024x500xf32>, vector<500x500xf32>, vector<1024x500xf32> -> vector<1024x500xf32>
    %get3A_233 = arith.constant 0 : index
    %get3A_234 = arith.constant 0 : index
    %get3A_235 = vector.load %arg24[%get3A_233, %get3A_234] : memref<1x500xf32, #tpu.memory_space<vmem>>, vector<1x500xf32>
    %add3A_236 = vector.broadcast %get3A_235 : vector<1x500xf32> to vector<1024x500xf32>
    %add3A_237 = arith.addf %dot_general3A_232, %add3A_236 : vector<1024x500xf32>
    %max3A_238 = arith.constant 0.000000e+00 : f32
    %max3A_239 = vector.broadcast %max3A_238 : f32 to vector<1024x500xf32>
    %max3A_240 = arith.maximumf %add3A_237, %max3A_239 : vector<1024x500xf32>
    %get3A_241 = arith.constant 0 : index
    %get3A_242 = arith.constant 0 : index
    %get3A_243 = vector.load %arg25[%get3A_241, %get3A_242] : memref<1x500xf32, #tpu.memory_space<vmem>>, vector<1x500xf32>
    %get3A_244 = arith.constant 0 : index
    %get3A_245 = arith.constant 0 : index
    %get3A_246 = vector.load %arg26[%get3A_244, %get3A_245] : memref<1x500xf32, #tpu.memory_space<vmem>>, vector<1x500xf32>
    %reduce_sum3A_247 = arith.constant dense<0.000000e+00> : vector<500xf32>
    %reduce_sum3A_248 = vector.multi_reduction <add>, %max3A_240, %reduce_sum3A_247 [0] : vector<1024x500xf32> to vector<500xf32>
    %broadcast_in_dim3A_249 = vector.shape_cast %reduce_sum3A_248 : vector<500xf32> to vector<1x500xf32>
    %mul3A_250 = arith.constant 9.765625E-4 : f32
    %mul3A_251 = vector.broadcast %mul3A_250 : f32 to vector<1x500xf32>
    %mul3A_252 = arith.mulf %broadcast_in_dim3A_249, %mul3A_251 : vector<1x500xf32>
    %sub3A_253 = vector.broadcast %mul3A_252 : vector<1x500xf32> to vector<1024x500xf32>
    %sub3A_254 = arith.subf %max3A_240, %sub3A_253 : vector<1024x500xf32>
    %mul3A_255 = arith.mulf %sub3A_254, %sub3A_254 : vector<1024x500xf32>
    %reduce_sum3A_256 = arith.constant dense<0.000000e+00> : vector<500xf32>
    %reduce_sum3A_257 = vector.multi_reduction <add>, %mul3A_255, %reduce_sum3A_256 [0] : vector<1024x500xf32> to vector<500xf32>
    %broadcast_in_dim3A_258 = vector.shape_cast %reduce_sum3A_257 : vector<500xf32> to vector<1x500xf32>
    %mul3A_259 = arith.constant 9.765625E-4 : f32
    %mul3A_260 = vector.broadcast %mul3A_259 : f32 to vector<1x500xf32>
    %mul3A_261 = arith.mulf %broadcast_in_dim3A_258, %mul3A_260 : vector<1x500xf32>
    %add3A_262 = arith.constant 9.99999974E-6 : f32
    %add3A_263 = vector.broadcast %add3A_262 : f32 to vector<1x500xf32>
    %add3A_264 = arith.addf %mul3A_261, %add3A_263 : vector<1x500xf32>
    %sqrt3A_265 = math.sqrt %add3A_264 : vector<1x500xf32>
    %div3A_266 = vector.broadcast %sqrt3A_265 : vector<1x500xf32> to vector<1024x500xf32>
    %div3A_267 = arith.divf %sub3A_254, %div3A_266 : vector<1024x500xf32>
    %mul3A_268 = vector.broadcast %get3A_243 : vector<1x500xf32> to vector<1024x500xf32>
    %mul3A_269 = arith.mulf %div3A_267, %mul3A_268 : vector<1024x500xf32>
    %add3A_270 = vector.broadcast %get3A_246 : vector<1x500xf32> to vector<1024x500xf32>
    %add3A_271 = arith.addf %mul3A_269, %add3A_270 : vector<1024x500xf32>
    %get3A_272 = arith.constant 0 : index
    %get3A_273 = arith.constant 0 : index
    %get3A_274 = vector.load %arg27[%get3A_272, %get3A_273] : memref<256x500xf32, #tpu.memory_space<vmem>>, vector<256x500xf32>
    %dot_general3A_275 = arith.constant dense<0.000000e+00> : vector<1024x256xf32>
    %dot_general3A_276 = tpu.matmul %add3A_271, %get3A_274, %dot_general3A_275 {dimension_numbers = #tpu.dot_dimension_numbers<[1], [1], [0], [0], [0, 0, 1, 0], [], []>, transpose_lhs_hint = false} : vector<1024x500xf32>, vector<256x500xf32>, vector<1024x256xf32> -> vector<1024x256xf32>
    %get3A_277 = arith.constant 0 : index
    %get3A_278 = arith.constant 0 : index
    %get3A_279 = vector.load %arg28[%get3A_277, %get3A_278] : memref<1x256xf32, #tpu.memory_space<vmem>>, vector<1x256xf32>
    %add3A_280 = vector.broadcast %get3A_279 : vector<1x256xf32> to vector<1024x256xf32>
    %add3A_281 = arith.addf %dot_general3A_276, %add3A_280 : vector<1024x256xf32>
    %sub3A_282 = arith.subf %get3A_1, %add3A_281 : vector<1024x256xf32>
    %mul3A_283 = arith.mulf %sub3A_282, %sub3A_282 : vector<1024x256xf32>
    %reduce_sum3A_284 = vector.shape_cast %mul3A_283 : vector<1024x256xf32> to vector<1x1024x256xf32>
    %reduce_sum3A_285 = arith.constant dense<0.000000e+00> : vector<1xf32>
    %reduce_sum3A_286 = vector.multi_reduction <add>, %reduce_sum3A_284, %reduce_sum3A_285 [1, 2] : vector<1x1024x256xf32> to vector<1xf32>
    %reduce_sum3A_287 = vector.shape_cast %reduce_sum3A_286 : vector<1xf32> to vector<1x1x1xf32>
    %reduce_sum3A_288 = vector.extract %reduce_sum3A_287[0, 0, 0] : f32 from vector<1x1x1xf32>
    %reshape3A = vector.broadcast %reduce_sum3A_288 : f32 to vector<1x1xf32>
    %swap3A_289 = arith.constant 0 : index
    %swap3A_290 = arith.constant 0 : index
    %swap3A_291 = vector.load %arg31[%swap3A_289, %swap3A_290] : memref<1x1xf32, #tpu.memory_space<vmem>>, vector<1x1xf32>
    tpu.vector_store %arg31[%swap3A_289, %swap3A_290], %reshape3A {strides = array<i32>} : memref<1x1xf32, #tpu.memory_space<vmem>>, vector<1x1xf32>,
    %get3A_292 = arith.constant 0 : index
    %get3A_293 = arith.constant 0 : index
    %get3A_294 = vector.load %arg29[%get3A_292, %get3A_293] : memref<512x256xf32, #tpu.memory_space<vmem>>, vector<512x256xf32>
    %dot_general3A_295 = arith.constant dense<0.000000e+00> : vector<1024x512xf32>
    %dot_general3A_296 = tpu.matmul %add3A_137, %get3A_294, %dot_general3A_295 {dimension_numbers = #tpu.dot_dimension_numbers<[1], [1], [0], [0], [0, 0, 1, 0], [], []>, transpose_lhs_hint = false} : vector<1024x256xf32>, vector<512x256xf32>, vector<1024x512xf32> -> vector<1024x512xf32>
    %broadcast_in_dim3A_297 = arith.constant 1.000000e+00 : f32
    %broadcast_in_dim3A_298 = vector.broadcast %broadcast_in_dim3A_297 : f32 to vector<1x256xf32>
    %mul3A_299 = arith.mulf %get3A_294, %get3A_294 : vector<512x256xf32>
    %dot_general3A_300 = arith.constant dense<0.000000e+00> : vector<1x512xf32>
    %dot_general3A_301 = tpu.matmul %broadcast_in_dim3A_298, %mul3A_299, %dot_general3A_300 {dimension_numbers = #tpu.dot_dimension_numbers<[1], [1], [0], [0], [0, 0, 1, 0], [], []>, transpose_lhs_hint = false} : vector<1x256xf32>, vector<512x256xf32>, vector<1x512xf32> -> vector<1x512xf32>
    %mul3A_302 = arith.constant 2.000000e+00 : f32
    %mul3A_303 = vector.broadcast %mul3A_302 : f32 to vector<1024x512xf32>
    %mul3A_304 = arith.mulf %mul3A_303, %dot_general3A_296 : vector<1024x512xf32>
    %sub3A_305 = vector.broadcast %dot_general3A_301 : vector<1x512xf32> to vector<1024x512xf32>
    %sub3A_306 = arith.subf %sub3A_305, %mul3A_304 : vector<1024x512xf32>
    %reduce_min3A = arith.constant dense<0x7F800000> : vector<1024xf32>
    %reduce_min3A_307 = vector.multi_reduction <minimumf>, %sub3A_306, %reduce_min3A [1] : vector<1024x512xf32> to vector<1024xf32>
    %broadcast_in_dim3A_308 = vector.shape_cast %reduce_min3A_307 : vector<1024xf32> to vector<1024x1xf32>
    %iota3A = tpu.iota {dimensions = array<i32: 1>} : vector<1024x512xi32>
    %eq3A = vector.broadcast %broadcast_in_dim3A_308 : vector<1024x1xf32> to vector<1024x512xf32>
    %eq3A_309 = arith.cmpf oeq, %sub3A_306, %eq3A : vector<1024x512xf32>
    %jit3A = arith.constant 512 : i32
    %broadcast_in_dim3A_310 = vector.broadcast %jit3A : i32 to vector<1024x512xi32>
    %select_n3A = arith.select %eq3A_309, %iota3A, %broadcast_in_dim3A_310 : vector<1024x512xi1>, vector<1024x512xi32>
    %reduce_min3A_311 = arith.constant dense<2147483647> : vector<1024xi32>
    %reduce_min3A_312 = vector.multi_reduction <minsi>, %select_n3A, %reduce_min3A_311 [1] : vector<1024x512xi32> to vector<1024xi32>
    %broadcast_in_dim3A_313 = vector.shape_cast %reduce_min3A_312 : vector<1024xi32> to vector<1024x1xi32>
    %eq3A_314 = vector.broadcast %broadcast_in_dim3A_313 : vector<1024x1xi32> to vector<1024x512xi32>
    %eq3A_315 = arith.cmpi eq, %iota3A, %eq3A_314 : vector<1024x512xi32>
    %convert_element_type3A = arith.extui %eq3A_315 : vector<1024x512xi1> to vector<1024x512xi32>
    %convert_element_type3A_316 = arith.sitofp %convert_element_type3A : vector<1024x512xi32> to vector<1024x512xf32>
    %broadcast_in_dim3A_317 = arith.constant 1.000000e+00 : f32
    %broadcast_in_dim3A_318 = vector.broadcast %broadcast_in_dim3A_317 : f32 to vector<1x1024xf32>
    %dot_general3A_319 = arith.constant dense<0.000000e+00> : vector<1x512xf32>
    %dot_general3A_320 = tpu.matmul %broadcast_in_dim3A_318, %convert_element_type3A_316, %dot_general3A_319 {dimension_numbers = #tpu.dot_dimension_numbers<[1], [0], [0], [1], [0, 0, 1, 1], [], []>, transpose_lhs_hint = false} : vector<1x1024xf32>, vector<1024x512xf32>, vector<1x512xf32> -> vector<1x512xf32>
    %add3A_321 = arith.constant 1.500000e+01 : f32
    %add3A_322 = vector.broadcast %add3A_321 : f32 to vector<1x512xf32>
    %add3A_323 = arith.addf %dot_general3A_320, %add3A_322 : vector<1x512xf32>
    %mul3A_324 = arith.constant 6.250000e-02 : f32
    %mul3A_325 = vector.broadcast %mul3A_324 : f32 to vector<1x512xf32>
    %mul3A_326 = arith.mulf %add3A_323, %mul3A_325 : vector<1x512xf32>
    %floor3A = math.floor %mul3A_326 : vector<1x512xf32>
    %mul3A_327 = arith.constant 1.600000e+01 : f32
    %mul3A_328 = vector.broadcast %mul3A_327 : f32 to vector<1x512xf32>
    %mul3A_329 = arith.mulf %floor3A, %mul3A_328 : vector<1x512xf32>
    %iota3A_330 = tpu.iota {dimensions = array<i32: 0>} : vector<512x512xi32>
    %iota3A_331 = tpu.iota {dimensions = array<i32: 1>} : vector<512x512xi32>
    %lt3A = arith.cmpi slt, %iota3A_330, %iota3A_331 : vector<512x512xi32>
    %convert_element_type3A_332 = arith.extui %lt3A : vector<512x512xi1> to vector<512x512xi32>
    %convert_element_type3A_333 = arith.sitofp %convert_element_type3A_332 : vector<512x512xi32> to vector<512x512xf32>
    %dot_general3A_334 = arith.constant dense<0.000000e+00> : vector<1x512xf32>
    %dot_general3A_335 = tpu.matmul %mul3A_329, %convert_element_type3A_333, %dot_general3A_334 {dimension_numbers = #tpu.dot_dimension_numbers<[1], [0], [0], [1], [0, 0, 1, 1], [], []>, transpose_lhs_hint = false} : vector<1x512xf32>, vector<512x512xf32>, vector<1x512xf32> -> vector<1x512xf32>
    %iota3A_336 = tpu.iota {dimensions = array<i32: 0>} : vector<1024x1024xi32>
    %iota3A_337 = tpu.iota {dimensions = array<i32: 1>} : vector<1024x1024xi32>
    %lt3A_338 = arith.cmpi slt, %iota3A_337, %iota3A_336 : vector<1024x1024xi32>
    %convert_element_type3A_339 = arith.extui %lt3A_338 : vector<1024x1024xi1> to vector<1024x1024xi32>
    %convert_element_type3A_340 = arith.sitofp %convert_element_type3A_339 : vector<1024x1024xi32> to vector<1024x1024xf32>
    %dot_general3A_341 = arith.constant dense<0.000000e+00> : vector<1024x512xf32>
    %dot_general3A_342 = tpu.matmul %convert_element_type3A_340, %convert_element_type3A_316, %dot_general3A_341 {dimension_numbers = #tpu.dot_dimension_numbers<[1], [0], [0], [1], [0, 0, 1, 1], [], []>, transpose_lhs_hint = false} : vector<1024x1024xf32>, vector<1024x512xf32>, vector<1024x512xf32> -> vector<1024x512xf32>
    %add3A_343 = vector.broadcast %dot_general3A_335 : vector<1x512xf32> to vector<1024x512xf32>
    %add3A_344 = arith.addf %add3A_343, %dot_general3A_342 : vector<1024x512xf32>
    %mul3A_345 = arith.mulf %convert_element_type3A_316, %add3A_344 : vector<1024x512xf32>
    %reduce_sum3A_346 = arith.constant dense<0.000000e+00> : vector<1024xf32>
    %reduce_sum3A_347 = vector.multi_reduction <add>, %mul3A_345, %reduce_sum3A_346 [1] : vector<1024x512xf32> to vector<1024xf32>
    %broadcast_in_dim3A_348 = vector.shape_cast %reduce_sum3A_347 : vector<1024xf32> to vector<1024x1xf32>
    %convert_element_type3A_349 = arith.fptosi %broadcast_in_dim3A_348 : vector<1024x1xf32> to vector<1024x1xi32>
    %swap3A_350 = arith.constant 0 : index
    %swap3A_351 = arith.constant 0 : index
    %swap3A_352 = vector.load %arg32[%swap3A_350, %swap3A_351] : memref<1024x1xi32, #tpu.memory_space<vmem>>, vector<1024x1xi32>
    tpu.vector_store %arg32[%swap3A_350, %swap3A_351], %convert_element_type3A_349 {strides = array<i32>} : memref<1024x1xi32, #tpu.memory_space<vmem>>, vector<1024x1xi32>,
    %convert_element_type3A_353 = arith.fptosi %dot_general3A_320 : vector<1x512xf32> to vector<1x512xi32>
    %swap3A_354 = arith.constant 0 : index
    %swap3A_355 = arith.constant 0 : index
    %swap3A_356 = vector.load %arg33[%swap3A_354, %swap3A_355] : memref<1x512xi32, #tpu.memory_space<vmem>>, vector<1x512xi32>
    tpu.vector_store %arg33[%swap3A_354, %swap3A_355], %convert_element_type3A_353 {strides = array<i32>} : memref<1x512xi32, #tpu.memory_space<vmem>>, vector<1x512xi32>,
    %convert_element_type3A_357 = arith.fptosi %dot_general3A_335 : vector<1x512xf32> to vector<1x512xi32>
    %swap3A_358 = arith.constant 0 : index
    %swap3A_359 = arith.constant 0 : index
    %swap3A_360 = vector.load %arg34[%swap3A_358, %swap3A_359] : memref<1x512xi32, #tpu.memory_space<vmem>>, vector<1x512xi32>
    tpu.vector_store %arg34[%swap3A_358, %swap3A_359], %convert_element_type3A_357 {strides = array<i32>} : memref<1x512xi32, #tpu.memory_space<vmem>>, vector<1x512xi32>,
    return
  }
}

module attributes {stable_mosaic.version = 14 : i64} {
  func.func @_kmeans_body(%arg0: memref<1x512xi32, #tpu.memory_space<smem>>, %arg1: memref<1x512xi32, #tpu.memory_space<smem>>, %arg2: memref<256x512xf32, #tpu.memory_space<vmem>>, %arg3: memref<8816x256xf32, #tpu.memory_space<vmem>>, %arg4: memref<1x1xf32, #tpu.memory_space<vmem>>, %arg5: memref<256x512xf32, #tpu.memory_space<vmem>>, %arg6: memref<256x512xf32, #tpu.memory_space<vmem>>, %arg7: memref<256x512xf32, #tpu.memory_space<vmem>>, %arg8: memref<1x512xf32, #tpu.memory_space<vmem>>, %arg9: memref<1024x512xf32, #tpu.memory_space<vmem>>, %arg10: memref<1x512xf32, #tpu.memory_space<vmem>>, %arg11: memref<1x512xf32, #tpu.memory_space<vmem>>, %arg12: memref<128x512xf32, #tpu.memory_space<vmem>>) attributes {dimension_semantics = [], scalar_prefetch = 0 : i64, scratch_operands = 8 : i64, tpu.core_type = #tpu.core_type<tc>} {
    %get3A = arith.constant 0 : index
    %get3A_0 = arith.constant 0 : index
    %get3A_1 = vector.load %arg2[%get3A, %get3A_0] : memref<256x512xf32, #tpu.memory_space<vmem>>, vector<256x512xf32>
    %swap3A = arith.constant 0 : index
    %swap3A_2 = arith.constant 0 : index
    %swap3A_3 = vector.load %arg5[%swap3A, %swap3A_2] : memref<256x512xf32, #tpu.memory_space<vmem>>, vector<256x512xf32>
    tpu.vector_store %arg5[%swap3A, %swap3A_2], %get3A_1 {strides = array<i32>} : memref<256x512xf32, #tpu.memory_space<vmem>>, vector<256x512xf32>,
    %mul3A = arith.mulf %get3A_1, %get3A_1 : vector<256x512xf32>
    %reduce_sum3A = arith.constant dense<0.000000e+00> : vector<512xf32>
    %reduce_sum3A_4 = vector.multi_reduction <add>, %mul3A, %reduce_sum3A [0] : vector<256x512xf32> to vector<512xf32>
    %broadcast_in_dim3A = vector.shape_cast %reduce_sum3A_4 : vector<512xf32> to vector<1x512xf32>
    %swap3A_5 = arith.constant 0 : index
    %swap3A_6 = arith.constant 0 : index
    %swap3A_7 = vector.load %arg10[%swap3A_5, %swap3A_6] : memref<1x512xf32, #tpu.memory_space<vmem>>, vector<1x512xf32>
    tpu.vector_store %arg10[%swap3A_5, %swap3A_6], %broadcast_in_dim3A {strides = array<i32>} : memref<1x512xf32, #tpu.memory_space<vmem>>, vector<1x512xf32>,
    %reduce_sum3A_8 = arith.constant dense<0.000000e+00> : vector<512xf32>
    %reduce_sum3A_9 = vector.multi_reduction <add>, %get3A_1, %reduce_sum3A_8 [0] : vector<256x512xf32> to vector<512xf32>
    %broadcast_in_dim3A_10 = vector.shape_cast %reduce_sum3A_9 : vector<512xf32> to vector<1x512xf32>
    %swap3A_11 = arith.constant 0 : index
    %swap3A_12 = arith.constant 0 : index
    %swap3A_13 = vector.load %arg11[%swap3A_11, %swap3A_12] : memref<1x512xf32, #tpu.memory_space<vmem>>, vector<1x512xf32>
    tpu.vector_store %arg11[%swap3A_11, %swap3A_12], %broadcast_in_dim3A_10 {strides = array<i32>} : memref<1x512xf32, #tpu.memory_space<vmem>>, vector<1x512xf32>,
    %iota3A = tpu.iota {dimensions = array<i32: 1>} : vector<256x512xi32>
    %iota3A_14 = tpu.iota {dimensions = array<i32: 1>} : vector<1x512xi32>
    %broadcast_in_dim3A_15 = arith.constant 0.000000e+00 : f32
    %broadcast_in_dim3A_16 = vector.broadcast %broadcast_in_dim3A_15 : f32 to vector<1x1xf32>
    %swap3A_17 = arith.constant 0 : index
    %swap3A_18 = arith.constant 0 : index
    %swap3A_19 = vector.load %arg4[%swap3A_17, %swap3A_18] : memref<1x1xf32, #tpu.memory_space<vmem>>, vector<1x1xf32>
    tpu.vector_store %arg4[%swap3A_17, %swap3A_18], %broadcast_in_dim3A_16 {strides = array<i32>} : memref<1x1xf32, #tpu.memory_space<vmem>>, vector<1x1xf32>,
    %scan3A = arith.constant 0 : i32
    %scan3A_20 = arith.constant 512 : i32
    %scan3A_21 = arith.addi %scan3A, %scan3A_20 : i32
    %scan3A_22 = arith.constant 1 : i32
    scf.for %scan3A_24 = %scan3A to %scan3A_21 step %scan3A_22  : i32 {
      %get3A_25 = arith.constant 0 : index
      %get3A_26 = arith.index_cast %scan3A_24 : i32 to index
      %get3A_27 = memref.load %arg0[%get3A_25, %get3A_26] : memref<1x512xi32, #tpu.memory_space<smem>>
      %get3A_28 = arith.constant 0 : index
      %get3A_29 = arith.index_cast %scan3A_24 : i32 to index
      %get3A_30 = memref.load %arg1[%get3A_28, %get3A_29] : memref<1x512xi32, #tpu.memory_space<smem>>
      %multiple_of3A = tpu.assume_multiple %get3A_30, 16 : i32
      %add3A = arith.constant 15 : i32
      %add3A_31 = arith.addi %get3A_27, %add3A : i32
      %jit3A = arith.constant 16 : i32
      %div3A = arith.divsi %add3A_31, %jit3A : i32
      %sign3A = arith.constant 0 : i32
      %sign3A_32 = arith.cmpi sgt, %add3A_31, %sign3A : i32
      %sign3A_33 = arith.extui %sign3A_32 : i1 to i32
      %sign3A_34 = arith.constant 0 : i32
      %sign3A_35 = arith.cmpi slt, %add3A_31, %sign3A_34 : i32
      %sign3A_36 = arith.extui %sign3A_35 : i1 to i32
      %sign3A_37 = arith.subi %sign3A_33, %sign3A_36 : i32
      %sign3A_38 = arith.constant 0 : i32
      %sign3A_39 = arith.cmpi sgt, %jit3A, %sign3A_38 : i32
      %sign3A_40 = arith.extui %sign3A_39 : i1 to i32
      %sign3A_41 = arith.constant 0 : i32
      %sign3A_42 = arith.cmpi slt, %jit3A, %sign3A_41 : i32
      %sign3A_43 = arith.extui %sign3A_42 : i1 to i32
      %sign3A_44 = arith.subi %sign3A_40, %sign3A_43 : i32
      %ne3A = arith.cmpi ne, %sign3A_37, %sign3A_44 : i32
      %rem3A = arith.remsi %add3A_31, %jit3A : i32
      %ne3A_45 = arith.constant 0 : i32
      %ne3A_46 = arith.cmpi ne, %rem3A, %ne3A_45 : i32
      %and3A = arith.andi %ne3A, %ne3A_46 : i1
      %sub3A = arith.constant 1 : i32
      %sub3A_47 = arith.subi %div3A, %sub3A : i32
      %select_n3A = arith.select %and3A, %sub3A_47, %div3A : i32
      %gt3A = arith.constant 0 : i32
      %gt3A_48 = arith.cmpi sgt, %get3A_27, %gt3A : i32
      %le3A = arith.constant 16 : i32
      %le3A_49 = arith.cmpi sle, %get3A_27, %le3A : i32
      %and3A_50 = arith.andi %gt3A_48, %le3A_49 : i1
      %convert_element_type3A = arith.extui %and3A_50 : i1 to i32
      %cond3A = arith.constant 0 : i32
      %cond3A_51 = arith.cmpi ne, %convert_element_type3A, %cond3A : i32
      scf.if %cond3A_51 {
        %eq3A = vector.broadcast %scan3A_24 : i32 to vector<1x512xi32>
        %eq3A_81 = arith.cmpi eq, %iota3A_14, %eq3A : vector<1x512xi32>
        %iota3A_82 = tpu.iota {dimensions = array<i32: 0>} : vector<16x1xi32>
        %lt3A = vector.broadcast %get3A_27 : i32 to vector<16x1xi32>
        %lt3A_83 = arith.cmpi slt, %iota3A_82, %lt3A : vector<16x1xi32>
        %get3A_84 = arith.index_cast %multiple_of3A : i32 to index
        %get3A_85 = arith.constant 0 : index
        %get3A_86 = vector.load %arg3[%get3A_84, %get3A_85] : memref<8816x256xf32, #tpu.memory_space<vmem>>, vector<16x256xf32>
        %jit3A_87 = arith.constant 0.000000e+00 : f32
        %broadcast_in_dim3A_88 = vector.shape_cast %lt3A_83 : vector<16x1xi1> to vector<16x1xi1>
        %broadcast_in_dim3A_89 = vector.broadcast %broadcast_in_dim3A_88 : vector<16x1xi1> to vector<16x256xi1>
        %broadcast_in_dim3A_90 = vector.broadcast %jit3A_87 : f32 to vector<16x256xf32>
        %select_n3A_91 = arith.select %broadcast_in_dim3A_89, %get3A_86, %broadcast_in_dim3A_90 : vector<16x256xi1>, vector<16x256xf32>
        %mul3A_92 = arith.mulf %select_n3A_91, %select_n3A_91 : vector<16x256xf32>
        %reduce_sum3A_93 = arith.constant dense<0.000000e+00> : vector<16xf32>
        %reduce_sum3A_94 = vector.multi_reduction <add>, %mul3A_92, %reduce_sum3A_93 [1] : vector<16x256xf32> to vector<16xf32>
        %broadcast_in_dim3A_95 = vector.shape_cast %reduce_sum3A_94 : vector<16xf32> to vector<16x1xf32>
        %reduce_sum3A_96 = arith.constant dense<0.000000e+00> : vector<16xf32>
        %reduce_sum3A_97 = vector.multi_reduction <add>, %select_n3A_91, %reduce_sum3A_96 [1] : vector<16x256xf32> to vector<16xf32>
        %broadcast_in_dim3A_98 = vector.shape_cast %reduce_sum3A_97 : vector<16xf32> to vector<16x1xf32>
        %dot_general3A = arith.constant dense<0.000000e+00> : vector<16x16xf32>
        %dot_general3A_99 = tpu.matmul %select_n3A_91, %select_n3A_91, %dot_general3A {dimension_numbers = #tpu.dot_dimension_numbers<[1], [1], [0], [0], [0, 0, 1, 0], [], []>, transpose_lhs_hint = false} : vector<16x256xf32>, vector<16x256xf32>, vector<16x16xf32> -> vector<16x16xf32>
        %get3A_100 = arith.constant 0 : index
        %get3A_101 = arith.constant 0 : index
        %get3A_102 = vector.load %arg10[%get3A_100, %get3A_101] : memref<1x512xf32, #tpu.memory_space<vmem>>, vector<1x512xf32>
        %add3A_103 = vector.broadcast %broadcast_in_dim3A_95 : vector<16x1xf32> to vector<16x512xf32>
        %add3A_104 = vector.broadcast %get3A_102 : vector<1x512xf32> to vector<16x512xf32>
        %add3A_105 = arith.addf %add3A_103, %add3A_104 : vector<16x512xf32>
        %get3A_106 = arith.constant 0 : index
        %get3A_107 = arith.constant 0 : index
        %get3A_108 = vector.load %arg5[%get3A_106, %get3A_107] : memref<256x512xf32, #tpu.memory_space<vmem>>, vector<256x512xf32>
        %dot_general3A_109 = arith.constant dense<0.000000e+00> : vector<16x512xf32>
        %dot_general3A_110 = tpu.matmul %select_n3A_91, %get3A_108, %dot_general3A_109 {dimension_numbers = #tpu.dot_dimension_numbers<[1], [0], [0], [1], [0, 0, 1, 1], [], []>, transpose_lhs_hint = false} : vector<16x256xf32>, vector<256x512xf32>, vector<16x512xf32> -> vector<16x512xf32>
        %mul3A_111 = arith.constant 2.000000e+00 : f32
        %mul3A_112 = vector.broadcast %mul3A_111 : f32 to vector<16x512xf32>
        %mul3A_113 = arith.mulf %mul3A_112, %dot_general3A_110 : vector<16x512xf32>
        %sub3A_114 = arith.subf %add3A_105, %mul3A_113 : vector<16x512xf32>
        %jit3A_115 = arith.constant 0.000000e+00 : f32
        %broadcast_in_dim3A_116 = vector.broadcast %jit3A_115 : f32 to vector<1x512xf32>
        %select_n3A_117 = arith.select %eq3A_81, %get3A_102, %broadcast_in_dim3A_116 : vector<1x512xi1>, vector<1x512xf32>
        %reduce_sum3A_118 = arith.constant dense<0.000000e+00> : vector<1xf32>
        %reduce_sum3A_119 = vector.multi_reduction <add>, %select_n3A_117, %reduce_sum3A_118 [1] : vector<1x512xf32> to vector<1xf32>
        %broadcast_in_dim3A_120 = vector.shape_cast %reduce_sum3A_119 : vector<1xf32> to vector<1x1xf32>
        %jit3A_121 = arith.constant 0.000000e+00 : f32
        %broadcast_in_dim3A_122 = vector.shape_cast %eq3A_81 : vector<1x512xi1> to vector<1x512xi1>
        %broadcast_in_dim3A_123 = vector.broadcast %broadcast_in_dim3A_122 : vector<1x512xi1> to vector<16x512xi1>
        %broadcast_in_dim3A_124 = vector.broadcast %jit3A_121 : f32 to vector<16x512xf32>
        %select_n3A_125 = arith.select %broadcast_in_dim3A_123, %sub3A_114, %broadcast_in_dim3A_124 : vector<16x512xi1>, vector<16x512xf32>
        %reduce_sum3A_126 = arith.constant dense<0.000000e+00> : vector<16xf32>
        %reduce_sum3A_127 = vector.multi_reduction <add>, %select_n3A_125, %reduce_sum3A_126 [1] : vector<16x512xf32> to vector<16xf32>
        %broadcast_in_dim3A_128 = vector.shape_cast %reduce_sum3A_127 : vector<16xf32> to vector<16x1xf32>
        %add3A_129 = vector.broadcast %broadcast_in_dim3A_120 : vector<1x1xf32> to vector<16x1xf32>
        %add3A_130 = arith.addf %broadcast_in_dim3A_95, %add3A_129 : vector<16x1xf32>
        %sub3A_131 = arith.subf %add3A_130, %broadcast_in_dim3A_128 : vector<16x1xf32>
        %mul3A_132 = arith.constant 5.000000e-01 : f32
        %mul3A_133 = vector.broadcast %mul3A_132 : f32 to vector<16x1xf32>
        %mul3A_134 = arith.mulf %sub3A_131, %mul3A_133 : vector<16x1xf32>
        %mul3A_135 = arith.constant 1.000000e-10 : f32
        %mul3A_136 = vector.broadcast %mul3A_135 : f32 to vector<16x1xf32>
        %mul3A_137 = arith.mulf %mul3A_136, %broadcast_in_dim3A_98 : vector<16x1xf32>
        %sub3A_138 = arith.subf %mul3A_134, %mul3A_137 : vector<16x1xf32>
        %get3A_139 = arith.constant 0 : index
        %get3A_140 = arith.constant 0 : index
        %get3A_141 = vector.load %arg11[%get3A_139, %get3A_140] : memref<1x512xf32, #tpu.memory_space<vmem>>, vector<1x512xf32>
        %jit3A_142 = arith.constant 0.000000e+00 : f32
        %broadcast_in_dim3A_143 = vector.broadcast %jit3A_142 : f32 to vector<1x512xf32>
        %select_n3A_144 = arith.select %eq3A_81, %get3A_141, %broadcast_in_dim3A_143 : vector<1x512xi1>, vector<1x512xf32>
        %reduce_sum3A_145 = arith.constant dense<0.000000e+00> : vector<1xf32>
        %reduce_sum3A_146 = vector.multi_reduction <add>, %select_n3A_144, %reduce_sum3A_145 [1] : vector<1x512xf32> to vector<1xf32>
        %broadcast_in_dim3A_147 = vector.shape_cast %reduce_sum3A_146 : vector<1xf32> to vector<1x1xf32>
        %mul3A_148 = arith.constant 2.000000e-10 : f32
        %mul3A_149 = vector.broadcast %mul3A_148 : f32 to vector<1x1xf32>
        %mul3A_150 = arith.mulf %mul3A_149, %broadcast_in_dim3A_147 : vector<1x1xf32>
        %sub3A_151 = arith.subf %broadcast_in_dim3A_120, %mul3A_150 : vector<1x1xf32>
        %add3A_152 = arith.constant 2.560000e-18 : f32
        %add3A_153 = vector.broadcast %add3A_152 : f32 to vector<1x1xf32>
        %add3A_154 = arith.addf %sub3A_151, %add3A_153 : vector<1x1xf32>
        %broadcast_in_dim3A_155 = arith.constant 0.000000e+00 : f32
        %broadcast_in_dim3A_156 = vector.broadcast %broadcast_in_dim3A_155 : f32 to vector<16x512xf32>
        %swap3A_157 = arith.constant 0 : index
        %swap3A_158 = arith.constant 0 : index
        %swap3A_159 = vector.load %arg12[%swap3A_157, %swap3A_158] : memref<128x512xf32, #tpu.memory_space<vmem>>, vector<16x512xf32>
        tpu.vector_store %arg12[%swap3A_157, %swap3A_158], %broadcast_in_dim3A_156 {strides = array<i32>} : memref<128x512xf32, #tpu.memory_space<vmem>>, vector<16x512xf32>,
        %broadcast_in_dim3A_160 = arith.constant 0.000000e+00 : f32
        %broadcast_in_dim3A_161 = vector.broadcast %broadcast_in_dim3A_160 : f32 to vector<16x1xf32>
        %broadcast_in_dim3A_162 = arith.constant 1.000000e+00 : f32
        %broadcast_in_dim3A_163 = vector.broadcast %broadcast_in_dim3A_162 : f32 to vector<1x1xf32>
        %while3A = arith.constant 0 : i32
        %while3A_164 = arith.constant 0.000000e+00 : f32
        %while3A_165:6 = scf.while (%while3A_230 = %while3A, %while3A_231 = %while3A_164, %while3A_232 = %mul3A_134, %while3A_233 = %broadcast_in_dim3A_120, %while3A_234 = %broadcast_in_dim3A_161, %while3A_235 = %broadcast_in_dim3A_163) : (i32, f32, vector<16x1xf32>, vector<1x1xf32>, vector<16x1xf32>, vector<1x1xf32>) -> (i32, f32, vector<16x1xf32>, vector<1x1xf32>, vector<16x1xf32>, vector<1x1xf32>) {
          %eq3A_236 = arith.constant 0 : i32
          %eq3A_237 = arith.cmpi eq, %while3A_230, %eq3A_236 : i32
          %mul3A_238 = arith.mulf %while3A_231, %while3A_231 : f32
          %ge3A = arith.constant 9.99999974E-5 : f32
          %ge3A_239 = arith.cmpf oge, %mul3A_238, %ge3A : f32
          %lt3A_240 = arith.constant 10 : i32
          %lt3A_241 = arith.cmpi slt, %while3A_230, %lt3A_240 : i32
          %and3A_242 = arith.andi %ge3A_239, %lt3A_241 : i1
          %or3A = arith.ori %eq3A_237, %and3A_242 : i1
          scf.condition(%or3A) %while3A_230, %while3A_231, %while3A_232, %while3A_233, %while3A_234, %while3A_235 : i32, f32, vector<16x1xf32>, vector<1x1xf32>, vector<16x1xf32>, vector<1x1xf32>
        } do {
        ^bb0(%while3A_230: i32, %while3A_231: f32, %while3A_232: vector<16x1xf32>, %while3A_233: vector<1x1xf32>, %while3A_234: vector<16x1xf32>, %while3A_235: vector<1x1xf32>):
          %get3A_236 = arith.constant 0 : index
          %get3A_237 = arith.constant 0 : index
          %get3A_238 = vector.load %arg12[%get3A_236, %get3A_237] : memref<128x512xf32, #tpu.memory_space<vmem>>, vector<16x512xf32>
          %add3A_239 = vector.broadcast %while3A_233 : vector<1x1xf32> to vector<16x1xf32>
          %add3A_240 = arith.addf %broadcast_in_dim3A_95, %add3A_239 : vector<16x1xf32>
          %mul3A_241 = arith.constant 2.000000e+00 : f32
          %mul3A_242 = vector.broadcast %mul3A_241 : f32 to vector<16x1xf32>
          %mul3A_243 = arith.mulf %mul3A_242, %while3A_232 : vector<16x1xf32>
          %sub3A_244 = arith.subf %add3A_240, %mul3A_243 : vector<16x1xf32>
          %broadcast_in_dim3A_245 = vector.shape_cast %eq3A_81 : vector<1x512xi1> to vector<1x512xi1>
          %broadcast_in_dim3A_246 = vector.broadcast %broadcast_in_dim3A_245 : vector<1x512xi1> to vector<16x512xi1>
          %broadcast_in_dim3A_247 = vector.shape_cast %sub3A_244 : vector<16x1xf32> to vector<16x1xf32>
          %broadcast_in_dim3A_248 = vector.broadcast %broadcast_in_dim3A_247 : vector<16x1xf32> to vector<16x512xf32>
          %select_n3A_249 = arith.select %broadcast_in_dim3A_246, %broadcast_in_dim3A_248, %sub3A_114 : vector<16x512xi1>, vector<16x512xf32>
          %jit3A_250 = arith.constant 0x7F800000 : f32
          %broadcast_in_dim3A_251 = vector.shape_cast %lt3A_83 : vector<16x1xi1> to vector<16x1xi1>
          %broadcast_in_dim3A_252 = vector.broadcast %broadcast_in_dim3A_251 : vector<16x1xi1> to vector<16x512xi1>
          %broadcast_in_dim3A_253 = vector.broadcast %jit3A_250 : f32 to vector<16x512xf32>
          %select_n3A_254 = arith.select %broadcast_in_dim3A_252, %select_n3A_249, %broadcast_in_dim3A_253 : vector<16x512xi1>, vector<16x512xf32>
          %reduce_min3A = arith.constant dense<0x7F800000> : vector<512xf32>
          %reduce_min3A_255 = vector.multi_reduction <minimumf>, %select_n3A_254, %reduce_min3A [0] : vector<16x512xf32> to vector<512xf32>
          %broadcast_in_dim3A_256 = vector.shape_cast %reduce_min3A_255 : vector<512xf32> to vector<1x512xf32>
          %reduce_min3A_257 = arith.constant dense<0x7F800000> : vector<1xf32>
          %reduce_min3A_258 = vector.multi_reduction <minimumf>, %broadcast_in_dim3A_256, %reduce_min3A_257 [1] : vector<1x512xf32> to vector<1xf32>
          %broadcast_in_dim3A_259 = vector.shape_cast %reduce_min3A_258 : vector<1xf32> to vector<1x1xf32>
          %jit3A_260 = arith.constant 0xFF800000 : f32
          %broadcast_in_dim3A_261 = vector.shape_cast %lt3A_83 : vector<16x1xi1> to vector<16x1xi1>
          %broadcast_in_dim3A_262 = vector.broadcast %broadcast_in_dim3A_261 : vector<16x1xi1> to vector<16x512xi1>
          %broadcast_in_dim3A_263 = vector.broadcast %jit3A_260 : f32 to vector<16x512xf32>
          %select_n3A_264 = arith.select %broadcast_in_dim3A_262, %select_n3A_249, %broadcast_in_dim3A_263 : vector<16x512xi1>, vector<16x512xf32>
          %reduce_max3A = arith.constant dense<0xFF800000> : vector<512xf32>
          %reduce_max3A_265 = vector.multi_reduction <maximumf>, %select_n3A_264, %reduce_max3A [0] : vector<16x512xf32> to vector<512xf32>
          %broadcast_in_dim3A_266 = vector.shape_cast %reduce_max3A_265 : vector<512xf32> to vector<1x512xf32>
          %reduce_max3A_267 = arith.constant dense<0xFF800000> : vector<1xf32>
          %reduce_max3A_268 = vector.multi_reduction <maximumf>, %broadcast_in_dim3A_266, %reduce_max3A_267 [1] : vector<1x512xf32> to vector<1xf32>
          %broadcast_in_dim3A_269 = vector.shape_cast %reduce_max3A_268 : vector<1xf32> to vector<1x1xf32>
          %sub3A_270 = arith.subf %broadcast_in_dim3A_269, %broadcast_in_dim3A_259 : vector<1x1xf32>
          %div3A_271 = arith.constant 1.000000e+00 : f32
          %div3A_272 = vector.broadcast %div3A_271 : f32 to vector<1x1xf32>
          %div3A_273 = arith.divf %div3A_272, %sub3A_270 : vector<1x1xf32>
          %sub3A_274 = vector.broadcast %broadcast_in_dim3A_259 : vector<1x1xf32> to vector<16x512xf32>
          %sub3A_275 = arith.subf %select_n3A_249, %sub3A_274 : vector<16x512xf32>
          %mul3A_276 = vector.broadcast %div3A_273 : vector<1x1xf32> to vector<16x512xf32>
          %mul3A_277 = arith.mulf %sub3A_275, %mul3A_276 : vector<16x512xf32>
          %mul3A_278 = arith.constant -0.00999999977 : f32
          %mul3A_279 = vector.broadcast %mul3A_278 : f32 to vector<16x512xf32>
          %mul3A_280 = arith.mulf %mul3A_279, %mul3A_277 : vector<16x512xf32>
          %mul3A_281 = arith.constant 0.166666672 : f32
          %mul3A_282 = vector.broadcast %mul3A_281 : f32 to vector<16x512xf32>
          %mul3A_283 = arith.mulf %mul3A_280, %mul3A_282 : vector<16x512xf32>
          %add3A_284 = arith.constant 5.000000e-01 : f32
          %add3A_285 = vector.broadcast %add3A_284 : f32 to vector<16x512xf32>
          %add3A_286 = arith.addf %add3A_285, %mul3A_283 : vector<16x512xf32>
          %mul3A_287 = arith.mulf %mul3A_280, %add3A_286 : vector<16x512xf32>
          %add3A_288 = arith.constant 1.000000e+00 : f32
          %add3A_289 = vector.broadcast %add3A_288 : f32 to vector<16x512xf32>
          %add3A_290 = arith.addf %add3A_289, %mul3A_287 : vector<16x512xf32>
          %mul3A_291 = arith.mulf %mul3A_280, %add3A_290 : vector<16x512xf32>
          %add3A_292 = arith.constant 1.000000e+00 : f32
          %add3A_293 = vector.broadcast %add3A_292 : f32 to vector<16x512xf32>
          %add3A_294 = arith.addf %add3A_293, %mul3A_291 : vector<16x512xf32>
          %reduce_sum3A_295 = arith.constant dense<0.000000e+00> : vector<16xf32>
          %reduce_sum3A_296 = vector.multi_reduction <add>, %add3A_294, %reduce_sum3A_295 [1] : vector<16x512xf32> to vector<16xf32>
          %broadcast_in_dim3A_297 = vector.shape_cast %reduce_sum3A_296 : vector<16xf32> to vector<16x1xf32>
          %div3A_298 = arith.constant 1.000000e+00 : f32
          %div3A_299 = vector.broadcast %div3A_298 : f32 to vector<16x1xf32>
          %div3A_300 = arith.divf %div3A_299, %broadcast_in_dim3A_297 : vector<16x1xf32>
          %mul3A_301 = vector.broadcast %div3A_300 : vector<16x1xf32> to vector<16x512xf32>
          %mul3A_302 = arith.mulf %add3A_294, %mul3A_301 : vector<16x512xf32>
          %add3A_303 = arith.constant 1.000000e-10 : f32
          %add3A_304 = vector.broadcast %add3A_303 : f32 to vector<16x512xf32>
          %add3A_305 = arith.addf %mul3A_302, %add3A_304 : vector<16x512xf32>
          %jit3A_306 = arith.constant 0.000000e+00 : f32
          %broadcast_in_dim3A_307 = vector.shape_cast %lt3A_83 : vector<16x1xi1> to vector<16x1xi1>
          %broadcast_in_dim3A_308 = vector.broadcast %broadcast_in_dim3A_307 : vector<16x1xi1> to vector<16x512xi1>
          %broadcast_in_dim3A_309 = vector.broadcast %jit3A_306 : f32 to vector<16x512xf32>
          %select_n3A_310 = arith.select %broadcast_in_dim3A_308, %add3A_305, %broadcast_in_dim3A_309 : vector<16x512xi1>, vector<16x512xf32>
          %reduce_sum3A_311 = arith.constant dense<0.000000e+00> : vector<512xf32>
          %reduce_sum3A_312 = vector.multi_reduction <add>, %select_n3A_310, %reduce_sum3A_311 [0] : vector<16x512xf32> to vector<512xf32>
          %broadcast_in_dim3A_313 = vector.shape_cast %reduce_sum3A_312 : vector<512xf32> to vector<1x512xf32>
          %div3A_314 = arith.constant 1.000000e+00 : f32
          %div3A_315 = vector.broadcast %div3A_314 : f32 to vector<1x512xf32>
          %div3A_316 = arith.divf %div3A_315, %broadcast_in_dim3A_313 : vector<1x512xf32>
          %mul3A_317 = vector.broadcast %div3A_316 : vector<1x512xf32> to vector<16x512xf32>
          %mul3A_318 = arith.mulf %select_n3A_310, %mul3A_317 : vector<16x512xf32>
          %sub3A_319 = arith.subf %mul3A_318, %get3A_238 : vector<16x512xf32>
          %dot_general3A_320 = arith.constant dense<0.000000e+00> : vector<16x512xf32>
          %dot_general3A_321 = tpu.matmul %dot_general3A_99, %sub3A_319, %dot_general3A_320 {dimension_numbers = #tpu.dot_dimension_numbers<[1], [0], [0], [1], [0, 0, 1, 1], [], []>, transpose_lhs_hint = false} : vector<16x16xf32>, vector<16x512xf32>, vector<16x512xf32> -> vector<16x512xf32>
          %mul3A_322 = arith.mulf %sub3A_319, %dot_general3A_321 : vector<16x512xf32>
          %reduce_sum3A_323 = arith.constant dense<0.000000e+00> : vector<512xf32>
          %reduce_sum3A_324 = vector.multi_reduction <add>, %mul3A_322, %reduce_sum3A_323 [0] : vector<16x512xf32> to vector<512xf32>
          %broadcast_in_dim3A_325 = vector.shape_cast %reduce_sum3A_324 : vector<512xf32> to vector<1x512xf32>
          %mul3A_326 = vector.broadcast %sub3A_138 : vector<16x1xf32> to vector<16x512xf32>
          %mul3A_327 = arith.mulf %mul3A_318, %mul3A_326 : vector<16x512xf32>
          %reduce_sum3A_328 = arith.constant dense<0.000000e+00> : vector<512xf32>
          %reduce_sum3A_329 = vector.multi_reduction <add>, %mul3A_327, %reduce_sum3A_328 [0] : vector<16x512xf32> to vector<512xf32>
          %broadcast_in_dim3A_330 = vector.shape_cast %reduce_sum3A_329 : vector<512xf32> to vector<1x512xf32>
          %mul3A_331 = arith.constant 2.000000e+00 : f32
          %mul3A_332 = vector.broadcast %mul3A_331 : f32 to vector<1x512xf32>
          %mul3A_333 = arith.mulf %mul3A_332, %broadcast_in_dim3A_330 : vector<1x512xf32>
          %sub3A_334 = vector.broadcast %add3A_154 : vector<1x1xf32> to vector<1x512xf32>
          %sub3A_335 = arith.subf %sub3A_334, %mul3A_333 : vector<1x512xf32>
          %eq3A_336 = arith.constant 0 : i32
          %eq3A_337 = arith.cmpi eq, %while3A_230, %eq3A_336 : i32
          %broadcast_in_dim3A_338 = arith.constant 0.000000e+00 : f32
          %broadcast_in_dim3A_339 = vector.broadcast %broadcast_in_dim3A_338 : f32 to vector<1x512xf32>
          %select_n3A_340 = arith.select %eq3A_337, %sub3A_335, %broadcast_in_dim3A_339 : vector<1x512xf32>
          %add3A_341 = arith.addf %broadcast_in_dim3A_325, %select_n3A_340 : vector<1x512xf32>
          %max3A = arith.constant 0.000000e+00 : f32
          %max3A_342 = vector.broadcast %max3A : f32 to vector<1x512xf32>
          %max3A_343 = arith.maximumf %add3A_341, %max3A_342 : vector<1x512xf32>
          %sqrt3A = math.sqrt %max3A_343 : vector<1x512xf32>
          %reduce_sum3A_344 = vector.shape_cast %sqrt3A : vector<1x512xf32> to vector<1x1x512xf32>
          %reduce_sum3A_345 = arith.constant dense<0.000000e+00> : vector<1xf32>
          %reduce_sum3A_346 = vector.multi_reduction <add>, %reduce_sum3A_344, %reduce_sum3A_345 [1, 2] : vector<1x1x512xf32> to vector<1xf32>
          %reduce_sum3A_347 = vector.shape_cast %reduce_sum3A_346 : vector<1xf32> to vector<1x1x1xf32>
          %reduce_sum3A_348 = vector.extract %reduce_sum3A_347[0, 0, 0] : f32 from vector<1x1x1xf32>
          %jit3A_349 = arith.constant 0.000000e+00 : f32
          %broadcast_in_dim3A_350 = vector.shape_cast %eq3A_81 : vector<1x512xi1> to vector<1x512xi1>
          %broadcast_in_dim3A_351 = vector.broadcast %broadcast_in_dim3A_350 : vector<1x512xi1> to vector<16x512xi1>
          %broadcast_in_dim3A_352 = vector.broadcast %jit3A_349 : f32 to vector<16x512xf32>
          %select_n3A_353 = arith.select %broadcast_in_dim3A_351, %select_n3A_310, %broadcast_in_dim3A_352 : vector<16x512xi1>, vector<16x512xf32>
          %reduce_sum3A_354 = arith.constant dense<0.000000e+00> : vector<16xf32>
          %reduce_sum3A_355 = vector.multi_reduction <add>, %select_n3A_353, %reduce_sum3A_354 [1] : vector<16x512xf32> to vector<16xf32>
          %broadcast_in_dim3A_356 = vector.shape_cast %reduce_sum3A_355 : vector<16xf32> to vector<16x1xf32>
          %jit3A_357 = arith.constant 0.000000e+00 : f32
          %broadcast_in_dim3A_358 = vector.broadcast %jit3A_357 : f32 to vector<1x512xf32>
          %select_n3A_359 = arith.select %eq3A_81, %broadcast_in_dim3A_313, %broadcast_in_dim3A_358 : vector<1x512xi1>, vector<1x512xf32>
          %reduce_sum3A_360 = arith.constant dense<0.000000e+00> : vector<1xf32>
          %reduce_sum3A_361 = vector.multi_reduction <add>, %select_n3A_359, %reduce_sum3A_360 [1] : vector<1x512xf32> to vector<1xf32>
          %broadcast_in_dim3A_362 = vector.shape_cast %reduce_sum3A_361 : vector<1xf32> to vector<1x1xf32>
          %div3A_363 = arith.constant 1.000000e+00 : f32
          %div3A_364 = vector.broadcast %div3A_363 : f32 to vector<1x1xf32>
          %div3A_365 = arith.divf %div3A_364, %broadcast_in_dim3A_362 : vector<1x1xf32>
          %dot_general3A_366 = arith.constant dense<0.000000e+00> : vector<16x1xf32>
          %dot_general3A_367 = tpu.matmul %dot_general3A_99, %broadcast_in_dim3A_356, %dot_general3A_366 {dimension_numbers = #tpu.dot_dimension_numbers<[1], [0], [0], [1], [0, 0, 1, 1], [], []>, transpose_lhs_hint = false} : vector<16x16xf32>, vector<16x1xf32>, vector<16x1xf32> -> vector<16x1xf32>
          %mul3A_368 = arith.mulf %broadcast_in_dim3A_356, %dot_general3A_367 : vector<16x1xf32>
          %reduce_sum3A_369 = arith.constant dense<0.000000e+00> : vector<1xf32>
          %reduce_sum3A_370 = vector.multi_reduction <add>, %mul3A_368, %reduce_sum3A_369 [0] : vector<16x1xf32> to vector<1xf32>
          %broadcast_in_dim3A_371 = vector.shape_cast %reduce_sum3A_370 : vector<1xf32> to vector<1x1xf32>
          %mul3A_372 = arith.mulf %broadcast_in_dim3A_356, %broadcast_in_dim3A_98 : vector<16x1xf32>
          %reduce_sum3A_373 = arith.constant dense<0.000000e+00> : vector<1xf32>
          %reduce_sum3A_374 = vector.multi_reduction <add>, %mul3A_372, %reduce_sum3A_373 [0] : vector<16x1xf32> to vector<1xf32>
          %broadcast_in_dim3A_375 = vector.shape_cast %reduce_sum3A_374 : vector<1xf32> to vector<1x1xf32>
          %mul3A_376 = arith.mulf %broadcast_in_dim3A_371, %div3A_365 : vector<1x1xf32>
          %mul3A_377 = arith.mulf %mul3A_376, %div3A_365 : vector<1x1xf32>
          %mul3A_378 = arith.constant 2.000000e-10 : f32
          %mul3A_379 = vector.broadcast %mul3A_378 : f32 to vector<1x1xf32>
          %mul3A_380 = arith.mulf %mul3A_379, %broadcast_in_dim3A_375 : vector<1x1xf32>
          %mul3A_381 = arith.mulf %mul3A_380, %div3A_365 : vector<1x1xf32>
          %add3A_382 = arith.addf %mul3A_377, %mul3A_381 : vector<1x1xf32>
          %add3A_383 = arith.constant 2.560000e-18 : f32
          %add3A_384 = vector.broadcast %add3A_383 : f32 to vector<1x1xf32>
          %add3A_385 = arith.addf %add3A_382, %add3A_384 : vector<1x1xf32>
          %mul3A_386 = vector.broadcast %div3A_365 : vector<1x1xf32> to vector<16x1xf32>
          %mul3A_387 = arith.mulf %dot_general3A_367, %mul3A_386 : vector<16x1xf32>
          %mul3A_388 = arith.constant 1.000000e-10 : f32
          %mul3A_389 = vector.broadcast %mul3A_388 : f32 to vector<16x1xf32>
          %mul3A_390 = arith.mulf %mul3A_389, %broadcast_in_dim3A_98 : vector<16x1xf32>
          %add3A_391 = arith.addf %mul3A_387, %mul3A_390 : vector<16x1xf32>
          %swap3A_392 = arith.constant 0 : index
          %swap3A_393 = arith.constant 0 : index
          %swap3A_394 = vector.load %arg12[%swap3A_392, %swap3A_393] : memref<128x512xf32, #tpu.memory_space<vmem>>, vector<16x512xf32>
          tpu.vector_store %arg12[%swap3A_392, %swap3A_393], %mul3A_318 {strides = array<i32>} : memref<128x512xf32, #tpu.memory_space<vmem>>, vector<16x512xf32>,
          %add3A_395 = arith.constant 1 : i32
          %add3A_396 = arith.addi %while3A_230, %add3A_395 : i32
          scf.yield %add3A_396, %reduce_sum3A_348, %add3A_391, %add3A_385, %broadcast_in_dim3A_356, %broadcast_in_dim3A_362 : i32, f32, vector<16x1xf32>, vector<1x1xf32>, vector<16x1xf32>, vector<1x1xf32>
        }
        %div3A_166 = arith.constant 1.000000e+00 : f32
        %div3A_167 = vector.broadcast %div3A_166 : f32 to vector<1x1xf32>
        %div3A_168 = arith.divf %div3A_167, %while3A_165#5 : vector<1x1xf32>
        %dot_general3A_169 = arith.constant dense<0.000000e+00> : vector<256x1xf32>
        %dot_general3A_170 = tpu.matmul %select_n3A_91, %while3A_165#4, %dot_general3A_169 {dimension_numbers = #tpu.dot_dimension_numbers<[0], [0], [1], [1], [0, 1, 1, 1], [], []>, transpose_lhs_hint = false} : vector<16x256xf32>, vector<16x1xf32>, vector<256x1xf32> -> vector<256x1xf32>
        %mul3A_171 = vector.broadcast %div3A_168 : vector<1x1xf32> to vector<256x1xf32>
        %mul3A_172 = arith.mulf %dot_general3A_170, %mul3A_171 : vector<256x1xf32>
        %add3A_173 = arith.constant 1.000000e-10 : f32
        %add3A_174 = vector.broadcast %add3A_173 : f32 to vector<256x1xf32>
        %add3A_175 = arith.addf %mul3A_172, %add3A_174 : vector<256x1xf32>
        %eq3A_176 = vector.broadcast %scan3A_24 : i32 to vector<256x512xi32>
        %eq3A_177 = arith.cmpi eq, %iota3A, %eq3A_176 : vector<256x512xi32>
        %broadcast_in_dim3A_178 = vector.shape_cast %add3A_175 : vector<256x1xf32> to vector<256x1xf32>
        %broadcast_in_dim3A_179 = vector.broadcast %broadcast_in_dim3A_178 : vector<256x1xf32> to vector<256x512xf32>
        %get3A_180 = arith.constant 0 : index
        %get3A_181 = arith.constant 0 : index
        %get3A_182 = vector.load %arg5[%get3A_180, %get3A_181] : memref<256x512xf32, #tpu.memory_space<vmem>>, vector<256x512xf32>
        %select_n3A_183 = arith.select %eq3A_177, %broadcast_in_dim3A_179, %get3A_182 : vector<256x512xi1>, vector<256x512xf32>
        %swap3A_184 = arith.constant 0 : index
        %swap3A_185 = arith.constant 0 : index
        %swap3A_186 = vector.load %arg5[%swap3A_184, %swap3A_185] : memref<256x512xf32, #tpu.memory_space<vmem>>, vector<256x512xf32>
        tpu.vector_store %arg5[%swap3A_184, %swap3A_185], %select_n3A_183 {strides = array<i32>} : memref<256x512xf32, #tpu.memory_space<vmem>>, vector<256x512xf32>,
        %get3A_187 = arith.constant 0 : index
        %get3A_188 = arith.constant 0 : index
        %get3A_189 = vector.load %arg10[%get3A_187, %get3A_188] : memref<1x512xf32, #tpu.memory_space<vmem>>, vector<1x512xf32>
        %broadcast_in_dim3A_190 = vector.shape_cast %while3A_165#3 : vector<1x1xf32> to vector<1x1xf32>
        %broadcast_in_dim3A_191 = vector.broadcast %broadcast_in_dim3A_190 : vector<1x1xf32> to vector<1x512xf32>
        %select_n3A_192 = arith.select %eq3A_81, %broadcast_in_dim3A_191, %get3A_189 : vector<1x512xi1>, vector<1x512xf32>
        %swap3A_193 = arith.constant 0 : index
        %swap3A_194 = arith.constant 0 : index
        %swap3A_195 = vector.load %arg10[%swap3A_193, %swap3A_194] : memref<1x512xf32, #tpu.memory_space<vmem>>, vector<1x512xf32>
        tpu.vector_store %arg10[%swap3A_193, %swap3A_194], %select_n3A_192 {strides = array<i32>} : memref<1x512xf32, #tpu.memory_space<vmem>>, vector<1x512xf32>,
        %reduce_sum3A_196 = arith.constant dense<0.000000e+00> : vector<1xf32>
        %reduce_sum3A_197 = vector.multi_reduction <add>, %add3A_175, %reduce_sum3A_196 [0] : vector<256x1xf32> to vector<1xf32>
        %broadcast_in_dim3A_198 = vector.shape_cast %reduce_sum3A_197 : vector<1xf32> to vector<1x1xf32>
        %get3A_199 = arith.constant 0 : index
        %get3A_200 = arith.constant 0 : index
        %get3A_201 = vector.load %arg11[%get3A_199, %get3A_200] : memref<1x512xf32, #tpu.memory_space<vmem>>, vector<1x512xf32>
        %broadcast_in_dim3A_202 = vector.shape_cast %broadcast_in_dim3A_198 : vector<1x1xf32> to vector<1x1xf32>
        %broadcast_in_dim3A_203 = vector.broadcast %broadcast_in_dim3A_202 : vector<1x1xf32> to vector<1x512xf32>
        %select_n3A_204 = arith.select %eq3A_81, %broadcast_in_dim3A_203, %get3A_201 : vector<1x512xi1>, vector<1x512xf32>
        %swap3A_205 = arith.constant 0 : index
        %swap3A_206 = arith.constant 0 : index
        %swap3A_207 = vector.load %arg11[%swap3A_205, %swap3A_206] : memref<1x512xf32, #tpu.memory_space<vmem>>, vector<1x512xf32>
        tpu.vector_store %arg11[%swap3A_205, %swap3A_206], %select_n3A_204 {strides = array<i32>} : memref<1x512xf32, #tpu.memory_space<vmem>>, vector<1x512xf32>,
        %mul3A_208 = arith.constant 2.000000e+00 : f32
        %mul3A_209 = vector.broadcast %mul3A_208 : f32 to vector<16x1xf32>
        %mul3A_210 = arith.mulf %mul3A_209, %while3A_165#2 : vector<16x1xf32>
        %sub3A_211 = arith.subf %broadcast_in_dim3A_95, %mul3A_210 : vector<16x1xf32>
        %add3A_212 = vector.broadcast %while3A_165#3 : vector<1x1xf32> to vector<16x1xf32>
        %add3A_213 = arith.addf %sub3A_211, %add3A_212 : vector<16x1xf32>
        %jit3A_214 = arith.constant 0.000000e+00 : f32
        %broadcast_in_dim3A_215 = vector.broadcast %jit3A_214 : f32 to vector<16x1xf32>
        %select_n3A_216 = arith.select %lt3A_83, %add3A_213, %broadcast_in_dim3A_215 : vector<16x1xi1>, vector<16x1xf32>
        %get3A_217 = arith.constant 0 : index
        %get3A_218 = arith.constant 0 : index
        %get3A_219 = vector.load %arg4[%get3A_217, %get3A_218] : memref<1x1xf32, #tpu.memory_space<vmem>>, vector<1x1xf32>
        %reduce_sum3A_220 = vector.shape_cast %select_n3A_216 : vector<16x1xf32> to vector<1x16x1xf32>
        %reduce_sum3A_221 = arith.constant dense<0.000000e+00> : vector<1xf32>
        %reduce_sum3A_222 = vector.multi_reduction <add>, %reduce_sum3A_220, %reduce_sum3A_221 [1, 2] : vector<1x16x1xf32> to vector<1xf32>
        %reduce_sum3A_223 = vector.shape_cast %reduce_sum3A_222 : vector<1xf32> to vector<1x1x1xf32>
        %reduce_sum3A_224 = vector.extract %reduce_sum3A_223[0, 0, 0] : f32 from vector<1x1x1xf32>
        %add3A_225 = vector.broadcast %reduce_sum3A_224 : f32 to vector<1x1xf32>
        %add3A_226 = arith.addf %get3A_219, %add3A_225 : vector<1x1xf32>
        %swap3A_227 = arith.constant 0 : index
        %swap3A_228 = arith.constant 0 : index
        %swap3A_229 = vector.load %arg4[%swap3A_227, %swap3A_228] : memref<1x1xf32, #tpu.memory_space<vmem>>, vector<1x1xf32>
        tpu.vector_store %arg4[%swap3A_227, %swap3A_228], %add3A_226 {strides = array<i32>} : memref<1x1xf32, #tpu.memory_space<vmem>>, vector<1x1xf32>,
      } else {
      }
      %gt3A_52 = arith.constant 16 : i32
      %gt3A_53 = arith.cmpi sgt, %get3A_27, %gt3A_52 : i32
      %le3A_54 = arith.constant 32 : i32
      %le3A_55 = arith.cmpi sle, %get3A_27, %le3A_54 : i32
      %and3A_56 = arith.andi %gt3A_53, %le3A_55 : i1
      %convert_element_type3A_57 = arith.extui %and3A_56 : i1 to i32
      %cond3A_58 = arith.constant 0 : i32
      %cond3A_59 = arith.cmpi ne, %convert_element_type3A_57, %cond3A_58 : i32
      scf.if %cond3A_59 {
        %eq3A = vector.broadcast %scan3A_24 : i32 to vector<1x512xi32>
        %eq3A_81 = arith.cmpi eq, %iota3A_14, %eq3A : vector<1x512xi32>
        %iota3A_82 = tpu.iota {dimensions = array<i32: 0>} : vector<32x1xi32>
        %lt3A = vector.broadcast %get3A_27 : i32 to vector<32x1xi32>
        %lt3A_83 = arith.cmpi slt, %iota3A_82, %lt3A : vector<32x1xi32>
        %get3A_84 = arith.index_cast %multiple_of3A : i32 to index
        %get3A_85 = arith.constant 0 : index
        %get3A_86 = vector.load %arg3[%get3A_84, %get3A_85] : memref<8816x256xf32, #tpu.memory_space<vmem>>, vector<32x256xf32>
        %jit3A_87 = arith.constant 0.000000e+00 : f32
        %broadcast_in_dim3A_88 = vector.shape_cast %lt3A_83 : vector<32x1xi1> to vector<32x1xi1>
        %broadcast_in_dim3A_89 = vector.broadcast %broadcast_in_dim3A_88 : vector<32x1xi1> to vector<32x256xi1>
        %broadcast_in_dim3A_90 = vector.broadcast %jit3A_87 : f32 to vector<32x256xf32>
        %select_n3A_91 = arith.select %broadcast_in_dim3A_89, %get3A_86, %broadcast_in_dim3A_90 : vector<32x256xi1>, vector<32x256xf32>
        %mul3A_92 = arith.mulf %select_n3A_91, %select_n3A_91 : vector<32x256xf32>
        %reduce_sum3A_93 = arith.constant dense<0.000000e+00> : vector<32xf32>
        %reduce_sum3A_94 = vector.multi_reduction <add>, %mul3A_92, %reduce_sum3A_93 [1] : vector<32x256xf32> to vector<32xf32>
        %broadcast_in_dim3A_95 = vector.shape_cast %reduce_sum3A_94 : vector<32xf32> to vector<32x1xf32>
        %reduce_sum3A_96 = arith.constant dense<0.000000e+00> : vector<32xf32>
        %reduce_sum3A_97 = vector.multi_reduction <add>, %select_n3A_91, %reduce_sum3A_96 [1] : vector<32x256xf32> to vector<32xf32>
        %broadcast_in_dim3A_98 = vector.shape_cast %reduce_sum3A_97 : vector<32xf32> to vector<32x1xf32>
        %dot_general3A = arith.constant dense<0.000000e+00> : vector<32x32xf32>
        %dot_general3A_99 = tpu.matmul %select_n3A_91, %select_n3A_91, %dot_general3A {dimension_numbers = #tpu.dot_dimension_numbers<[1], [1], [0], [0], [0, 0, 1, 0], [], []>, transpose_lhs_hint = false} : vector<32x256xf32>, vector<32x256xf32>, vector<32x32xf32> -> vector<32x32xf32>
        %get3A_100 = arith.constant 0 : index
        %get3A_101 = arith.constant 0 : index
        %get3A_102 = vector.load %arg10[%get3A_100, %get3A_101] : memref<1x512xf32, #tpu.memory_space<vmem>>, vector<1x512xf32>
        %add3A_103 = vector.broadcast %broadcast_in_dim3A_95 : vector<32x1xf32> to vector<32x512xf32>
        %add3A_104 = vector.broadcast %get3A_102 : vector<1x512xf32> to vector<32x512xf32>
        %add3A_105 = arith.addf %add3A_103, %add3A_104 : vector<32x512xf32>
        %get3A_106 = arith.constant 0 : index
        %get3A_107 = arith.constant 0 : index
        %get3A_108 = vector.load %arg5[%get3A_106, %get3A_107] : memref<256x512xf32, #tpu.memory_space<vmem>>, vector<256x512xf32>
        %dot_general3A_109 = arith.constant dense<0.000000e+00> : vector<32x512xf32>
        %dot_general3A_110 = tpu.matmul %select_n3A_91, %get3A_108, %dot_general3A_109 {dimension_numbers = #tpu.dot_dimension_numbers<[1], [0], [0], [1], [0, 0, 1, 1], [], []>, transpose_lhs_hint = false} : vector<32x256xf32>, vector<256x512xf32>, vector<32x512xf32> -> vector<32x512xf32>
        %mul3A_111 = arith.constant 2.000000e+00 : f32
        %mul3A_112 = vector.broadcast %mul3A_111 : f32 to vector<32x512xf32>
        %mul3A_113 = arith.mulf %mul3A_112, %dot_general3A_110 : vector<32x512xf32>
        %sub3A_114 = arith.subf %add3A_105, %mul3A_113 : vector<32x512xf32>
        %jit3A_115 = arith.constant 0.000000e+00 : f32
        %broadcast_in_dim3A_116 = vector.broadcast %jit3A_115 : f32 to vector<1x512xf32>
        %select_n3A_117 = arith.select %eq3A_81, %get3A_102, %broadcast_in_dim3A_116 : vector<1x512xi1>, vector<1x512xf32>
        %reduce_sum3A_118 = arith.constant dense<0.000000e+00> : vector<1xf32>
        %reduce_sum3A_119 = vector.multi_reduction <add>, %select_n3A_117, %reduce_sum3A_118 [1] : vector<1x512xf32> to vector<1xf32>
        %broadcast_in_dim3A_120 = vector.shape_cast %reduce_sum3A_119 : vector<1xf32> to vector<1x1xf32>
        %jit3A_121 = arith.constant 0.000000e+00 : f32
        %broadcast_in_dim3A_122 = vector.shape_cast %eq3A_81 : vector<1x512xi1> to vector<1x512xi1>
        %broadcast_in_dim3A_123 = vector.broadcast %broadcast_in_dim3A_122 : vector<1x512xi1> to vector<32x512xi1>
        %broadcast_in_dim3A_124 = vector.broadcast %jit3A_121 : f32 to vector<32x512xf32>
        %select_n3A_125 = arith.select %broadcast_in_dim3A_123, %sub3A_114, %broadcast_in_dim3A_124 : vector<32x512xi1>, vector<32x512xf32>
        %reduce_sum3A_126 = arith.constant dense<0.000000e+00> : vector<32xf32>
        %reduce_sum3A_127 = vector.multi_reduction <add>, %select_n3A_125, %reduce_sum3A_126 [1] : vector<32x512xf32> to vector<32xf32>
        %broadcast_in_dim3A_128 = vector.shape_cast %reduce_sum3A_127 : vector<32xf32> to vector<32x1xf32>
        %add3A_129 = vector.broadcast %broadcast_in_dim3A_120 : vector<1x1xf32> to vector<32x1xf32>
        %add3A_130 = arith.addf %broadcast_in_dim3A_95, %add3A_129 : vector<32x1xf32>
        %sub3A_131 = arith.subf %add3A_130, %broadcast_in_dim3A_128 : vector<32x1xf32>
        %mul3A_132 = arith.constant 5.000000e-01 : f32
        %mul3A_133 = vector.broadcast %mul3A_132 : f32 to vector<32x1xf32>
        %mul3A_134 = arith.mulf %sub3A_131, %mul3A_133 : vector<32x1xf32>
        %mul3A_135 = arith.constant 1.000000e-10 : f32
        %mul3A_136 = vector.broadcast %mul3A_135 : f32 to vector<32x1xf32>
        %mul3A_137 = arith.mulf %mul3A_136, %broadcast_in_dim3A_98 : vector<32x1xf32>
        %sub3A_138 = arith.subf %mul3A_134, %mul3A_137 : vector<32x1xf32>
        %get3A_139 = arith.constant 0 : index
        %get3A_140 = arith.constant 0 : index
        %get3A_141 = vector.load %arg11[%get3A_139, %get3A_140] : memref<1x512xf32, #tpu.memory_space<vmem>>, vector<1x512xf32>
        %jit3A_142 = arith.constant 0.000000e+00 : f32
        %broadcast_in_dim3A_143 = vector.broadcast %jit3A_142 : f32 to vector<1x512xf32>
        %select_n3A_144 = arith.select %eq3A_81, %get3A_141, %broadcast_in_dim3A_143 : vector<1x512xi1>, vector<1x512xf32>
        %reduce_sum3A_145 = arith.constant dense<0.000000e+00> : vector<1xf32>
        %reduce_sum3A_146 = vector.multi_reduction <add>, %select_n3A_144, %reduce_sum3A_145 [1] : vector<1x512xf32> to vector<1xf32>
        %broadcast_in_dim3A_147 = vector.shape_cast %reduce_sum3A_146 : vector<1xf32> to vector<1x1xf32>
        %mul3A_148 = arith.constant 2.000000e-10 : f32
        %mul3A_149 = vector.broadcast %mul3A_148 : f32 to vector<1x1xf32>
        %mul3A_150 = arith.mulf %mul3A_149, %broadcast_in_dim3A_147 : vector<1x1xf32>
        %sub3A_151 = arith.subf %broadcast_in_dim3A_120, %mul3A_150 : vector<1x1xf32>
        %add3A_152 = arith.constant 2.560000e-18 : f32
        %add3A_153 = vector.broadcast %add3A_152 : f32 to vector<1x1xf32>
        %add3A_154 = arith.addf %sub3A_151, %add3A_153 : vector<1x1xf32>
        %broadcast_in_dim3A_155 = arith.constant 0.000000e+00 : f32
        %broadcast_in_dim3A_156 = vector.broadcast %broadcast_in_dim3A_155 : f32 to vector<32x512xf32>
        %swap3A_157 = arith.constant 0 : index
        %swap3A_158 = arith.constant 0 : index
        %swap3A_159 = vector.load %arg12[%swap3A_157, %swap3A_158] : memref<128x512xf32, #tpu.memory_space<vmem>>, vector<32x512xf32>
        tpu.vector_store %arg12[%swap3A_157, %swap3A_158], %broadcast_in_dim3A_156 {strides = array<i32>} : memref<128x512xf32, #tpu.memory_space<vmem>>, vector<32x512xf32>,
        %broadcast_in_dim3A_160 = arith.constant 0.000000e+00 : f32
        %broadcast_in_dim3A_161 = vector.broadcast %broadcast_in_dim3A_160 : f32 to vector<32x1xf32>
        %broadcast_in_dim3A_162 = arith.constant 1.000000e+00 : f32
        %broadcast_in_dim3A_163 = vector.broadcast %broadcast_in_dim3A_162 : f32 to vector<1x1xf32>
        %while3A = arith.constant 0 : i32
        %while3A_164 = arith.constant 0.000000e+00 : f32
        %while3A_165:6 = scf.while (%while3A_230 = %while3A, %while3A_231 = %while3A_164, %while3A_232 = %mul3A_134, %while3A_233 = %broadcast_in_dim3A_120, %while3A_234 = %broadcast_in_dim3A_161, %while3A_235 = %broadcast_in_dim3A_163) : (i32, f32, vector<32x1xf32>, vector<1x1xf32>, vector<32x1xf32>, vector<1x1xf32>) -> (i32, f32, vector<32x1xf32>, vector<1x1xf32>, vector<32x1xf32>, vector<1x1xf32>) {
          %eq3A_236 = arith.constant 0 : i32
          %eq3A_237 = arith.cmpi eq, %while3A_230, %eq3A_236 : i32
          %mul3A_238 = arith.mulf %while3A_231, %while3A_231 : f32
          %ge3A = arith.constant 9.99999974E-5 : f32
          %ge3A_239 = arith.cmpf oge, %mul3A_238, %ge3A : f32
          %lt3A_240 = arith.constant 10 : i32
          %lt3A_241 = arith.cmpi slt, %while3A_230, %lt3A_240 : i32
          %and3A_242 = arith.andi %ge3A_239, %lt3A_241 : i1
          %or3A = arith.ori %eq3A_237, %and3A_242 : i1
          scf.condition(%or3A) %while3A_230, %while3A_231, %while3A_232, %while3A_233, %while3A_234, %while3A_235 : i32, f32, vector<32x1xf32>, vector<1x1xf32>, vector<32x1xf32>, vector<1x1xf32>
        } do {
        ^bb0(%while3A_230: i32, %while3A_231: f32, %while3A_232: vector<32x1xf32>, %while3A_233: vector<1x1xf32>, %while3A_234: vector<32x1xf32>, %while3A_235: vector<1x1xf32>):
          %get3A_236 = arith.constant 0 : index
          %get3A_237 = arith.constant 0 : index
          %get3A_238 = vector.load %arg12[%get3A_236, %get3A_237] : memref<128x512xf32, #tpu.memory_space<vmem>>, vector<32x512xf32>
          %add3A_239 = vector.broadcast %while3A_233 : vector<1x1xf32> to vector<32x1xf32>
          %add3A_240 = arith.addf %broadcast_in_dim3A_95, %add3A_239 : vector<32x1xf32>
          %mul3A_241 = arith.constant 2.000000e+00 : f32
          %mul3A_242 = vector.broadcast %mul3A_241 : f32 to vector<32x1xf32>
          %mul3A_243 = arith.mulf %mul3A_242, %while3A_232 : vector<32x1xf32>
          %sub3A_244 = arith.subf %add3A_240, %mul3A_243 : vector<32x1xf32>
          %broadcast_in_dim3A_245 = vector.shape_cast %eq3A_81 : vector<1x512xi1> to vector<1x512xi1>
          %broadcast_in_dim3A_246 = vector.broadcast %broadcast_in_dim3A_245 : vector<1x512xi1> to vector<32x512xi1>
          %broadcast_in_dim3A_247 = vector.shape_cast %sub3A_244 : vector<32x1xf32> to vector<32x1xf32>
          %broadcast_in_dim3A_248 = vector.broadcast %broadcast_in_dim3A_247 : vector<32x1xf32> to vector<32x512xf32>
          %select_n3A_249 = arith.select %broadcast_in_dim3A_246, %broadcast_in_dim3A_248, %sub3A_114 : vector<32x512xi1>, vector<32x512xf32>
          %jit3A_250 = arith.constant 0x7F800000 : f32
          %broadcast_in_dim3A_251 = vector.shape_cast %lt3A_83 : vector<32x1xi1> to vector<32x1xi1>
          %broadcast_in_dim3A_252 = vector.broadcast %broadcast_in_dim3A_251 : vector<32x1xi1> to vector<32x512xi1>
          %broadcast_in_dim3A_253 = vector.broadcast %jit3A_250 : f32 to vector<32x512xf32>
          %select_n3A_254 = arith.select %broadcast_in_dim3A_252, %select_n3A_249, %broadcast_in_dim3A_253 : vector<32x512xi1>, vector<32x512xf32>
          %reduce_min3A = arith.constant dense<0x7F800000> : vector<512xf32>
          %reduce_min3A_255 = vector.multi_reduction <minimumf>, %select_n3A_254, %reduce_min3A [0] : vector<32x512xf32> to vector<512xf32>
          %broadcast_in_dim3A_256 = vector.shape_cast %reduce_min3A_255 : vector<512xf32> to vector<1x512xf32>
          %reduce_min3A_257 = arith.constant dense<0x7F800000> : vector<1xf32>
          %reduce_min3A_258 = vector.multi_reduction <minimumf>, %broadcast_in_dim3A_256, %reduce_min3A_257 [1] : vector<1x512xf32> to vector<1xf32>
          %broadcast_in_dim3A_259 = vector.shape_cast %reduce_min3A_258 : vector<1xf32> to vector<1x1xf32>
          %jit3A_260 = arith.constant 0xFF800000 : f32
          %broadcast_in_dim3A_261 = vector.shape_cast %lt3A_83 : vector<32x1xi1> to vector<32x1xi1>
          %broadcast_in_dim3A_262 = vector.broadcast %broadcast_in_dim3A_261 : vector<32x1xi1> to vector<32x512xi1>
          %broadcast_in_dim3A_263 = vector.broadcast %jit3A_260 : f32 to vector<32x512xf32>
          %select_n3A_264 = arith.select %broadcast_in_dim3A_262, %select_n3A_249, %broadcast_in_dim3A_263 : vector<32x512xi1>, vector<32x512xf32>
          %reduce_max3A = arith.constant dense<0xFF800000> : vector<512xf32>
          %reduce_max3A_265 = vector.multi_reduction <maximumf>, %select_n3A_264, %reduce_max3A [0] : vector<32x512xf32> to vector<512xf32>
          %broadcast_in_dim3A_266 = vector.shape_cast %reduce_max3A_265 : vector<512xf32> to vector<1x512xf32>
          %reduce_max3A_267 = arith.constant dense<0xFF800000> : vector<1xf32>
          %reduce_max3A_268 = vector.multi_reduction <maximumf>, %broadcast_in_dim3A_266, %reduce_max3A_267 [1] : vector<1x512xf32> to vector<1xf32>
          %broadcast_in_dim3A_269 = vector.shape_cast %reduce_max3A_268 : vector<1xf32> to vector<1x1xf32>
          %sub3A_270 = arith.subf %broadcast_in_dim3A_269, %broadcast_in_dim3A_259 : vector<1x1xf32>
          %div3A_271 = arith.constant 1.000000e+00 : f32
          %div3A_272 = vector.broadcast %div3A_271 : f32 to vector<1x1xf32>
          %div3A_273 = arith.divf %div3A_272, %sub3A_270 : vector<1x1xf32>
          %sub3A_274 = vector.broadcast %broadcast_in_dim3A_259 : vector<1x1xf32> to vector<32x512xf32>
          %sub3A_275 = arith.subf %select_n3A_249, %sub3A_274 : vector<32x512xf32>
          %mul3A_276 = vector.broadcast %div3A_273 : vector<1x1xf32> to vector<32x512xf32>
          %mul3A_277 = arith.mulf %sub3A_275, %mul3A_276 : vector<32x512xf32>
          %mul3A_278 = arith.constant -0.00999999977 : f32
          %mul3A_279 = vector.broadcast %mul3A_278 : f32 to vector<32x512xf32>
          %mul3A_280 = arith.mulf %mul3A_279, %mul3A_277 : vector<32x512xf32>
          %mul3A_281 = arith.constant 0.166666672 : f32
          %mul3A_282 = vector.broadcast %mul3A_281 : f32 to vector<32x512xf32>
          %mul3A_283 = arith.mulf %mul3A_280, %mul3A_282 : vector<32x512xf32>
          %add3A_284 = arith.constant 5.000000e-01 : f32
          %add3A_285 = vector.broadcast %add3A_284 : f32 to vector<32x512xf32>
          %add3A_286 = arith.addf %add3A_285, %mul3A_283 : vector<32x512xf32>
          %mul3A_287 = arith.mulf %mul3A_280, %add3A_286 : vector<32x512xf32>
          %add3A_288 = arith.constant 1.000000e+00 : f32
          %add3A_289 = vector.broadcast %add3A_288 : f32 to vector<32x512xf32>
          %add3A_290 = arith.addf %add3A_289, %mul3A_287 : vector<32x512xf32>
          %mul3A_291 = arith.mulf %mul3A_280, %add3A_290 : vector<32x512xf32>
          %add3A_292 = arith.constant 1.000000e+00 : f32
          %add3A_293 = vector.broadcast %add3A_292 : f32 to vector<32x512xf32>
          %add3A_294 = arith.addf %add3A_293, %mul3A_291 : vector<32x512xf32>
          %reduce_sum3A_295 = arith.constant dense<0.000000e+00> : vector<32xf32>
          %reduce_sum3A_296 = vector.multi_reduction <add>, %add3A_294, %reduce_sum3A_295 [1] : vector<32x512xf32> to vector<32xf32>
          %broadcast_in_dim3A_297 = vector.shape_cast %reduce_sum3A_296 : vector<32xf32> to vector<32x1xf32>
          %div3A_298 = arith.constant 1.000000e+00 : f32
          %div3A_299 = vector.broadcast %div3A_298 : f32 to vector<32x1xf32>
          %div3A_300 = arith.divf %div3A_299, %broadcast_in_dim3A_297 : vector<32x1xf32>
          %mul3A_301 = vector.broadcast %div3A_300 : vector<32x1xf32> to vector<32x512xf32>
          %mul3A_302 = arith.mulf %add3A_294, %mul3A_301 : vector<32x512xf32>
          %add3A_303 = arith.constant 1.000000e-10 : f32
          %add3A_304 = vector.broadcast %add3A_303 : f32 to vector<32x512xf32>
          %add3A_305 = arith.addf %mul3A_302, %add3A_304 : vector<32x512xf32>
          %jit3A_306 = arith.constant 0.000000e+00 : f32
          %broadcast_in_dim3A_307 = vector.shape_cast %lt3A_83 : vector<32x1xi1> to vector<32x1xi1>
          %broadcast_in_dim3A_308 = vector.broadcast %broadcast_in_dim3A_307 : vector<32x1xi1> to vector<32x512xi1>
          %broadcast_in_dim3A_309 = vector.broadcast %jit3A_306 : f32 to vector<32x512xf32>
          %select_n3A_310 = arith.select %broadcast_in_dim3A_308, %add3A_305, %broadcast_in_dim3A_309 : vector<32x512xi1>, vector<32x512xf32>
          %reduce_sum3A_311 = arith.constant dense<0.000000e+00> : vector<512xf32>
          %reduce_sum3A_312 = vector.multi_reduction <add>, %select_n3A_310, %reduce_sum3A_311 [0] : vector<32x512xf32> to vector<512xf32>
          %broadcast_in_dim3A_313 = vector.shape_cast %reduce_sum3A_312 : vector<512xf32> to vector<1x512xf32>
          %div3A_314 = arith.constant 1.000000e+00 : f32
          %div3A_315 = vector.broadcast %div3A_314 : f32 to vector<1x512xf32>
          %div3A_316 = arith.divf %div3A_315, %broadcast_in_dim3A_313 : vector<1x512xf32>
          %mul3A_317 = vector.broadcast %div3A_316 : vector<1x512xf32> to vector<32x512xf32>
          %mul3A_318 = arith.mulf %select_n3A_310, %mul3A_317 : vector<32x512xf32>
          %sub3A_319 = arith.subf %mul3A_318, %get3A_238 : vector<32x512xf32>
          %dot_general3A_320 = arith.constant dense<0.000000e+00> : vector<32x512xf32>
          %dot_general3A_321 = tpu.matmul %dot_general3A_99, %sub3A_319, %dot_general3A_320 {dimension_numbers = #tpu.dot_dimension_numbers<[1], [0], [0], [1], [0, 0, 1, 1], [], []>, transpose_lhs_hint = false} : vector<32x32xf32>, vector<32x512xf32>, vector<32x512xf32> -> vector<32x512xf32>
          %mul3A_322 = arith.mulf %sub3A_319, %dot_general3A_321 : vector<32x512xf32>
          %reduce_sum3A_323 = arith.constant dense<0.000000e+00> : vector<512xf32>
          %reduce_sum3A_324 = vector.multi_reduction <add>, %mul3A_322, %reduce_sum3A_323 [0] : vector<32x512xf32> to vector<512xf32>
          %broadcast_in_dim3A_325 = vector.shape_cast %reduce_sum3A_324 : vector<512xf32> to vector<1x512xf32>
          %mul3A_326 = vector.broadcast %sub3A_138 : vector<32x1xf32> to vector<32x512xf32>
          %mul3A_327 = arith.mulf %mul3A_318, %mul3A_326 : vector<32x512xf32>
          %reduce_sum3A_328 = arith.constant dense<0.000000e+00> : vector<512xf32>
          %reduce_sum3A_329 = vector.multi_reduction <add>, %mul3A_327, %reduce_sum3A_328 [0] : vector<32x512xf32> to vector<512xf32>
          %broadcast_in_dim3A_330 = vector.shape_cast %reduce_sum3A_329 : vector<512xf32> to vector<1x512xf32>
          %mul3A_331 = arith.constant 2.000000e+00 : f32
          %mul3A_332 = vector.broadcast %mul3A_331 : f32 to vector<1x512xf32>
          %mul3A_333 = arith.mulf %mul3A_332, %broadcast_in_dim3A_330 : vector<1x512xf32>
          %sub3A_334 = vector.broadcast %add3A_154 : vector<1x1xf32> to vector<1x512xf32>
          %sub3A_335 = arith.subf %sub3A_334, %mul3A_333 : vector<1x512xf32>
          %eq3A_336 = arith.constant 0 : i32
          %eq3A_337 = arith.cmpi eq, %while3A_230, %eq3A_336 : i32
          %broadcast_in_dim3A_338 = arith.constant 0.000000e+00 : f32
          %broadcast_in_dim3A_339 = vector.broadcast %broadcast_in_dim3A_338 : f32 to vector<1x512xf32>
          %select_n3A_340 = arith.select %eq3A_337, %sub3A_335, %broadcast_in_dim3A_339 : vector<1x512xf32>
          %add3A_341 = arith.addf %broadcast_in_dim3A_325, %select_n3A_340 : vector<1x512xf32>
          %max3A = arith.constant 0.000000e+00 : f32
          %max3A_342 = vector.broadcast %max3A : f32 to vector<1x512xf32>
          %max3A_343 = arith.maximumf %add3A_341, %max3A_342 : vector<1x512xf32>
          %sqrt3A = math.sqrt %max3A_343 : vector<1x512xf32>
          %reduce_sum3A_344 = vector.shape_cast %sqrt3A : vector<1x512xf32> to vector<1x1x512xf32>
          %reduce_sum3A_345 = arith.constant dense<0.000000e+00> : vector<1xf32>
          %reduce_sum3A_346 = vector.multi_reduction <add>, %reduce_sum3A_344, %reduce_sum3A_345 [1, 2] : vector<1x1x512xf32> to vector<1xf32>
          %reduce_sum3A_347 = vector.shape_cast %reduce_sum3A_346 : vector<1xf32> to vector<1x1x1xf32>
          %reduce_sum3A_348 = vector.extract %reduce_sum3A_347[0, 0, 0] : f32 from vector<1x1x1xf32>
          %jit3A_349 = arith.constant 0.000000e+00 : f32
          %broadcast_in_dim3A_350 = vector.shape_cast %eq3A_81 : vector<1x512xi1> to vector<1x512xi1>
          %broadcast_in_dim3A_351 = vector.broadcast %broadcast_in_dim3A_350 : vector<1x512xi1> to vector<32x512xi1>
          %broadcast_in_dim3A_352 = vector.broadcast %jit3A_349 : f32 to vector<32x512xf32>
          %select_n3A_353 = arith.select %broadcast_in_dim3A_351, %select_n3A_310, %broadcast_in_dim3A_352 : vector<32x512xi1>, vector<32x512xf32>
          %reduce_sum3A_354 = arith.constant dense<0.000000e+00> : vector<32xf32>
          %reduce_sum3A_355 = vector.multi_reduction <add>, %select_n3A_353, %reduce_sum3A_354 [1] : vector<32x512xf32> to vector<32xf32>
          %broadcast_in_dim3A_356 = vector.shape_cast %reduce_sum3A_355 : vector<32xf32> to vector<32x1xf32>
          %jit3A_357 = arith.constant 0.000000e+00 : f32
          %broadcast_in_dim3A_358 = vector.broadcast %jit3A_357 : f32 to vector<1x512xf32>
          %select_n3A_359 = arith.select %eq3A_81, %broadcast_in_dim3A_313, %broadcast_in_dim3A_358 : vector<1x512xi1>, vector<1x512xf32>
          %reduce_sum3A_360 = arith.constant dense<0.000000e+00> : vector<1xf32>
          %reduce_sum3A_361 = vector.multi_reduction <add>, %select_n3A_359, %reduce_sum3A_360 [1] : vector<1x512xf32> to vector<1xf32>
          %broadcast_in_dim3A_362 = vector.shape_cast %reduce_sum3A_361 : vector<1xf32> to vector<1x1xf32>
          %div3A_363 = arith.constant 1.000000e+00 : f32
          %div3A_364 = vector.broadcast %div3A_363 : f32 to vector<1x1xf32>
          %div3A_365 = arith.divf %div3A_364, %broadcast_in_dim3A_362 : vector<1x1xf32>
          %dot_general3A_366 = arith.constant dense<0.000000e+00> : vector<32x1xf32>
          %dot_general3A_367 = tpu.matmul %dot_general3A_99, %broadcast_in_dim3A_356, %dot_general3A_366 {dimension_numbers = #tpu.dot_dimension_numbers<[1], [0], [0], [1], [0, 0, 1, 1], [], []>, transpose_lhs_hint = false} : vector<32x32xf32>, vector<32x1xf32>, vector<32x1xf32> -> vector<32x1xf32>
          %mul3A_368 = arith.mulf %broadcast_in_dim3A_356, %dot_general3A_367 : vector<32x1xf32>
          %reduce_sum3A_369 = arith.constant dense<0.000000e+00> : vector<1xf32>
          %reduce_sum3A_370 = vector.multi_reduction <add>, %mul3A_368, %reduce_sum3A_369 [0] : vector<32x1xf32> to vector<1xf32>
          %broadcast_in_dim3A_371 = vector.shape_cast %reduce_sum3A_370 : vector<1xf32> to vector<1x1xf32>
          %mul3A_372 = arith.mulf %broadcast_in_dim3A_356, %broadcast_in_dim3A_98 : vector<32x1xf32>
          %reduce_sum3A_373 = arith.constant dense<0.000000e+00> : vector<1xf32>
          %reduce_sum3A_374 = vector.multi_reduction <add>, %mul3A_372, %reduce_sum3A_373 [0] : vector<32x1xf32> to vector<1xf32>
          %broadcast_in_dim3A_375 = vector.shape_cast %reduce_sum3A_374 : vector<1xf32> to vector<1x1xf32>
          %mul3A_376 = arith.mulf %broadcast_in_dim3A_371, %div3A_365 : vector<1x1xf32>
          %mul3A_377 = arith.mulf %mul3A_376, %div3A_365 : vector<1x1xf32>
          %mul3A_378 = arith.constant 2.000000e-10 : f32
          %mul3A_379 = vector.broadcast %mul3A_378 : f32 to vector<1x1xf32>
          %mul3A_380 = arith.mulf %mul3A_379, %broadcast_in_dim3A_375 : vector<1x1xf32>
          %mul3A_381 = arith.mulf %mul3A_380, %div3A_365 : vector<1x1xf32>
          %add3A_382 = arith.addf %mul3A_377, %mul3A_381 : vector<1x1xf32>
          %add3A_383 = arith.constant 2.560000e-18 : f32
          %add3A_384 = vector.broadcast %add3A_383 : f32 to vector<1x1xf32>
          %add3A_385 = arith.addf %add3A_382, %add3A_384 : vector<1x1xf32>
          %mul3A_386 = vector.broadcast %div3A_365 : vector<1x1xf32> to vector<32x1xf32>
          %mul3A_387 = arith.mulf %dot_general3A_367, %mul3A_386 : vector<32x1xf32>
          %mul3A_388 = arith.constant 1.000000e-10 : f32
          %mul3A_389 = vector.broadcast %mul3A_388 : f32 to vector<32x1xf32>
          %mul3A_390 = arith.mulf %mul3A_389, %broadcast_in_dim3A_98 : vector<32x1xf32>
          %add3A_391 = arith.addf %mul3A_387, %mul3A_390 : vector<32x1xf32>
          %swap3A_392 = arith.constant 0 : index
          %swap3A_393 = arith.constant 0 : index
          %swap3A_394 = vector.load %arg12[%swap3A_392, %swap3A_393] : memref<128x512xf32, #tpu.memory_space<vmem>>, vector<32x512xf32>
          tpu.vector_store %arg12[%swap3A_392, %swap3A_393], %mul3A_318 {strides = array<i32>} : memref<128x512xf32, #tpu.memory_space<vmem>>, vector<32x512xf32>,
          %add3A_395 = arith.constant 1 : i32
          %add3A_396 = arith.addi %while3A_230, %add3A_395 : i32
          scf.yield %add3A_396, %reduce_sum3A_348, %add3A_391, %add3A_385, %broadcast_in_dim3A_356, %broadcast_in_dim3A_362 : i32, f32, vector<32x1xf32>, vector<1x1xf32>, vector<32x1xf32>, vector<1x1xf32>
        }
        %div3A_166 = arith.constant 1.000000e+00 : f32
        %div3A_167 = vector.broadcast %div3A_166 : f32 to vector<1x1xf32>
        %div3A_168 = arith.divf %div3A_167, %while3A_165#5 : vector<1x1xf32>
        %dot_general3A_169 = arith.constant dense<0.000000e+00> : vector<256x1xf32>
        %dot_general3A_170 = tpu.matmul %select_n3A_91, %while3A_165#4, %dot_general3A_169 {dimension_numbers = #tpu.dot_dimension_numbers<[0], [0], [1], [1], [0, 1, 1, 1], [], []>, transpose_lhs_hint = false} : vector<32x256xf32>, vector<32x1xf32>, vector<256x1xf32> -> vector<256x1xf32>
        %mul3A_171 = vector.broadcast %div3A_168 : vector<1x1xf32> to vector<256x1xf32>
        %mul3A_172 = arith.mulf %dot_general3A_170, %mul3A_171 : vector<256x1xf32>
        %add3A_173 = arith.constant 1.000000e-10 : f32
        %add3A_174 = vector.broadcast %add3A_173 : f32 to vector<256x1xf32>
        %add3A_175 = arith.addf %mul3A_172, %add3A_174 : vector<256x1xf32>
        %eq3A_176 = vector.broadcast %scan3A_24 : i32 to vector<256x512xi32>
        %eq3A_177 = arith.cmpi eq, %iota3A, %eq3A_176 : vector<256x512xi32>
        %broadcast_in_dim3A_178 = vector.shape_cast %add3A_175 : vector<256x1xf32> to vector<256x1xf32>
        %broadcast_in_dim3A_179 = vector.broadcast %broadcast_in_dim3A_178 : vector<256x1xf32> to vector<256x512xf32>
        %get3A_180 = arith.constant 0 : index
        %get3A_181 = arith.constant 0 : index
        %get3A_182 = vector.load %arg5[%get3A_180, %get3A_181] : memref<256x512xf32, #tpu.memory_space<vmem>>, vector<256x512xf32>
        %select_n3A_183 = arith.select %eq3A_177, %broadcast_in_dim3A_179, %get3A_182 : vector<256x512xi1>, vector<256x512xf32>
        %swap3A_184 = arith.constant 0 : index
        %swap3A_185 = arith.constant 0 : index
        %swap3A_186 = vector.load %arg5[%swap3A_184, %swap3A_185] : memref<256x512xf32, #tpu.memory_space<vmem>>, vector<256x512xf32>
        tpu.vector_store %arg5[%swap3A_184, %swap3A_185], %select_n3A_183 {strides = array<i32>} : memref<256x512xf32, #tpu.memory_space<vmem>>, vector<256x512xf32>,
        %get3A_187 = arith.constant 0 : index
        %get3A_188 = arith.constant 0 : index
        %get3A_189 = vector.load %arg10[%get3A_187, %get3A_188] : memref<1x512xf32, #tpu.memory_space<vmem>>, vector<1x512xf32>
        %broadcast_in_dim3A_190 = vector.shape_cast %while3A_165#3 : vector<1x1xf32> to vector<1x1xf32>
        %broadcast_in_dim3A_191 = vector.broadcast %broadcast_in_dim3A_190 : vector<1x1xf32> to vector<1x512xf32>
        %select_n3A_192 = arith.select %eq3A_81, %broadcast_in_dim3A_191, %get3A_189 : vector<1x512xi1>, vector<1x512xf32>
        %swap3A_193 = arith.constant 0 : index
        %swap3A_194 = arith.constant 0 : index
        %swap3A_195 = vector.load %arg10[%swap3A_193, %swap3A_194] : memref<1x512xf32, #tpu.memory_space<vmem>>, vector<1x512xf32>
        tpu.vector_store %arg10[%swap3A_193, %swap3A_194], %select_n3A_192 {strides = array<i32>} : memref<1x512xf32, #tpu.memory_space<vmem>>, vector<1x512xf32>,
        %reduce_sum3A_196 = arith.constant dense<0.000000e+00> : vector<1xf32>
        %reduce_sum3A_197 = vector.multi_reduction <add>, %add3A_175, %reduce_sum3A_196 [0] : vector<256x1xf32> to vector<1xf32>
        %broadcast_in_dim3A_198 = vector.shape_cast %reduce_sum3A_197 : vector<1xf32> to vector<1x1xf32>
        %get3A_199 = arith.constant 0 : index
        %get3A_200 = arith.constant 0 : index
        %get3A_201 = vector.load %arg11[%get3A_199, %get3A_200] : memref<1x512xf32, #tpu.memory_space<vmem>>, vector<1x512xf32>
        %broadcast_in_dim3A_202 = vector.shape_cast %broadcast_in_dim3A_198 : vector<1x1xf32> to vector<1x1xf32>
        %broadcast_in_dim3A_203 = vector.broadcast %broadcast_in_dim3A_202 : vector<1x1xf32> to vector<1x512xf32>
        %select_n3A_204 = arith.select %eq3A_81, %broadcast_in_dim3A_203, %get3A_201 : vector<1x512xi1>, vector<1x512xf32>
        %swap3A_205 = arith.constant 0 : index
        %swap3A_206 = arith.constant 0 : index
        %swap3A_207 = vector.load %arg11[%swap3A_205, %swap3A_206] : memref<1x512xf32, #tpu.memory_space<vmem>>, vector<1x512xf32>
        tpu.vector_store %arg11[%swap3A_205, %swap3A_206], %select_n3A_204 {strides = array<i32>} : memref<1x512xf32, #tpu.memory_space<vmem>>, vector<1x512xf32>,
        %mul3A_208 = arith.constant 2.000000e+00 : f32
        %mul3A_209 = vector.broadcast %mul3A_208 : f32 to vector<32x1xf32>
        %mul3A_210 = arith.mulf %mul3A_209, %while3A_165#2 : vector<32x1xf32>
        %sub3A_211 = arith.subf %broadcast_in_dim3A_95, %mul3A_210 : vector<32x1xf32>
        %add3A_212 = vector.broadcast %while3A_165#3 : vector<1x1xf32> to vector<32x1xf32>
        %add3A_213 = arith.addf %sub3A_211, %add3A_212 : vector<32x1xf32>
        %jit3A_214 = arith.constant 0.000000e+00 : f32
        %broadcast_in_dim3A_215 = vector.broadcast %jit3A_214 : f32 to vector<32x1xf32>
        %select_n3A_216 = arith.select %lt3A_83, %add3A_213, %broadcast_in_dim3A_215 : vector<32x1xi1>, vector<32x1xf32>
        %get3A_217 = arith.constant 0 : index
        %get3A_218 = arith.constant 0 : index
        %get3A_219 = vector.load %arg4[%get3A_217, %get3A_218] : memref<1x1xf32, #tpu.memory_space<vmem>>, vector<1x1xf32>
        %reduce_sum3A_220 = vector.shape_cast %select_n3A_216 : vector<32x1xf32> to vector<1x32x1xf32>
        %reduce_sum3A_221 = arith.constant dense<0.000000e+00> : vector<1xf32>
        %reduce_sum3A_222 = vector.multi_reduction <add>, %reduce_sum3A_220, %reduce_sum3A_221 [1, 2] : vector<1x32x1xf32> to vector<1xf32>
        %reduce_sum3A_223 = vector.shape_cast %reduce_sum3A_222 : vector<1xf32> to vector<1x1x1xf32>
        %reduce_sum3A_224 = vector.extract %reduce_sum3A_223[0, 0, 0] : f32 from vector<1x1x1xf32>
        %add3A_225 = vector.broadcast %reduce_sum3A_224 : f32 to vector<1x1xf32>
        %add3A_226 = arith.addf %get3A_219, %add3A_225 : vector<1x1xf32>
        %swap3A_227 = arith.constant 0 : index
        %swap3A_228 = arith.constant 0 : index
        %swap3A_229 = vector.load %arg4[%swap3A_227, %swap3A_228] : memref<1x1xf32, #tpu.memory_space<vmem>>, vector<1x1xf32>
        tpu.vector_store %arg4[%swap3A_227, %swap3A_228], %add3A_226 {strides = array<i32>} : memref<1x1xf32, #tpu.memory_space<vmem>>, vector<1x1xf32>,
      } else {
      }
      %gt3A_60 = arith.constant 32 : i32
      %gt3A_61 = arith.cmpi sgt, %get3A_27, %gt3A_60 : i32
      %le3A_62 = arith.constant 64 : i32
      %le3A_63 = arith.cmpi sle, %get3A_27, %le3A_62 : i32
      %and3A_64 = arith.andi %gt3A_61, %le3A_63 : i1
      %convert_element_type3A_65 = arith.extui %and3A_64 : i1 to i32
      %cond3A_66 = arith.constant 0 : i32
      %cond3A_67 = arith.cmpi ne, %convert_element_type3A_65, %cond3A_66 : i32
      scf.if %cond3A_67 {
        %eq3A = vector.broadcast %scan3A_24 : i32 to vector<1x512xi32>
        %eq3A_81 = arith.cmpi eq, %iota3A_14, %eq3A : vector<1x512xi32>
        %iota3A_82 = tpu.iota {dimensions = array<i32: 0>} : vector<64x1xi32>
        %lt3A = vector.broadcast %get3A_27 : i32 to vector<64x1xi32>
        %lt3A_83 = arith.cmpi slt, %iota3A_82, %lt3A : vector<64x1xi32>
        %get3A_84 = arith.index_cast %multiple_of3A : i32 to index
        %get3A_85 = arith.constant 0 : index
        %get3A_86 = vector.load %arg3[%get3A_84, %get3A_85] : memref<8816x256xf32, #tpu.memory_space<vmem>>, vector<64x256xf32>
        %jit3A_87 = arith.constant 0.000000e+00 : f32
        %broadcast_in_dim3A_88 = vector.shape_cast %lt3A_83 : vector<64x1xi1> to vector<64x1xi1>
        %broadcast_in_dim3A_89 = vector.broadcast %broadcast_in_dim3A_88 : vector<64x1xi1> to vector<64x256xi1>
        %broadcast_in_dim3A_90 = vector.broadcast %jit3A_87 : f32 to vector<64x256xf32>
        %select_n3A_91 = arith.select %broadcast_in_dim3A_89, %get3A_86, %broadcast_in_dim3A_90 : vector<64x256xi1>, vector<64x256xf32>
        %mul3A_92 = arith.mulf %select_n3A_91, %select_n3A_91 : vector<64x256xf32>
        %reduce_sum3A_93 = arith.constant dense<0.000000e+00> : vector<64xf32>
        %reduce_sum3A_94 = vector.multi_reduction <add>, %mul3A_92, %reduce_sum3A_93 [1] : vector<64x256xf32> to vector<64xf32>
        %broadcast_in_dim3A_95 = vector.shape_cast %reduce_sum3A_94 : vector<64xf32> to vector<64x1xf32>
        %reduce_sum3A_96 = arith.constant dense<0.000000e+00> : vector<64xf32>
        %reduce_sum3A_97 = vector.multi_reduction <add>, %select_n3A_91, %reduce_sum3A_96 [1] : vector<64x256xf32> to vector<64xf32>
        %broadcast_in_dim3A_98 = vector.shape_cast %reduce_sum3A_97 : vector<64xf32> to vector<64x1xf32>
        %dot_general3A = arith.constant dense<0.000000e+00> : vector<64x64xf32>
        %dot_general3A_99 = tpu.matmul %select_n3A_91, %select_n3A_91, %dot_general3A {dimension_numbers = #tpu.dot_dimension_numbers<[1], [1], [0], [0], [0, 0, 1, 0], [], []>, transpose_lhs_hint = false} : vector<64x256xf32>, vector<64x256xf32>, vector<64x64xf32> -> vector<64x64xf32>
        %get3A_100 = arith.constant 0 : index
        %get3A_101 = arith.constant 0 : index
        %get3A_102 = vector.load %arg10[%get3A_100, %get3A_101] : memref<1x512xf32, #tpu.memory_space<vmem>>, vector<1x512xf32>
        %add3A_103 = vector.broadcast %broadcast_in_dim3A_95 : vector<64x1xf32> to vector<64x512xf32>
        %add3A_104 = vector.broadcast %get3A_102 : vector<1x512xf32> to vector<64x512xf32>
        %add3A_105 = arith.addf %add3A_103, %add3A_104 : vector<64x512xf32>
        %get3A_106 = arith.constant 0 : index
        %get3A_107 = arith.constant 0 : index
        %get3A_108 = vector.load %arg5[%get3A_106, %get3A_107] : memref<256x512xf32, #tpu.memory_space<vmem>>, vector<256x512xf32>
        %dot_general3A_109 = arith.constant dense<0.000000e+00> : vector<64x512xf32>
        %dot_general3A_110 = tpu.matmul %select_n3A_91, %get3A_108, %dot_general3A_109 {dimension_numbers = #tpu.dot_dimension_numbers<[1], [0], [0], [1], [0, 0, 1, 1], [], []>, transpose_lhs_hint = false} : vector<64x256xf32>, vector<256x512xf32>, vector<64x512xf32> -> vector<64x512xf32>
        %mul3A_111 = arith.constant 2.000000e+00 : f32
        %mul3A_112 = vector.broadcast %mul3A_111 : f32 to vector<64x512xf32>
        %mul3A_113 = arith.mulf %mul3A_112, %dot_general3A_110 : vector<64x512xf32>
        %sub3A_114 = arith.subf %add3A_105, %mul3A_113 : vector<64x512xf32>
        %jit3A_115 = arith.constant 0.000000e+00 : f32
        %broadcast_in_dim3A_116 = vector.broadcast %jit3A_115 : f32 to vector<1x512xf32>
        %select_n3A_117 = arith.select %eq3A_81, %get3A_102, %broadcast_in_dim3A_116 : vector<1x512xi1>, vector<1x512xf32>
        %reduce_sum3A_118 = arith.constant dense<0.000000e+00> : vector<1xf32>
        %reduce_sum3A_119 = vector.multi_reduction <add>, %select_n3A_117, %reduce_sum3A_118 [1] : vector<1x512xf32> to vector<1xf32>
        %broadcast_in_dim3A_120 = vector.shape_cast %reduce_sum3A_119 : vector<1xf32> to vector<1x1xf32>
        %jit3A_121 = arith.constant 0.000000e+00 : f32
        %broadcast_in_dim3A_122 = vector.shape_cast %eq3A_81 : vector<1x512xi1> to vector<1x512xi1>
        %broadcast_in_dim3A_123 = vector.broadcast %broadcast_in_dim3A_122 : vector<1x512xi1> to vector<64x512xi1>
        %broadcast_in_dim3A_124 = vector.broadcast %jit3A_121 : f32 to vector<64x512xf32>
        %select_n3A_125 = arith.select %broadcast_in_dim3A_123, %sub3A_114, %broadcast_in_dim3A_124 : vector<64x512xi1>, vector<64x512xf32>
        %reduce_sum3A_126 = arith.constant dense<0.000000e+00> : vector<64xf32>
        %reduce_sum3A_127 = vector.multi_reduction <add>, %select_n3A_125, %reduce_sum3A_126 [1] : vector<64x512xf32> to vector<64xf32>
        %broadcast_in_dim3A_128 = vector.shape_cast %reduce_sum3A_127 : vector<64xf32> to vector<64x1xf32>
        %add3A_129 = vector.broadcast %broadcast_in_dim3A_120 : vector<1x1xf32> to vector<64x1xf32>
        %add3A_130 = arith.addf %broadcast_in_dim3A_95, %add3A_129 : vector<64x1xf32>
        %sub3A_131 = arith.subf %add3A_130, %broadcast_in_dim3A_128 : vector<64x1xf32>
        %mul3A_132 = arith.constant 5.000000e-01 : f32
        %mul3A_133 = vector.broadcast %mul3A_132 : f32 to vector<64x1xf32>
        %mul3A_134 = arith.mulf %sub3A_131, %mul3A_133 : vector<64x1xf32>
        %mul3A_135 = arith.constant 1.000000e-10 : f32
        %mul3A_136 = vector.broadcast %mul3A_135 : f32 to vector<64x1xf32>
        %mul3A_137 = arith.mulf %mul3A_136, %broadcast_in_dim3A_98 : vector<64x1xf32>
        %sub3A_138 = arith.subf %mul3A_134, %mul3A_137 : vector<64x1xf32>
        %get3A_139 = arith.constant 0 : index
        %get3A_140 = arith.constant 0 : index
        %get3A_141 = vector.load %arg11[%get3A_139, %get3A_140] : memref<1x512xf32, #tpu.memory_space<vmem>>, vector<1x512xf32>
        %jit3A_142 = arith.constant 0.000000e+00 : f32
        %broadcast_in_dim3A_143 = vector.broadcast %jit3A_142 : f32 to vector<1x512xf32>
        %select_n3A_144 = arith.select %eq3A_81, %get3A_141, %broadcast_in_dim3A_143 : vector<1x512xi1>, vector<1x512xf32>
        %reduce_sum3A_145 = arith.constant dense<0.000000e+00> : vector<1xf32>
        %reduce_sum3A_146 = vector.multi_reduction <add>, %select_n3A_144, %reduce_sum3A_145 [1] : vector<1x512xf32> to vector<1xf32>
        %broadcast_in_dim3A_147 = vector.shape_cast %reduce_sum3A_146 : vector<1xf32> to vector<1x1xf32>
        %mul3A_148 = arith.constant 2.000000e-10 : f32
        %mul3A_149 = vector.broadcast %mul3A_148 : f32 to vector<1x1xf32>
        %mul3A_150 = arith.mulf %mul3A_149, %broadcast_in_dim3A_147 : vector<1x1xf32>
        %sub3A_151 = arith.subf %broadcast_in_dim3A_120, %mul3A_150 : vector<1x1xf32>
        %add3A_152 = arith.constant 2.560000e-18 : f32
        %add3A_153 = vector.broadcast %add3A_152 : f32 to vector<1x1xf32>
        %add3A_154 = arith.addf %sub3A_151, %add3A_153 : vector<1x1xf32>
        %broadcast_in_dim3A_155 = arith.constant 0.000000e+00 : f32
        %broadcast_in_dim3A_156 = vector.broadcast %broadcast_in_dim3A_155 : f32 to vector<64x512xf32>
        %swap3A_157 = arith.constant 0 : index
        %swap3A_158 = arith.constant 0 : index
        %swap3A_159 = vector.load %arg12[%swap3A_157, %swap3A_158] : memref<128x512xf32, #tpu.memory_space<vmem>>, vector<64x512xf32>
        tpu.vector_store %arg12[%swap3A_157, %swap3A_158], %broadcast_in_dim3A_156 {strides = array<i32>} : memref<128x512xf32, #tpu.memory_space<vmem>>, vector<64x512xf32>,
        %broadcast_in_dim3A_160 = arith.constant 0.000000e+00 : f32
        %broadcast_in_dim3A_161 = vector.broadcast %broadcast_in_dim3A_160 : f32 to vector<64x1xf32>
        %broadcast_in_dim3A_162 = arith.constant 1.000000e+00 : f32
        %broadcast_in_dim3A_163 = vector.broadcast %broadcast_in_dim3A_162 : f32 to vector<1x1xf32>
        %while3A = arith.constant 0 : i32
        %while3A_164 = arith.constant 0.000000e+00 : f32
        %while3A_165:6 = scf.while (%while3A_230 = %while3A, %while3A_231 = %while3A_164, %while3A_232 = %mul3A_134, %while3A_233 = %broadcast_in_dim3A_120, %while3A_234 = %broadcast_in_dim3A_161, %while3A_235 = %broadcast_in_dim3A_163) : (i32, f32, vector<64x1xf32>, vector<1x1xf32>, vector<64x1xf32>, vector<1x1xf32>) -> (i32, f32, vector<64x1xf32>, vector<1x1xf32>, vector<64x1xf32>, vector<1x1xf32>) {
          %eq3A_236 = arith.constant 0 : i32
          %eq3A_237 = arith.cmpi eq, %while3A_230, %eq3A_236 : i32
          %mul3A_238 = arith.mulf %while3A_231, %while3A_231 : f32
          %ge3A = arith.constant 9.99999974E-5 : f32
          %ge3A_239 = arith.cmpf oge, %mul3A_238, %ge3A : f32
          %lt3A_240 = arith.constant 10 : i32
          %lt3A_241 = arith.cmpi slt, %while3A_230, %lt3A_240 : i32
          %and3A_242 = arith.andi %ge3A_239, %lt3A_241 : i1
          %or3A = arith.ori %eq3A_237, %and3A_242 : i1
          scf.condition(%or3A) %while3A_230, %while3A_231, %while3A_232, %while3A_233, %while3A_234, %while3A_235 : i32, f32, vector<64x1xf32>, vector<1x1xf32>, vector<64x1xf32>, vector<1x1xf32>
        } do {
        ^bb0(%while3A_230: i32, %while3A_231: f32, %while3A_232: vector<64x1xf32>, %while3A_233: vector<1x1xf32>, %while3A_234: vector<64x1xf32>, %while3A_235: vector<1x1xf32>):
          %get3A_236 = arith.constant 0 : index
          %get3A_237 = arith.constant 0 : index
          %get3A_238 = vector.load %arg12[%get3A_236, %get3A_237] : memref<128x512xf32, #tpu.memory_space<vmem>>, vector<64x512xf32>
          %add3A_239 = vector.broadcast %while3A_233 : vector<1x1xf32> to vector<64x1xf32>
          %add3A_240 = arith.addf %broadcast_in_dim3A_95, %add3A_239 : vector<64x1xf32>
          %mul3A_241 = arith.constant 2.000000e+00 : f32
          %mul3A_242 = vector.broadcast %mul3A_241 : f32 to vector<64x1xf32>
          %mul3A_243 = arith.mulf %mul3A_242, %while3A_232 : vector<64x1xf32>
          %sub3A_244 = arith.subf %add3A_240, %mul3A_243 : vector<64x1xf32>
          %broadcast_in_dim3A_245 = vector.shape_cast %eq3A_81 : vector<1x512xi1> to vector<1x512xi1>
          %broadcast_in_dim3A_246 = vector.broadcast %broadcast_in_dim3A_245 : vector<1x512xi1> to vector<64x512xi1>
          %broadcast_in_dim3A_247 = vector.shape_cast %sub3A_244 : vector<64x1xf32> to vector<64x1xf32>
          %broadcast_in_dim3A_248 = vector.broadcast %broadcast_in_dim3A_247 : vector<64x1xf32> to vector<64x512xf32>
          %select_n3A_249 = arith.select %broadcast_in_dim3A_246, %broadcast_in_dim3A_248, %sub3A_114 : vector<64x512xi1>, vector<64x512xf32>
          %jit3A_250 = arith.constant 0x7F800000 : f32
          %broadcast_in_dim3A_251 = vector.shape_cast %lt3A_83 : vector<64x1xi1> to vector<64x1xi1>
          %broadcast_in_dim3A_252 = vector.broadcast %broadcast_in_dim3A_251 : vector<64x1xi1> to vector<64x512xi1>
          %broadcast_in_dim3A_253 = vector.broadcast %jit3A_250 : f32 to vector<64x512xf32>
          %select_n3A_254 = arith.select %broadcast_in_dim3A_252, %select_n3A_249, %broadcast_in_dim3A_253 : vector<64x512xi1>, vector<64x512xf32>
          %reduce_min3A = arith.constant dense<0x7F800000> : vector<512xf32>
          %reduce_min3A_255 = vector.multi_reduction <minimumf>, %select_n3A_254, %reduce_min3A [0] : vector<64x512xf32> to vector<512xf32>
          %broadcast_in_dim3A_256 = vector.shape_cast %reduce_min3A_255 : vector<512xf32> to vector<1x512xf32>
          %reduce_min3A_257 = arith.constant dense<0x7F800000> : vector<1xf32>
          %reduce_min3A_258 = vector.multi_reduction <minimumf>, %broadcast_in_dim3A_256, %reduce_min3A_257 [1] : vector<1x512xf32> to vector<1xf32>
          %broadcast_in_dim3A_259 = vector.shape_cast %reduce_min3A_258 : vector<1xf32> to vector<1x1xf32>
          %jit3A_260 = arith.constant 0xFF800000 : f32
          %broadcast_in_dim3A_261 = vector.shape_cast %lt3A_83 : vector<64x1xi1> to vector<64x1xi1>
          %broadcast_in_dim3A_262 = vector.broadcast %broadcast_in_dim3A_261 : vector<64x1xi1> to vector<64x512xi1>
          %broadcast_in_dim3A_263 = vector.broadcast %jit3A_260 : f32 to vector<64x512xf32>
          %select_n3A_264 = arith.select %broadcast_in_dim3A_262, %select_n3A_249, %broadcast_in_dim3A_263 : vector<64x512xi1>, vector<64x512xf32>
          %reduce_max3A = arith.constant dense<0xFF800000> : vector<512xf32>
          %reduce_max3A_265 = vector.multi_reduction <maximumf>, %select_n3A_264, %reduce_max3A [0] : vector<64x512xf32> to vector<512xf32>
          %broadcast_in_dim3A_266 = vector.shape_cast %reduce_max3A_265 : vector<512xf32> to vector<1x512xf32>
          %reduce_max3A_267 = arith.constant dense<0xFF800000> : vector<1xf32>
          %reduce_max3A_268 = vector.multi_reduction <maximumf>, %broadcast_in_dim3A_266, %reduce_max3A_267 [1] : vector<1x512xf32> to vector<1xf32>
          %broadcast_in_dim3A_269 = vector.shape_cast %reduce_max3A_268 : vector<1xf32> to vector<1x1xf32>
          %sub3A_270 = arith.subf %broadcast_in_dim3A_269, %broadcast_in_dim3A_259 : vector<1x1xf32>
          %div3A_271 = arith.constant 1.000000e+00 : f32
          %div3A_272 = vector.broadcast %div3A_271 : f32 to vector<1x1xf32>
          %div3A_273 = arith.divf %div3A_272, %sub3A_270 : vector<1x1xf32>
          %sub3A_274 = vector.broadcast %broadcast_in_dim3A_259 : vector<1x1xf32> to vector<64x512xf32>
          %sub3A_275 = arith.subf %select_n3A_249, %sub3A_274 : vector<64x512xf32>
          %mul3A_276 = vector.broadcast %div3A_273 : vector<1x1xf32> to vector<64x512xf32>
          %mul3A_277 = arith.mulf %sub3A_275, %mul3A_276 : vector<64x512xf32>
          %mul3A_278 = arith.constant -0.00999999977 : f32
          %mul3A_279 = vector.broadcast %mul3A_278 : f32 to vector<64x512xf32>
          %mul3A_280 = arith.mulf %mul3A_279, %mul3A_277 : vector<64x512xf32>
          %mul3A_281 = arith.constant 0.166666672 : f32
          %mul3A_282 = vector.broadcast %mul3A_281 : f32 to vector<64x512xf32>
          %mul3A_283 = arith.mulf %mul3A_280, %mul3A_282 : vector<64x512xf32>
          %add3A_284 = arith.constant 5.000000e-01 : f32
          %add3A_285 = vector.broadcast %add3A_284 : f32 to vector<64x512xf32>
          %add3A_286 = arith.addf %add3A_285, %mul3A_283 : vector<64x512xf32>
          %mul3A_287 = arith.mulf %mul3A_280, %add3A_286 : vector<64x512xf32>
          %add3A_288 = arith.constant 1.000000e+00 : f32
          %add3A_289 = vector.broadcast %add3A_288 : f32 to vector<64x512xf32>
          %add3A_290 = arith.addf %add3A_289, %mul3A_287 : vector<64x512xf32>
          %mul3A_291 = arith.mulf %mul3A_280, %add3A_290 : vector<64x512xf32>
          %add3A_292 = arith.constant 1.000000e+00 : f32
          %add3A_293 = vector.broadcast %add3A_292 : f32 to vector<64x512xf32>
          %add3A_294 = arith.addf %add3A_293, %mul3A_291 : vector<64x512xf32>
          %reduce_sum3A_295 = arith.constant dense<0.000000e+00> : vector<64xf32>
          %reduce_sum3A_296 = vector.multi_reduction <add>, %add3A_294, %reduce_sum3A_295 [1] : vector<64x512xf32> to vector<64xf32>
          %broadcast_in_dim3A_297 = vector.shape_cast %reduce_sum3A_296 : vector<64xf32> to vector<64x1xf32>
          %div3A_298 = arith.constant 1.000000e+00 : f32
          %div3A_299 = vector.broadcast %div3A_298 : f32 to vector<64x1xf32>
          %div3A_300 = arith.divf %div3A_299, %broadcast_in_dim3A_297 : vector<64x1xf32>
          %mul3A_301 = vector.broadcast %div3A_300 : vector<64x1xf32> to vector<64x512xf32>
          %mul3A_302 = arith.mulf %add3A_294, %mul3A_301 : vector<64x512xf32>
          %add3A_303 = arith.constant 1.000000e-10 : f32
          %add3A_304 = vector.broadcast %add3A_303 : f32 to vector<64x512xf32>
          %add3A_305 = arith.addf %mul3A_302, %add3A_304 : vector<64x512xf32>
          %jit3A_306 = arith.constant 0.000000e+00 : f32
          %broadcast_in_dim3A_307 = vector.shape_cast %lt3A_83 : vector<64x1xi1> to vector<64x1xi1>
          %broadcast_in_dim3A_308 = vector.broadcast %broadcast_in_dim3A_307 : vector<64x1xi1> to vector<64x512xi1>
          %broadcast_in_dim3A_309 = vector.broadcast %jit3A_306 : f32 to vector<64x512xf32>
          %select_n3A_310 = arith.select %broadcast_in_dim3A_308, %add3A_305, %broadcast_in_dim3A_309 : vector<64x512xi1>, vector<64x512xf32>
          %reduce_sum3A_311 = arith.constant dense<0.000000e+00> : vector<512xf32>
          %reduce_sum3A_312 = vector.multi_reduction <add>, %select_n3A_310, %reduce_sum3A_311 [0] : vector<64x512xf32> to vector<512xf32>
          %broadcast_in_dim3A_313 = vector.shape_cast %reduce_sum3A_312 : vector<512xf32> to vector<1x512xf32>
          %div3A_314 = arith.constant 1.000000e+00 : f32
          %div3A_315 = vector.broadcast %div3A_314 : f32 to vector<1x512xf32>
          %div3A_316 = arith.divf %div3A_315, %broadcast_in_dim3A_313 : vector<1x512xf32>
          %mul3A_317 = vector.broadcast %div3A_316 : vector<1x512xf32> to vector<64x512xf32>
          %mul3A_318 = arith.mulf %select_n3A_310, %mul3A_317 : vector<64x512xf32>
          %sub3A_319 = arith.subf %mul3A_318, %get3A_238 : vector<64x512xf32>
          %dot_general3A_320 = arith.constant dense<0.000000e+00> : vector<64x512xf32>
          %dot_general3A_321 = tpu.matmul %dot_general3A_99, %sub3A_319, %dot_general3A_320 {dimension_numbers = #tpu.dot_dimension_numbers<[1], [0], [0], [1], [0, 0, 1, 1], [], []>, transpose_lhs_hint = false} : vector<64x64xf32>, vector<64x512xf32>, vector<64x512xf32> -> vector<64x512xf32>
          %mul3A_322 = arith.mulf %sub3A_319, %dot_general3A_321 : vector<64x512xf32>
          %reduce_sum3A_323 = arith.constant dense<0.000000e+00> : vector<512xf32>
          %reduce_sum3A_324 = vector.multi_reduction <add>, %mul3A_322, %reduce_sum3A_323 [0] : vector<64x512xf32> to vector<512xf32>
          %broadcast_in_dim3A_325 = vector.shape_cast %reduce_sum3A_324 : vector<512xf32> to vector<1x512xf32>
          %mul3A_326 = vector.broadcast %sub3A_138 : vector<64x1xf32> to vector<64x512xf32>
          %mul3A_327 = arith.mulf %mul3A_318, %mul3A_326 : vector<64x512xf32>
          %reduce_sum3A_328 = arith.constant dense<0.000000e+00> : vector<512xf32>
          %reduce_sum3A_329 = vector.multi_reduction <add>, %mul3A_327, %reduce_sum3A_328 [0] : vector<64x512xf32> to vector<512xf32>
          %broadcast_in_dim3A_330 = vector.shape_cast %reduce_sum3A_329 : vector<512xf32> to vector<1x512xf32>
          %mul3A_331 = arith.constant 2.000000e+00 : f32
          %mul3A_332 = vector.broadcast %mul3A_331 : f32 to vector<1x512xf32>
          %mul3A_333 = arith.mulf %mul3A_332, %broadcast_in_dim3A_330 : vector<1x512xf32>
          %sub3A_334 = vector.broadcast %add3A_154 : vector<1x1xf32> to vector<1x512xf32>
          %sub3A_335 = arith.subf %sub3A_334, %mul3A_333 : vector<1x512xf32>
          %eq3A_336 = arith.constant 0 : i32
          %eq3A_337 = arith.cmpi eq, %while3A_230, %eq3A_336 : i32
          %broadcast_in_dim3A_338 = arith.constant 0.000000e+00 : f32
          %broadcast_in_dim3A_339 = vector.broadcast %broadcast_in_dim3A_338 : f32 to vector<1x512xf32>
          %select_n3A_340 = arith.select %eq3A_337, %sub3A_335, %broadcast_in_dim3A_339 : vector<1x512xf32>
          %add3A_341 = arith.addf %broadcast_in_dim3A_325, %select_n3A_340 : vector<1x512xf32>
          %max3A = arith.constant 0.000000e+00 : f32
          %max3A_342 = vector.broadcast %max3A : f32 to vector<1x512xf32>
          %max3A_343 = arith.maximumf %add3A_341, %max3A_342 : vector<1x512xf32>
          %sqrt3A = math.sqrt %max3A_343 : vector<1x512xf32>
          %reduce_sum3A_344 = vector.shape_cast %sqrt3A : vector<1x512xf32> to vector<1x1x512xf32>
          %reduce_sum3A_345 = arith.constant dense<0.000000e+00> : vector<1xf32>
          %reduce_sum3A_346 = vector.multi_reduction <add>, %reduce_sum3A_344, %reduce_sum3A_345 [1, 2] : vector<1x1x512xf32> to vector<1xf32>
          %reduce_sum3A_347 = vector.shape_cast %reduce_sum3A_346 : vector<1xf32> to vector<1x1x1xf32>
          %reduce_sum3A_348 = vector.extract %reduce_sum3A_347[0, 0, 0] : f32 from vector<1x1x1xf32>
          %jit3A_349 = arith.constant 0.000000e+00 : f32
          %broadcast_in_dim3A_350 = vector.shape_cast %eq3A_81 : vector<1x512xi1> to vector<1x512xi1>
          %broadcast_in_dim3A_351 = vector.broadcast %broadcast_in_dim3A_350 : vector<1x512xi1> to vector<64x512xi1>
          %broadcast_in_dim3A_352 = vector.broadcast %jit3A_349 : f32 to vector<64x512xf32>
          %select_n3A_353 = arith.select %broadcast_in_dim3A_351, %select_n3A_310, %broadcast_in_dim3A_352 : vector<64x512xi1>, vector<64x512xf32>
          %reduce_sum3A_354 = arith.constant dense<0.000000e+00> : vector<64xf32>
          %reduce_sum3A_355 = vector.multi_reduction <add>, %select_n3A_353, %reduce_sum3A_354 [1] : vector<64x512xf32> to vector<64xf32>
          %broadcast_in_dim3A_356 = vector.shape_cast %reduce_sum3A_355 : vector<64xf32> to vector<64x1xf32>
          %jit3A_357 = arith.constant 0.000000e+00 : f32
          %broadcast_in_dim3A_358 = vector.broadcast %jit3A_357 : f32 to vector<1x512xf32>
          %select_n3A_359 = arith.select %eq3A_81, %broadcast_in_dim3A_313, %broadcast_in_dim3A_358 : vector<1x512xi1>, vector<1x512xf32>
          %reduce_sum3A_360 = arith.constant dense<0.000000e+00> : vector<1xf32>
          %reduce_sum3A_361 = vector.multi_reduction <add>, %select_n3A_359, %reduce_sum3A_360 [1] : vector<1x512xf32> to vector<1xf32>
          %broadcast_in_dim3A_362 = vector.shape_cast %reduce_sum3A_361 : vector<1xf32> to vector<1x1xf32>
          %div3A_363 = arith.constant 1.000000e+00 : f32
          %div3A_364 = vector.broadcast %div3A_363 : f32 to vector<1x1xf32>
          %div3A_365 = arith.divf %div3A_364, %broadcast_in_dim3A_362 : vector<1x1xf32>
          %dot_general3A_366 = arith.constant dense<0.000000e+00> : vector<64x1xf32>
          %dot_general3A_367 = tpu.matmul %dot_general3A_99, %broadcast_in_dim3A_356, %dot_general3A_366 {dimension_numbers = #tpu.dot_dimension_numbers<[1], [0], [0], [1], [0, 0, 1, 1], [], []>, transpose_lhs_hint = false} : vector<64x64xf32>, vector<64x1xf32>, vector<64x1xf32> -> vector<64x1xf32>
          %mul3A_368 = arith.mulf %broadcast_in_dim3A_356, %dot_general3A_367 : vector<64x1xf32>
          %reduce_sum3A_369 = arith.constant dense<0.000000e+00> : vector<1xf32>
          %reduce_sum3A_370 = vector.multi_reduction <add>, %mul3A_368, %reduce_sum3A_369 [0] : vector<64x1xf32> to vector<1xf32>
          %broadcast_in_dim3A_371 = vector.shape_cast %reduce_sum3A_370 : vector<1xf32> to vector<1x1xf32>
          %mul3A_372 = arith.mulf %broadcast_in_dim3A_356, %broadcast_in_dim3A_98 : vector<64x1xf32>
          %reduce_sum3A_373 = arith.constant dense<0.000000e+00> : vector<1xf32>
          %reduce_sum3A_374 = vector.multi_reduction <add>, %mul3A_372, %reduce_sum3A_373 [0] : vector<64x1xf32> to vector<1xf32>
          %broadcast_in_dim3A_375 = vector.shape_cast %reduce_sum3A_374 : vector<1xf32> to vector<1x1xf32>
          %mul3A_376 = arith.mulf %broadcast_in_dim3A_371, %div3A_365 : vector<1x1xf32>
          %mul3A_377 = arith.mulf %mul3A_376, %div3A_365 : vector<1x1xf32>
          %mul3A_378 = arith.constant 2.000000e-10 : f32
          %mul3A_379 = vector.broadcast %mul3A_378 : f32 to vector<1x1xf32>
          %mul3A_380 = arith.mulf %mul3A_379, %broadcast_in_dim3A_375 : vector<1x1xf32>
          %mul3A_381 = arith.mulf %mul3A_380, %div3A_365 : vector<1x1xf32>
          %add3A_382 = arith.addf %mul3A_377, %mul3A_381 : vector<1x1xf32>
          %add3A_383 = arith.constant 2.560000e-18 : f32
          %add3A_384 = vector.broadcast %add3A_383 : f32 to vector<1x1xf32>
          %add3A_385 = arith.addf %add3A_382, %add3A_384 : vector<1x1xf32>
          %mul3A_386 = vector.broadcast %div3A_365 : vector<1x1xf32> to vector<64x1xf32>
          %mul3A_387 = arith.mulf %dot_general3A_367, %mul3A_386 : vector<64x1xf32>
          %mul3A_388 = arith.constant 1.000000e-10 : f32
          %mul3A_389 = vector.broadcast %mul3A_388 : f32 to vector<64x1xf32>
          %mul3A_390 = arith.mulf %mul3A_389, %broadcast_in_dim3A_98 : vector<64x1xf32>
          %add3A_391 = arith.addf %mul3A_387, %mul3A_390 : vector<64x1xf32>
          %swap3A_392 = arith.constant 0 : index
          %swap3A_393 = arith.constant 0 : index
          %swap3A_394 = vector.load %arg12[%swap3A_392, %swap3A_393] : memref<128x512xf32, #tpu.memory_space<vmem>>, vector<64x512xf32>
          tpu.vector_store %arg12[%swap3A_392, %swap3A_393], %mul3A_318 {strides = array<i32>} : memref<128x512xf32, #tpu.memory_space<vmem>>, vector<64x512xf32>,
          %add3A_395 = arith.constant 1 : i32
          %add3A_396 = arith.addi %while3A_230, %add3A_395 : i32
          scf.yield %add3A_396, %reduce_sum3A_348, %add3A_391, %add3A_385, %broadcast_in_dim3A_356, %broadcast_in_dim3A_362 : i32, f32, vector<64x1xf32>, vector<1x1xf32>, vector<64x1xf32>, vector<1x1xf32>
        }
        %div3A_166 = arith.constant 1.000000e+00 : f32
        %div3A_167 = vector.broadcast %div3A_166 : f32 to vector<1x1xf32>
        %div3A_168 = arith.divf %div3A_167, %while3A_165#5 : vector<1x1xf32>
        %dot_general3A_169 = arith.constant dense<0.000000e+00> : vector<256x1xf32>
        %dot_general3A_170 = tpu.matmul %select_n3A_91, %while3A_165#4, %dot_general3A_169 {dimension_numbers = #tpu.dot_dimension_numbers<[0], [0], [1], [1], [0, 1, 1, 1], [], []>, transpose_lhs_hint = false} : vector<64x256xf32>, vector<64x1xf32>, vector<256x1xf32> -> vector<256x1xf32>
        %mul3A_171 = vector.broadcast %div3A_168 : vector<1x1xf32> to vector<256x1xf32>
        %mul3A_172 = arith.mulf %dot_general3A_170, %mul3A_171 : vector<256x1xf32>
        %add3A_173 = arith.constant 1.000000e-10 : f32
        %add3A_174 = vector.broadcast %add3A_173 : f32 to vector<256x1xf32>
        %add3A_175 = arith.addf %mul3A_172, %add3A_174 : vector<256x1xf32>
        %eq3A_176 = vector.broadcast %scan3A_24 : i32 to vector<256x512xi32>
        %eq3A_177 = arith.cmpi eq, %iota3A, %eq3A_176 : vector<256x512xi32>
        %broadcast_in_dim3A_178 = vector.shape_cast %add3A_175 : vector<256x1xf32> to vector<256x1xf32>
        %broadcast_in_dim3A_179 = vector.broadcast %broadcast_in_dim3A_178 : vector<256x1xf32> to vector<256x512xf32>
        %get3A_180 = arith.constant 0 : index
        %get3A_181 = arith.constant 0 : index
        %get3A_182 = vector.load %arg5[%get3A_180, %get3A_181] : memref<256x512xf32, #tpu.memory_space<vmem>>, vector<256x512xf32>
        %select_n3A_183 = arith.select %eq3A_177, %broadcast_in_dim3A_179, %get3A_182 : vector<256x512xi1>, vector<256x512xf32>
        %swap3A_184 = arith.constant 0 : index
        %swap3A_185 = arith.constant 0 : index
        %swap3A_186 = vector.load %arg5[%swap3A_184, %swap3A_185] : memref<256x512xf32, #tpu.memory_space<vmem>>, vector<256x512xf32>
        tpu.vector_store %arg5[%swap3A_184, %swap3A_185], %select_n3A_183 {strides = array<i32>} : memref<256x512xf32, #tpu.memory_space<vmem>>, vector<256x512xf32>,
        %get3A_187 = arith.constant 0 : index
        %get3A_188 = arith.constant 0 : index
        %get3A_189 = vector.load %arg10[%get3A_187, %get3A_188] : memref<1x512xf32, #tpu.memory_space<vmem>>, vector<1x512xf32>
        %broadcast_in_dim3A_190 = vector.shape_cast %while3A_165#3 : vector<1x1xf32> to vector<1x1xf32>
        %broadcast_in_dim3A_191 = vector.broadcast %broadcast_in_dim3A_190 : vector<1x1xf32> to vector<1x512xf32>
        %select_n3A_192 = arith.select %eq3A_81, %broadcast_in_dim3A_191, %get3A_189 : vector<1x512xi1>, vector<1x512xf32>
        %swap3A_193 = arith.constant 0 : index
        %swap3A_194 = arith.constant 0 : index
        %swap3A_195 = vector.load %arg10[%swap3A_193, %swap3A_194] : memref<1x512xf32, #tpu.memory_space<vmem>>, vector<1x512xf32>
        tpu.vector_store %arg10[%swap3A_193, %swap3A_194], %select_n3A_192 {strides = array<i32>} : memref<1x512xf32, #tpu.memory_space<vmem>>, vector<1x512xf32>,
        %reduce_sum3A_196 = arith.constant dense<0.000000e+00> : vector<1xf32>
        %reduce_sum3A_197 = vector.multi_reduction <add>, %add3A_175, %reduce_sum3A_196 [0] : vector<256x1xf32> to vector<1xf32>
        %broadcast_in_dim3A_198 = vector.shape_cast %reduce_sum3A_197 : vector<1xf32> to vector<1x1xf32>
        %get3A_199 = arith.constant 0 : index
        %get3A_200 = arith.constant 0 : index
        %get3A_201 = vector.load %arg11[%get3A_199, %get3A_200] : memref<1x512xf32, #tpu.memory_space<vmem>>, vector<1x512xf32>
        %broadcast_in_dim3A_202 = vector.shape_cast %broadcast_in_dim3A_198 : vector<1x1xf32> to vector<1x1xf32>
        %broadcast_in_dim3A_203 = vector.broadcast %broadcast_in_dim3A_202 : vector<1x1xf32> to vector<1x512xf32>
        %select_n3A_204 = arith.select %eq3A_81, %broadcast_in_dim3A_203, %get3A_201 : vector<1x512xi1>, vector<1x512xf32>
        %swap3A_205 = arith.constant 0 : index
        %swap3A_206 = arith.constant 0 : index
        %swap3A_207 = vector.load %arg11[%swap3A_205, %swap3A_206] : memref<1x512xf32, #tpu.memory_space<vmem>>, vector<1x512xf32>
        tpu.vector_store %arg11[%swap3A_205, %swap3A_206], %select_n3A_204 {strides = array<i32>} : memref<1x512xf32, #tpu.memory_space<vmem>>, vector<1x512xf32>,
        %mul3A_208 = arith.constant 2.000000e+00 : f32
        %mul3A_209 = vector.broadcast %mul3A_208 : f32 to vector<64x1xf32>
        %mul3A_210 = arith.mulf %mul3A_209, %while3A_165#2 : vector<64x1xf32>
        %sub3A_211 = arith.subf %broadcast_in_dim3A_95, %mul3A_210 : vector<64x1xf32>
        %add3A_212 = vector.broadcast %while3A_165#3 : vector<1x1xf32> to vector<64x1xf32>
        %add3A_213 = arith.addf %sub3A_211, %add3A_212 : vector<64x1xf32>
        %jit3A_214 = arith.constant 0.000000e+00 : f32
        %broadcast_in_dim3A_215 = vector.broadcast %jit3A_214 : f32 to vector<64x1xf32>
        %select_n3A_216 = arith.select %lt3A_83, %add3A_213, %broadcast_in_dim3A_215 : vector<64x1xi1>, vector<64x1xf32>
        %get3A_217 = arith.constant 0 : index
        %get3A_218 = arith.constant 0 : index
        %get3A_219 = vector.load %arg4[%get3A_217, %get3A_218] : memref<1x1xf32, #tpu.memory_space<vmem>>, vector<1x1xf32>
        %reduce_sum3A_220 = vector.shape_cast %select_n3A_216 : vector<64x1xf32> to vector<1x64x1xf32>
        %reduce_sum3A_221 = arith.constant dense<0.000000e+00> : vector<1xf32>
        %reduce_sum3A_222 = vector.multi_reduction <add>, %reduce_sum3A_220, %reduce_sum3A_221 [1, 2] : vector<1x64x1xf32> to vector<1xf32>
        %reduce_sum3A_223 = vector.shape_cast %reduce_sum3A_222 : vector<1xf32> to vector<1x1x1xf32>
        %reduce_sum3A_224 = vector.extract %reduce_sum3A_223[0, 0, 0] : f32 from vector<1x1x1xf32>
        %add3A_225 = vector.broadcast %reduce_sum3A_224 : f32 to vector<1x1xf32>
        %add3A_226 = arith.addf %get3A_219, %add3A_225 : vector<1x1xf32>
        %swap3A_227 = arith.constant 0 : index
        %swap3A_228 = arith.constant 0 : index
        %swap3A_229 = vector.load %arg4[%swap3A_227, %swap3A_228] : memref<1x1xf32, #tpu.memory_space<vmem>>, vector<1x1xf32>
        tpu.vector_store %arg4[%swap3A_227, %swap3A_228], %add3A_226 {strides = array<i32>} : memref<1x1xf32, #tpu.memory_space<vmem>>, vector<1x1xf32>,
      } else {
      }
      %gt3A_68 = arith.constant 64 : i32
      %gt3A_69 = arith.cmpi sgt, %get3A_27, %gt3A_68 : i32
      %le3A_70 = arith.constant 128 : i32
      %le3A_71 = arith.cmpi sle, %get3A_27, %le3A_70 : i32
      %and3A_72 = arith.andi %gt3A_69, %le3A_71 : i1
      %convert_element_type3A_73 = arith.extui %and3A_72 : i1 to i32
      %cond3A_74 = arith.constant 0 : i32
      %cond3A_75 = arith.cmpi ne, %convert_element_type3A_73, %cond3A_74 : i32
      scf.if %cond3A_75 {
        %eq3A = vector.broadcast %scan3A_24 : i32 to vector<1x512xi32>
        %eq3A_81 = arith.cmpi eq, %iota3A_14, %eq3A : vector<1x512xi32>
        %iota3A_82 = tpu.iota {dimensions = array<i32: 0>} : vector<128x1xi32>
        %lt3A = vector.broadcast %get3A_27 : i32 to vector<128x1xi32>
        %lt3A_83 = arith.cmpi slt, %iota3A_82, %lt3A : vector<128x1xi32>
        %get3A_84 = arith.index_cast %multiple_of3A : i32 to index
        %get3A_85 = arith.constant 0 : index
        %get3A_86 = vector.load %arg3[%get3A_84, %get3A_85] : memref<8816x256xf32, #tpu.memory_space<vmem>>, vector<128x256xf32>
        %jit3A_87 = arith.constant 0.000000e+00 : f32
        %broadcast_in_dim3A_88 = vector.shape_cast %lt3A_83 : vector<128x1xi1> to vector<128x1xi1>
        %broadcast_in_dim3A_89 = vector.broadcast %broadcast_in_dim3A_88 : vector<128x1xi1> to vector<128x256xi1>
        %broadcast_in_dim3A_90 = vector.broadcast %jit3A_87 : f32 to vector<128x256xf32>
        %select_n3A_91 = arith.select %broadcast_in_dim3A_89, %get3A_86, %broadcast_in_dim3A_90 : vector<128x256xi1>, vector<128x256xf32>
        %mul3A_92 = arith.mulf %select_n3A_91, %select_n3A_91 : vector<128x256xf32>
        %reduce_sum3A_93 = arith.constant dense<0.000000e+00> : vector<128xf32>
        %reduce_sum3A_94 = vector.multi_reduction <add>, %mul3A_92, %reduce_sum3A_93 [1] : vector<128x256xf32> to vector<128xf32>
        %broadcast_in_dim3A_95 = vector.shape_cast %reduce_sum3A_94 : vector<128xf32> to vector<128x1xf32>
        %reduce_sum3A_96 = arith.constant dense<0.000000e+00> : vector<128xf32>
        %reduce_sum3A_97 = vector.multi_reduction <add>, %select_n3A_91, %reduce_sum3A_96 [1] : vector<128x256xf32> to vector<128xf32>
        %broadcast_in_dim3A_98 = vector.shape_cast %reduce_sum3A_97 : vector<128xf32> to vector<128x1xf32>
        %dot_general3A = arith.constant dense<0.000000e+00> : vector<128x128xf32>
        %dot_general3A_99 = tpu.matmul %select_n3A_91, %select_n3A_91, %dot_general3A {dimension_numbers = #tpu.dot_dimension_numbers<[1], [1], [0], [0], [0, 0, 1, 0], [], []>, transpose_lhs_hint = false} : vector<128x256xf32>, vector<128x256xf32>, vector<128x128xf32> -> vector<128x128xf32>
        %get3A_100 = arith.constant 0 : index
        %get3A_101 = arith.constant 0 : index
        %get3A_102 = vector.load %arg10[%get3A_100, %get3A_101] : memref<1x512xf32, #tpu.memory_space<vmem>>, vector<1x512xf32>
        %add3A_103 = vector.broadcast %broadcast_in_dim3A_95 : vector<128x1xf32> to vector<128x512xf32>
        %add3A_104 = vector.broadcast %get3A_102 : vector<1x512xf32> to vector<128x512xf32>
        %add3A_105 = arith.addf %add3A_103, %add3A_104 : vector<128x512xf32>
        %get3A_106 = arith.constant 0 : index
        %get3A_107 = arith.constant 0 : index
        %get3A_108 = vector.load %arg5[%get3A_106, %get3A_107] : memref<256x512xf32, #tpu.memory_space<vmem>>, vector<256x512xf32>
        %dot_general3A_109 = arith.constant dense<0.000000e+00> : vector<128x512xf32>
        %dot_general3A_110 = tpu.matmul %select_n3A_91, %get3A_108, %dot_general3A_109 {dimension_numbers = #tpu.dot_dimension_numbers<[1], [0], [0], [1], [0, 0, 1, 1], [], []>, transpose_lhs_hint = false} : vector<128x256xf32>, vector<256x512xf32>, vector<128x512xf32> -> vector<128x512xf32>
        %mul3A_111 = arith.constant 2.000000e+00 : f32
        %mul3A_112 = vector.broadcast %mul3A_111 : f32 to vector<128x512xf32>
        %mul3A_113 = arith.mulf %mul3A_112, %dot_general3A_110 : vector<128x512xf32>
        %sub3A_114 = arith.subf %add3A_105, %mul3A_113 : vector<128x512xf32>
        %jit3A_115 = arith.constant 0.000000e+00 : f32
        %broadcast_in_dim3A_116 = vector.broadcast %jit3A_115 : f32 to vector<1x512xf32>
        %select_n3A_117 = arith.select %eq3A_81, %get3A_102, %broadcast_in_dim3A_116 : vector<1x512xi1>, vector<1x512xf32>
        %reduce_sum3A_118 = arith.constant dense<0.000000e+00> : vector<1xf32>
        %reduce_sum3A_119 = vector.multi_reduction <add>, %select_n3A_117, %reduce_sum3A_118 [1] : vector<1x512xf32> to vector<1xf32>
        %broadcast_in_dim3A_120 = vector.shape_cast %reduce_sum3A_119 : vector<1xf32> to vector<1x1xf32>
        %jit3A_121 = arith.constant 0.000000e+00 : f32
        %broadcast_in_dim3A_122 = vector.shape_cast %eq3A_81 : vector<1x512xi1> to vector<1x512xi1>
        %broadcast_in_dim3A_123 = vector.broadcast %broadcast_in_dim3A_122 : vector<1x512xi1> to vector<128x512xi1>
        %broadcast_in_dim3A_124 = vector.broadcast %jit3A_121 : f32 to vector<128x512xf32>
        %select_n3A_125 = arith.select %broadcast_in_dim3A_123, %sub3A_114, %broadcast_in_dim3A_124 : vector<128x512xi1>, vector<128x512xf32>
        %reduce_sum3A_126 = arith.constant dense<0.000000e+00> : vector<128xf32>
        %reduce_sum3A_127 = vector.multi_reduction <add>, %select_n3A_125, %reduce_sum3A_126 [1] : vector<128x512xf32> to vector<128xf32>
        %broadcast_in_dim3A_128 = vector.shape_cast %reduce_sum3A_127 : vector<128xf32> to vector<128x1xf32>
        %add3A_129 = vector.broadcast %broadcast_in_dim3A_120 : vector<1x1xf32> to vector<128x1xf32>
        %add3A_130 = arith.addf %broadcast_in_dim3A_95, %add3A_129 : vector<128x1xf32>
        %sub3A_131 = arith.subf %add3A_130, %broadcast_in_dim3A_128 : vector<128x1xf32>
        %mul3A_132 = arith.constant 5.000000e-01 : f32
        %mul3A_133 = vector.broadcast %mul3A_132 : f32 to vector<128x1xf32>
        %mul3A_134 = arith.mulf %sub3A_131, %mul3A_133 : vector<128x1xf32>
        %mul3A_135 = arith.constant 1.000000e-10 : f32
        %mul3A_136 = vector.broadcast %mul3A_135 : f32 to vector<128x1xf32>
        %mul3A_137 = arith.mulf %mul3A_136, %broadcast_in_dim3A_98 : vector<128x1xf32>
        %sub3A_138 = arith.subf %mul3A_134, %mul3A_137 : vector<128x1xf32>
        %get3A_139 = arith.constant 0 : index
        %get3A_140 = arith.constant 0 : index
        %get3A_141 = vector.load %arg11[%get3A_139, %get3A_140] : memref<1x512xf32, #tpu.memory_space<vmem>>, vector<1x512xf32>
        %jit3A_142 = arith.constant 0.000000e+00 : f32
        %broadcast_in_dim3A_143 = vector.broadcast %jit3A_142 : f32 to vector<1x512xf32>
        %select_n3A_144 = arith.select %eq3A_81, %get3A_141, %broadcast_in_dim3A_143 : vector<1x512xi1>, vector<1x512xf32>
        %reduce_sum3A_145 = arith.constant dense<0.000000e+00> : vector<1xf32>
        %reduce_sum3A_146 = vector.multi_reduction <add>, %select_n3A_144, %reduce_sum3A_145 [1] : vector<1x512xf32> to vector<1xf32>
        %broadcast_in_dim3A_147 = vector.shape_cast %reduce_sum3A_146 : vector<1xf32> to vector<1x1xf32>
        %mul3A_148 = arith.constant 2.000000e-10 : f32
        %mul3A_149 = vector.broadcast %mul3A_148 : f32 to vector<1x1xf32>
        %mul3A_150 = arith.mulf %mul3A_149, %broadcast_in_dim3A_147 : vector<1x1xf32>
        %sub3A_151 = arith.subf %broadcast_in_dim3A_120, %mul3A_150 : vector<1x1xf32>
        %add3A_152 = arith.constant 2.560000e-18 : f32
        %add3A_153 = vector.broadcast %add3A_152 : f32 to vector<1x1xf32>
        %add3A_154 = arith.addf %sub3A_151, %add3A_153 : vector<1x1xf32>
        %broadcast_in_dim3A_155 = arith.constant 0.000000e+00 : f32
        %broadcast_in_dim3A_156 = vector.broadcast %broadcast_in_dim3A_155 : f32 to vector<128x512xf32>
        %swap3A_157 = arith.constant 0 : index
        %swap3A_158 = arith.constant 0 : index
        %swap3A_159 = vector.load %arg12[%swap3A_157, %swap3A_158] : memref<128x512xf32, #tpu.memory_space<vmem>>, vector<128x512xf32>
        tpu.vector_store %arg12[%swap3A_157, %swap3A_158], %broadcast_in_dim3A_156 {strides = array<i32>} : memref<128x512xf32, #tpu.memory_space<vmem>>, vector<128x512xf32>,
        %broadcast_in_dim3A_160 = arith.constant 0.000000e+00 : f32
        %broadcast_in_dim3A_161 = vector.broadcast %broadcast_in_dim3A_160 : f32 to vector<128x1xf32>
        %broadcast_in_dim3A_162 = arith.constant 1.000000e+00 : f32
        %broadcast_in_dim3A_163 = vector.broadcast %broadcast_in_dim3A_162 : f32 to vector<1x1xf32>
        %while3A = arith.constant 0 : i32
        %while3A_164 = arith.constant 0.000000e+00 : f32
        %while3A_165:6 = scf.while (%while3A_230 = %while3A, %while3A_231 = %while3A_164, %while3A_232 = %mul3A_134, %while3A_233 = %broadcast_in_dim3A_120, %while3A_234 = %broadcast_in_dim3A_161, %while3A_235 = %broadcast_in_dim3A_163) : (i32, f32, vector<128x1xf32>, vector<1x1xf32>, vector<128x1xf32>, vector<1x1xf32>) -> (i32, f32, vector<128x1xf32>, vector<1x1xf32>, vector<128x1xf32>, vector<1x1xf32>) {
          %eq3A_236 = arith.constant 0 : i32
          %eq3A_237 = arith.cmpi eq, %while3A_230, %eq3A_236 : i32
          %mul3A_238 = arith.mulf %while3A_231, %while3A_231 : f32
          %ge3A = arith.constant 9.99999974E-5 : f32
          %ge3A_239 = arith.cmpf oge, %mul3A_238, %ge3A : f32
          %lt3A_240 = arith.constant 10 : i32
          %lt3A_241 = arith.cmpi slt, %while3A_230, %lt3A_240 : i32
          %and3A_242 = arith.andi %ge3A_239, %lt3A_241 : i1
          %or3A = arith.ori %eq3A_237, %and3A_242 : i1
          scf.condition(%or3A) %while3A_230, %while3A_231, %while3A_232, %while3A_233, %while3A_234, %while3A_235 : i32, f32, vector<128x1xf32>, vector<1x1xf32>, vector<128x1xf32>, vector<1x1xf32>
        } do {
        ^bb0(%while3A_230: i32, %while3A_231: f32, %while3A_232: vector<128x1xf32>, %while3A_233: vector<1x1xf32>, %while3A_234: vector<128x1xf32>, %while3A_235: vector<1x1xf32>):
          %get3A_236 = arith.constant 0 : index
          %get3A_237 = arith.constant 0 : index
          %get3A_238 = vector.load %arg12[%get3A_236, %get3A_237] : memref<128x512xf32, #tpu.memory_space<vmem>>, vector<128x512xf32>
          %add3A_239 = vector.broadcast %while3A_233 : vector<1x1xf32> to vector<128x1xf32>
          %add3A_240 = arith.addf %broadcast_in_dim3A_95, %add3A_239 : vector<128x1xf32>
          %mul3A_241 = arith.constant 2.000000e+00 : f32
          %mul3A_242 = vector.broadcast %mul3A_241 : f32 to vector<128x1xf32>
          %mul3A_243 = arith.mulf %mul3A_242, %while3A_232 : vector<128x1xf32>
          %sub3A_244 = arith.subf %add3A_240, %mul3A_243 : vector<128x1xf32>
          %broadcast_in_dim3A_245 = vector.shape_cast %eq3A_81 : vector<1x512xi1> to vector<1x512xi1>
          %broadcast_in_dim3A_246 = vector.broadcast %broadcast_in_dim3A_245 : vector<1x512xi1> to vector<128x512xi1>
          %broadcast_in_dim3A_247 = vector.shape_cast %sub3A_244 : vector<128x1xf32> to vector<128x1xf32>
          %broadcast_in_dim3A_248 = vector.broadcast %broadcast_in_dim3A_247 : vector<128x1xf32> to vector<128x512xf32>
          %select_n3A_249 = arith.select %broadcast_in_dim3A_246, %broadcast_in_dim3A_248, %sub3A_114 : vector<128x512xi1>, vector<128x512xf32>
          %jit3A_250 = arith.constant 0x7F800000 : f32
          %broadcast_in_dim3A_251 = vector.shape_cast %lt3A_83 : vector<128x1xi1> to vector<128x1xi1>
          %broadcast_in_dim3A_252 = vector.broadcast %broadcast_in_dim3A_251 : vector<128x1xi1> to vector<128x512xi1>
          %broadcast_in_dim3A_253 = vector.broadcast %jit3A_250 : f32 to vector<128x512xf32>
          %select_n3A_254 = arith.select %broadcast_in_dim3A_252, %select_n3A_249, %broadcast_in_dim3A_253 : vector<128x512xi1>, vector<128x512xf32>
          %reduce_min3A = arith.constant dense<0x7F800000> : vector<512xf32>
          %reduce_min3A_255 = vector.multi_reduction <minimumf>, %select_n3A_254, %reduce_min3A [0] : vector<128x512xf32> to vector<512xf32>
          %broadcast_in_dim3A_256 = vector.shape_cast %reduce_min3A_255 : vector<512xf32> to vector<1x512xf32>
          %reduce_min3A_257 = arith.constant dense<0x7F800000> : vector<1xf32>
          %reduce_min3A_258 = vector.multi_reduction <minimumf>, %broadcast_in_dim3A_256, %reduce_min3A_257 [1] : vector<1x512xf32> to vector<1xf32>
          %broadcast_in_dim3A_259 = vector.shape_cast %reduce_min3A_258 : vector<1xf32> to vector<1x1xf32>
          %jit3A_260 = arith.constant 0xFF800000 : f32
          %broadcast_in_dim3A_261 = vector.shape_cast %lt3A_83 : vector<128x1xi1> to vector<128x1xi1>
          %broadcast_in_dim3A_262 = vector.broadcast %broadcast_in_dim3A_261 : vector<128x1xi1> to vector<128x512xi1>
          %broadcast_in_dim3A_263 = vector.broadcast %jit3A_260 : f32 to vector<128x512xf32>
          %select_n3A_264 = arith.select %broadcast_in_dim3A_262, %select_n3A_249, %broadcast_in_dim3A_263 : vector<128x512xi1>, vector<128x512xf32>
          %reduce_max3A = arith.constant dense<0xFF800000> : vector<512xf32>
          %reduce_max3A_265 = vector.multi_reduction <maximumf>, %select_n3A_264, %reduce_max3A [0] : vector<128x512xf32> to vector<512xf32>
          %broadcast_in_dim3A_266 = vector.shape_cast %reduce_max3A_265 : vector<512xf32> to vector<1x512xf32>
          %reduce_max3A_267 = arith.constant dense<0xFF800000> : vector<1xf32>
          %reduce_max3A_268 = vector.multi_reduction <maximumf>, %broadcast_in_dim3A_266, %reduce_max3A_267 [1] : vector<1x512xf32> to vector<1xf32>
          %broadcast_in_dim3A_269 = vector.shape_cast %reduce_max3A_268 : vector<1xf32> to vector<1x1xf32>
          %sub3A_270 = arith.subf %broadcast_in_dim3A_269, %broadcast_in_dim3A_259 : vector<1x1xf32>
          %div3A_271 = arith.constant 1.000000e+00 : f32
          %div3A_272 = vector.broadcast %div3A_271 : f32 to vector<1x1xf32>
          %div3A_273 = arith.divf %div3A_272, %sub3A_270 : vector<1x1xf32>
          %sub3A_274 = vector.broadcast %broadcast_in_dim3A_259 : vector<1x1xf32> to vector<128x512xf32>
          %sub3A_275 = arith.subf %select_n3A_249, %sub3A_274 : vector<128x512xf32>
          %mul3A_276 = vector.broadcast %div3A_273 : vector<1x1xf32> to vector<128x512xf32>
          %mul3A_277 = arith.mulf %sub3A_275, %mul3A_276 : vector<128x512xf32>
          %mul3A_278 = arith.constant -0.00999999977 : f32
          %mul3A_279 = vector.broadcast %mul3A_278 : f32 to vector<128x512xf32>
          %mul3A_280 = arith.mulf %mul3A_279, %mul3A_277 : vector<128x512xf32>
          %mul3A_281 = arith.constant 0.166666672 : f32
          %mul3A_282 = vector.broadcast %mul3A_281 : f32 to vector<128x512xf32>
          %mul3A_283 = arith.mulf %mul3A_280, %mul3A_282 : vector<128x512xf32>
          %add3A_284 = arith.constant 5.000000e-01 : f32
          %add3A_285 = vector.broadcast %add3A_284 : f32 to vector<128x512xf32>
          %add3A_286 = arith.addf %add3A_285, %mul3A_283 : vector<128x512xf32>
          %mul3A_287 = arith.mulf %mul3A_280, %add3A_286 : vector<128x512xf32>
          %add3A_288 = arith.constant 1.000000e+00 : f32
          %add3A_289 = vector.broadcast %add3A_288 : f32 to vector<128x512xf32>
          %add3A_290 = arith.addf %add3A_289, %mul3A_287 : vector<128x512xf32>
          %mul3A_291 = arith.mulf %mul3A_280, %add3A_290 : vector<128x512xf32>
          %add3A_292 = arith.constant 1.000000e+00 : f32
          %add3A_293 = vector.broadcast %add3A_292 : f32 to vector<128x512xf32>
          %add3A_294 = arith.addf %add3A_293, %mul3A_291 : vector<128x512xf32>
          %reduce_sum3A_295 = arith.constant dense<0.000000e+00> : vector<128xf32>
          %reduce_sum3A_296 = vector.multi_reduction <add>, %add3A_294, %reduce_sum3A_295 [1] : vector<128x512xf32> to vector<128xf32>
          %broadcast_in_dim3A_297 = vector.shape_cast %reduce_sum3A_296 : vector<128xf32> to vector<128x1xf32>
          %div3A_298 = arith.constant 1.000000e+00 : f32
          %div3A_299 = vector.broadcast %div3A_298 : f32 to vector<128x1xf32>
          %div3A_300 = arith.divf %div3A_299, %broadcast_in_dim3A_297 : vector<128x1xf32>
          %mul3A_301 = vector.broadcast %div3A_300 : vector<128x1xf32> to vector<128x512xf32>
          %mul3A_302 = arith.mulf %add3A_294, %mul3A_301 : vector<128x512xf32>
          %add3A_303 = arith.constant 1.000000e-10 : f32
          %add3A_304 = vector.broadcast %add3A_303 : f32 to vector<128x512xf32>
          %add3A_305 = arith.addf %mul3A_302, %add3A_304 : vector<128x512xf32>
          %jit3A_306 = arith.constant 0.000000e+00 : f32
          %broadcast_in_dim3A_307 = vector.shape_cast %lt3A_83 : vector<128x1xi1> to vector<128x1xi1>
          %broadcast_in_dim3A_308 = vector.broadcast %broadcast_in_dim3A_307 : vector<128x1xi1> to vector<128x512xi1>
          %broadcast_in_dim3A_309 = vector.broadcast %jit3A_306 : f32 to vector<128x512xf32>
          %select_n3A_310 = arith.select %broadcast_in_dim3A_308, %add3A_305, %broadcast_in_dim3A_309 : vector<128x512xi1>, vector<128x512xf32>
          %reduce_sum3A_311 = arith.constant dense<0.000000e+00> : vector<512xf32>
          %reduce_sum3A_312 = vector.multi_reduction <add>, %select_n3A_310, %reduce_sum3A_311 [0] : vector<128x512xf32> to vector<512xf32>
          %broadcast_in_dim3A_313 = vector.shape_cast %reduce_sum3A_312 : vector<512xf32> to vector<1x512xf32>
          %div3A_314 = arith.constant 1.000000e+00 : f32
          %div3A_315 = vector.broadcast %div3A_314 : f32 to vector<1x512xf32>
          %div3A_316 = arith.divf %div3A_315, %broadcast_in_dim3A_313 : vector<1x512xf32>
          %mul3A_317 = vector.broadcast %div3A_316 : vector<1x512xf32> to vector<128x512xf32>
          %mul3A_318 = arith.mulf %select_n3A_310, %mul3A_317 : vector<128x512xf32>
          %sub3A_319 = arith.subf %mul3A_318, %get3A_238 : vector<128x512xf32>
          %dot_general3A_320 = arith.constant dense<0.000000e+00> : vector<128x512xf32>
          %dot_general3A_321 = tpu.matmul %dot_general3A_99, %sub3A_319, %dot_general3A_320 {dimension_numbers = #tpu.dot_dimension_numbers<[1], [0], [0], [1], [0, 0, 1, 1], [], []>, transpose_lhs_hint = false} : vector<128x128xf32>, vector<128x512xf32>, vector<128x512xf32> -> vector<128x512xf32>
          %mul3A_322 = arith.mulf %sub3A_319, %dot_general3A_321 : vector<128x512xf32>
          %reduce_sum3A_323 = arith.constant dense<0.000000e+00> : vector<512xf32>
          %reduce_sum3A_324 = vector.multi_reduction <add>, %mul3A_322, %reduce_sum3A_323 [0] : vector<128x512xf32> to vector<512xf32>
          %broadcast_in_dim3A_325 = vector.shape_cast %reduce_sum3A_324 : vector<512xf32> to vector<1x512xf32>
          %mul3A_326 = vector.broadcast %sub3A_138 : vector<128x1xf32> to vector<128x512xf32>
          %mul3A_327 = arith.mulf %mul3A_318, %mul3A_326 : vector<128x512xf32>
          %reduce_sum3A_328 = arith.constant dense<0.000000e+00> : vector<512xf32>
          %reduce_sum3A_329 = vector.multi_reduction <add>, %mul3A_327, %reduce_sum3A_328 [0] : vector<128x512xf32> to vector<512xf32>
          %broadcast_in_dim3A_330 = vector.shape_cast %reduce_sum3A_329 : vector<512xf32> to vector<1x512xf32>
          %mul3A_331 = arith.constant 2.000000e+00 : f32
          %mul3A_332 = vector.broadcast %mul3A_331 : f32 to vector<1x512xf32>
          %mul3A_333 = arith.mulf %mul3A_332, %broadcast_in_dim3A_330 : vector<1x512xf32>
          %sub3A_334 = vector.broadcast %add3A_154 : vector<1x1xf32> to vector<1x512xf32>
          %sub3A_335 = arith.subf %sub3A_334, %mul3A_333 : vector<1x512xf32>
          %eq3A_336 = arith.constant 0 : i32
          %eq3A_337 = arith.cmpi eq, %while3A_230, %eq3A_336 : i32
          %broadcast_in_dim3A_338 = arith.constant 0.000000e+00 : f32
          %broadcast_in_dim3A_339 = vector.broadcast %broadcast_in_dim3A_338 : f32 to vector<1x512xf32>
          %select_n3A_340 = arith.select %eq3A_337, %sub3A_335, %broadcast_in_dim3A_339 : vector<1x512xf32>
          %add3A_341 = arith.addf %broadcast_in_dim3A_325, %select_n3A_340 : vector<1x512xf32>
          %max3A = arith.constant 0.000000e+00 : f32
          %max3A_342 = vector.broadcast %max3A : f32 to vector<1x512xf32>
          %max3A_343 = arith.maximumf %add3A_341, %max3A_342 : vector<1x512xf32>
          %sqrt3A = math.sqrt %max3A_343 : vector<1x512xf32>
          %reduce_sum3A_344 = vector.shape_cast %sqrt3A : vector<1x512xf32> to vector<1x1x512xf32>
          %reduce_sum3A_345 = arith.constant dense<0.000000e+00> : vector<1xf32>
          %reduce_sum3A_346 = vector.multi_reduction <add>, %reduce_sum3A_344, %reduce_sum3A_345 [1, 2] : vector<1x1x512xf32> to vector<1xf32>
          %reduce_sum3A_347 = vector.shape_cast %reduce_sum3A_346 : vector<1xf32> to vector<1x1x1xf32>
          %reduce_sum3A_348 = vector.extract %reduce_sum3A_347[0, 0, 0] : f32 from vector<1x1x1xf32>
          %jit3A_349 = arith.constant 0.000000e+00 : f32
          %broadcast_in_dim3A_350 = vector.shape_cast %eq3A_81 : vector<1x512xi1> to vector<1x512xi1>
          %broadcast_in_dim3A_351 = vector.broadcast %broadcast_in_dim3A_350 : vector<1x512xi1> to vector<128x512xi1>
          %broadcast_in_dim3A_352 = vector.broadcast %jit3A_349 : f32 to vector<128x512xf32>
          %select_n3A_353 = arith.select %broadcast_in_dim3A_351, %select_n3A_310, %broadcast_in_dim3A_352 : vector<128x512xi1>, vector<128x512xf32>
          %reduce_sum3A_354 = arith.constant dense<0.000000e+00> : vector<128xf32>
          %reduce_sum3A_355 = vector.multi_reduction <add>, %select_n3A_353, %reduce_sum3A_354 [1] : vector<128x512xf32> to vector<128xf32>
          %broadcast_in_dim3A_356 = vector.shape_cast %reduce_sum3A_355 : vector<128xf32> to vector<128x1xf32>
          %jit3A_357 = arith.constant 0.000000e+00 : f32
          %broadcast_in_dim3A_358 = vector.broadcast %jit3A_357 : f32 to vector<1x512xf32>
          %select_n3A_359 = arith.select %eq3A_81, %broadcast_in_dim3A_313, %broadcast_in_dim3A_358 : vector<1x512xi1>, vector<1x512xf32>
          %reduce_sum3A_360 = arith.constant dense<0.000000e+00> : vector<1xf32>
          %reduce_sum3A_361 = vector.multi_reduction <add>, %select_n3A_359, %reduce_sum3A_360 [1] : vector<1x512xf32> to vector<1xf32>
          %broadcast_in_dim3A_362 = vector.shape_cast %reduce_sum3A_361 : vector<1xf32> to vector<1x1xf32>
          %div3A_363 = arith.constant 1.000000e+00 : f32
          %div3A_364 = vector.broadcast %div3A_363 : f32 to vector<1x1xf32>
          %div3A_365 = arith.divf %div3A_364, %broadcast_in_dim3A_362 : vector<1x1xf32>
          %dot_general3A_366 = arith.constant dense<0.000000e+00> : vector<128x1xf32>
          %dot_general3A_367 = tpu.matmul %dot_general3A_99, %broadcast_in_dim3A_356, %dot_general3A_366 {dimension_numbers = #tpu.dot_dimension_numbers<[1], [0], [0], [1], [0, 0, 1, 1], [], []>, transpose_lhs_hint = false} : vector<128x128xf32>, vector<128x1xf32>, vector<128x1xf32> -> vector<128x1xf32>
          %mul3A_368 = arith.mulf %broadcast_in_dim3A_356, %dot_general3A_367 : vector<128x1xf32>
          %reduce_sum3A_369 = arith.constant dense<0.000000e+00> : vector<1xf32>
          %reduce_sum3A_370 = vector.multi_reduction <add>, %mul3A_368, %reduce_sum3A_369 [0] : vector<128x1xf32> to vector<1xf32>
          %broadcast_in_dim3A_371 = vector.shape_cast %reduce_sum3A_370 : vector<1xf32> to vector<1x1xf32>
          %mul3A_372 = arith.mulf %broadcast_in_dim3A_356, %broadcast_in_dim3A_98 : vector<128x1xf32>
          %reduce_sum3A_373 = arith.constant dense<0.000000e+00> : vector<1xf32>
          %reduce_sum3A_374 = vector.multi_reduction <add>, %mul3A_372, %reduce_sum3A_373 [0] : vector<128x1xf32> to vector<1xf32>
          %broadcast_in_dim3A_375 = vector.shape_cast %reduce_sum3A_374 : vector<1xf32> to vector<1x1xf32>
          %mul3A_376 = arith.mulf %broadcast_in_dim3A_371, %div3A_365 : vector<1x1xf32>
          %mul3A_377 = arith.mulf %mul3A_376, %div3A_365 : vector<1x1xf32>
          %mul3A_378 = arith.constant 2.000000e-10 : f32
          %mul3A_379 = vector.broadcast %mul3A_378 : f32 to vector<1x1xf32>
          %mul3A_380 = arith.mulf %mul3A_379, %broadcast_in_dim3A_375 : vector<1x1xf32>
          %mul3A_381 = arith.mulf %mul3A_380, %div3A_365 : vector<1x1xf32>
          %add3A_382 = arith.addf %mul3A_377, %mul3A_381 : vector<1x1xf32>
          %add3A_383 = arith.constant 2.560000e-18 : f32
          %add3A_384 = vector.broadcast %add3A_383 : f32 to vector<1x1xf32>
          %add3A_385 = arith.addf %add3A_382, %add3A_384 : vector<1x1xf32>
          %mul3A_386 = vector.broadcast %div3A_365 : vector<1x1xf32> to vector<128x1xf32>
          %mul3A_387 = arith.mulf %dot_general3A_367, %mul3A_386 : vector<128x1xf32>
          %mul3A_388 = arith.constant 1.000000e-10 : f32
          %mul3A_389 = vector.broadcast %mul3A_388 : f32 to vector<128x1xf32>
          %mul3A_390 = arith.mulf %mul3A_389, %broadcast_in_dim3A_98 : vector<128x1xf32>
          %add3A_391 = arith.addf %mul3A_387, %mul3A_390 : vector<128x1xf32>
          %swap3A_392 = arith.constant 0 : index
          %swap3A_393 = arith.constant 0 : index
          %swap3A_394 = vector.load %arg12[%swap3A_392, %swap3A_393] : memref<128x512xf32, #tpu.memory_space<vmem>>, vector<128x512xf32>
          tpu.vector_store %arg12[%swap3A_392, %swap3A_393], %mul3A_318 {strides = array<i32>} : memref<128x512xf32, #tpu.memory_space<vmem>>, vector<128x512xf32>,
          %add3A_395 = arith.constant 1 : i32
          %add3A_396 = arith.addi %while3A_230, %add3A_395 : i32
          scf.yield %add3A_396, %reduce_sum3A_348, %add3A_391, %add3A_385, %broadcast_in_dim3A_356, %broadcast_in_dim3A_362 : i32, f32, vector<128x1xf32>, vector<1x1xf32>, vector<128x1xf32>, vector<1x1xf32>
        }
        %div3A_166 = arith.constant 1.000000e+00 : f32
        %div3A_167 = vector.broadcast %div3A_166 : f32 to vector<1x1xf32>
        %div3A_168 = arith.divf %div3A_167, %while3A_165#5 : vector<1x1xf32>
        %dot_general3A_169 = arith.constant dense<0.000000e+00> : vector<256x1xf32>
        %dot_general3A_170 = tpu.matmul %select_n3A_91, %while3A_165#4, %dot_general3A_169 {dimension_numbers = #tpu.dot_dimension_numbers<[0], [0], [1], [1], [0, 1, 1, 1], [], []>, transpose_lhs_hint = false} : vector<128x256xf32>, vector<128x1xf32>, vector<256x1xf32> -> vector<256x1xf32>
        %mul3A_171 = vector.broadcast %div3A_168 : vector<1x1xf32> to vector<256x1xf32>
        %mul3A_172 = arith.mulf %dot_general3A_170, %mul3A_171 : vector<256x1xf32>
        %add3A_173 = arith.constant 1.000000e-10 : f32
        %add3A_174 = vector.broadcast %add3A_173 : f32 to vector<256x1xf32>
        %add3A_175 = arith.addf %mul3A_172, %add3A_174 : vector<256x1xf32>
        %eq3A_176 = vector.broadcast %scan3A_24 : i32 to vector<256x512xi32>
        %eq3A_177 = arith.cmpi eq, %iota3A, %eq3A_176 : vector<256x512xi32>
        %broadcast_in_dim3A_178 = vector.shape_cast %add3A_175 : vector<256x1xf32> to vector<256x1xf32>
        %broadcast_in_dim3A_179 = vector.broadcast %broadcast_in_dim3A_178 : vector<256x1xf32> to vector<256x512xf32>
        %get3A_180 = arith.constant 0 : index
        %get3A_181 = arith.constant 0 : index
        %get3A_182 = vector.load %arg5[%get3A_180, %get3A_181] : memref<256x512xf32, #tpu.memory_space<vmem>>, vector<256x512xf32>
        %select_n3A_183 = arith.select %eq3A_177, %broadcast_in_dim3A_179, %get3A_182 : vector<256x512xi1>, vector<256x512xf32>
        %swap3A_184 = arith.constant 0 : index
        %swap3A_185 = arith.constant 0 : index
        %swap3A_186 = vector.load %arg5[%swap3A_184, %swap3A_185] : memref<256x512xf32, #tpu.memory_space<vmem>>, vector<256x512xf32>
        tpu.vector_store %arg5[%swap3A_184, %swap3A_185], %select_n3A_183 {strides = array<i32>} : memref<256x512xf32, #tpu.memory_space<vmem>>, vector<256x512xf32>,
        %get3A_187 = arith.constant 0 : index
        %get3A_188 = arith.constant 0 : index
        %get3A_189 = vector.load %arg10[%get3A_187, %get3A_188] : memref<1x512xf32, #tpu.memory_space<vmem>>, vector<1x512xf32>
        %broadcast_in_dim3A_190 = vector.shape_cast %while3A_165#3 : vector<1x1xf32> to vector<1x1xf32>
        %broadcast_in_dim3A_191 = vector.broadcast %broadcast_in_dim3A_190 : vector<1x1xf32> to vector<1x512xf32>
        %select_n3A_192 = arith.select %eq3A_81, %broadcast_in_dim3A_191, %get3A_189 : vector<1x512xi1>, vector<1x512xf32>
        %swap3A_193 = arith.constant 0 : index
        %swap3A_194 = arith.constant 0 : index
        %swap3A_195 = vector.load %arg10[%swap3A_193, %swap3A_194] : memref<1x512xf32, #tpu.memory_space<vmem>>, vector<1x512xf32>
        tpu.vector_store %arg10[%swap3A_193, %swap3A_194], %select_n3A_192 {strides = array<i32>} : memref<1x512xf32, #tpu.memory_space<vmem>>, vector<1x512xf32>,
        %reduce_sum3A_196 = arith.constant dense<0.000000e+00> : vector<1xf32>
        %reduce_sum3A_197 = vector.multi_reduction <add>, %add3A_175, %reduce_sum3A_196 [0] : vector<256x1xf32> to vector<1xf32>
        %broadcast_in_dim3A_198 = vector.shape_cast %reduce_sum3A_197 : vector<1xf32> to vector<1x1xf32>
        %get3A_199 = arith.constant 0 : index
        %get3A_200 = arith.constant 0 : index
        %get3A_201 = vector.load %arg11[%get3A_199, %get3A_200] : memref<1x512xf32, #tpu.memory_space<vmem>>, vector<1x512xf32>
        %broadcast_in_dim3A_202 = vector.shape_cast %broadcast_in_dim3A_198 : vector<1x1xf32> to vector<1x1xf32>
        %broadcast_in_dim3A_203 = vector.broadcast %broadcast_in_dim3A_202 : vector<1x1xf32> to vector<1x512xf32>
        %select_n3A_204 = arith.select %eq3A_81, %broadcast_in_dim3A_203, %get3A_201 : vector<1x512xi1>, vector<1x512xf32>
        %swap3A_205 = arith.constant 0 : index
        %swap3A_206 = arith.constant 0 : index
        %swap3A_207 = vector.load %arg11[%swap3A_205, %swap3A_206] : memref<1x512xf32, #tpu.memory_space<vmem>>, vector<1x512xf32>
        tpu.vector_store %arg11[%swap3A_205, %swap3A_206], %select_n3A_204 {strides = array<i32>} : memref<1x512xf32, #tpu.memory_space<vmem>>, vector<1x512xf32>,
        %mul3A_208 = arith.constant 2.000000e+00 : f32
        %mul3A_209 = vector.broadcast %mul3A_208 : f32 to vector<128x1xf32>
        %mul3A_210 = arith.mulf %mul3A_209, %while3A_165#2 : vector<128x1xf32>
        %sub3A_211 = arith.subf %broadcast_in_dim3A_95, %mul3A_210 : vector<128x1xf32>
        %add3A_212 = vector.broadcast %while3A_165#3 : vector<1x1xf32> to vector<128x1xf32>
        %add3A_213 = arith.addf %sub3A_211, %add3A_212 : vector<128x1xf32>
        %jit3A_214 = arith.constant 0.000000e+00 : f32
        %broadcast_in_dim3A_215 = vector.broadcast %jit3A_214 : f32 to vector<128x1xf32>
        %select_n3A_216 = arith.select %lt3A_83, %add3A_213, %broadcast_in_dim3A_215 : vector<128x1xi1>, vector<128x1xf32>
        %get3A_217 = arith.constant 0 : index
        %get3A_218 = arith.constant 0 : index
        %get3A_219 = vector.load %arg4[%get3A_217, %get3A_218] : memref<1x1xf32, #tpu.memory_space<vmem>>, vector<1x1xf32>
        %reduce_sum3A_220 = vector.shape_cast %select_n3A_216 : vector<128x1xf32> to vector<1x128x1xf32>
        %reduce_sum3A_221 = arith.constant dense<0.000000e+00> : vector<1xf32>
        %reduce_sum3A_222 = vector.multi_reduction <add>, %reduce_sum3A_220, %reduce_sum3A_221 [1, 2] : vector<1x128x1xf32> to vector<1xf32>
        %reduce_sum3A_223 = vector.shape_cast %reduce_sum3A_222 : vector<1xf32> to vector<1x1x1xf32>
        %reduce_sum3A_224 = vector.extract %reduce_sum3A_223[0, 0, 0] : f32 from vector<1x1x1xf32>
        %add3A_225 = vector.broadcast %reduce_sum3A_224 : f32 to vector<1x1xf32>
        %add3A_226 = arith.addf %get3A_219, %add3A_225 : vector<1x1xf32>
        %swap3A_227 = arith.constant 0 : index
        %swap3A_228 = arith.constant 0 : index
        %swap3A_229 = vector.load %arg4[%swap3A_227, %swap3A_228] : memref<1x1xf32, #tpu.memory_space<vmem>>, vector<1x1xf32>
        tpu.vector_store %arg4[%swap3A_227, %swap3A_228], %add3A_226 {strides = array<i32>} : memref<1x1xf32, #tpu.memory_space<vmem>>, vector<1x1xf32>,
      } else {
      }
      %gt3A_76 = arith.constant 128 : i32
      %gt3A_77 = arith.cmpi sgt, %get3A_27, %gt3A_76 : i32
      %convert_element_type3A_78 = arith.extui %gt3A_77 : i1 to i32
      %cond3A_79 = arith.constant 0 : i32
      %cond3A_80 = arith.cmpi ne, %convert_element_type3A_78, %cond3A_79 : i32
      scf.if %cond3A_80 {
        %iota3A_81 = tpu.iota {dimensions = array<i32: 0>} : vector<512x1xi32>
        %eq3A = vector.broadcast %scan3A_24 : i32 to vector<512x1xi32>
        %eq3A_82 = arith.cmpi eq, %iota3A_81, %eq3A : vector<512x1xi32>
        %convert_element_type3A_83 = arith.extui %eq3A_82 : vector<512x1xi1> to vector<512x1xi32>
        %convert_element_type3A_84 = arith.sitofp %convert_element_type3A_83 : vector<512x1xi32> to vector<512x1xf32>
        %get3A_85 = arith.constant 0 : index
        %get3A_86 = arith.constant 0 : index
        %get3A_87 = vector.load %arg5[%get3A_85, %get3A_86] : memref<256x512xf32, #tpu.memory_space<vmem>>, vector<256x512xf32>
        %dot_general3A = arith.constant dense<0.000000e+00> : vector<256x1xf32>
        %dot_general3A_88 = tpu.matmul %get3A_87, %convert_element_type3A_84, %dot_general3A {dimension_numbers = #tpu.dot_dimension_numbers<[1], [0], [0], [1], [0, 0, 1, 1], [], []>, transpose_lhs_hint = false} : vector<256x512xf32>, vector<512x1xf32>, vector<256x1xf32> -> vector<256x1xf32>
        %broadcast_in_dim3A_89 = vector.shape_cast %dot_general3A_88 : vector<256x1xf32> to vector<256x1xf32>
        %broadcast_in_dim3A_90 = vector.broadcast %broadcast_in_dim3A_89 : vector<256x1xf32> to vector<256x512xf32>
        %swap3A_91 = arith.constant 0 : index
        %swap3A_92 = arith.constant 0 : index
        %swap3A_93 = vector.load %arg6[%swap3A_91, %swap3A_92] : memref<256x512xf32, #tpu.memory_space<vmem>>, vector<256x512xf32>
        tpu.vector_store %arg6[%swap3A_91, %swap3A_92], %broadcast_in_dim3A_90 {strides = array<i32>} : memref<256x512xf32, #tpu.memory_space<vmem>>, vector<256x512xf32>,
        %while3A = arith.constant 0 : i32
        %while3A_94 = arith.constant 0.000000e+00 : f32
        %while3A_95:2 = scf.while (%while3A_152 = %while3A, %while3A_153 = %while3A_94) : (i32, f32) -> (i32, f32) {
          %eq3A_154 = arith.constant 0 : i32
          %eq3A_155 = arith.cmpi eq, %while3A_152, %eq3A_154 : i32
          %mul3A_156 = arith.mulf %while3A_153, %while3A_153 : f32
          %ge3A = arith.constant 9.99999974E-5 : f32
          %ge3A_157 = arith.cmpf oge, %mul3A_156, %ge3A : f32
          %lt3A = arith.constant 10 : i32
          %lt3A_158 = arith.cmpi slt, %while3A_152, %lt3A : i32
          %and3A_159 = arith.andi %ge3A_157, %lt3A_158 : i1
          %or3A = arith.ori %eq3A_155, %and3A_159 : i1
          scf.condition(%or3A) %while3A_152, %while3A_153 : i32, f32
        } do {
        ^bb0(%while3A_152: i32, %while3A_153: f32):
          %get3A_154 = arith.constant 0 : index
          %get3A_155 = arith.constant 0 : index
          %get3A_156 = vector.load %arg5[%get3A_154, %get3A_155] : memref<256x512xf32, #tpu.memory_space<vmem>>, vector<256x512xf32>
          %mul3A_157 = arith.mulf %get3A_156, %get3A_156 : vector<256x512xf32>
          %reduce_sum3A_158 = arith.constant dense<0.000000e+00> : vector<512xf32>
          %reduce_sum3A_159 = vector.multi_reduction <add>, %mul3A_157, %reduce_sum3A_158 [0] : vector<256x512xf32> to vector<512xf32>
          %broadcast_in_dim3A_160 = vector.shape_cast %reduce_sum3A_159 : vector<512xf32> to vector<1x512xf32>
          %while3A_161 = arith.constant 0 : i32
          %while3A_162 = arith.constant 0x7F800000 : f32
          %while3A_163 = arith.constant 0xFF800000 : f32
          %while3A_164 = arith.subi %select_n3A, %while3A_161 : i32
          %while3A_165 = arith.addi %while3A_161, %while3A_164 : i32
          %while3A_166 = arith.constant 1 : i32
          %while3A_167 = arith.divsi %while3A_164, %while3A_166 : i32
          %while3A_168 = arith.muli %while3A_167, %while3A_166 : i32
          %while3A_169 = arith.addi %while3A_161, %while3A_168 : i32
          %while3A_170 = arith.constant 1 : i32
          %while3A_171:2 = scf.for %while3A_237 = %while3A_161 to %while3A_169 step %while3A_170 iter_args(%while3A_238 = %while3A_162, %while3A_239 = %while3A_163) -> (f32, f32)  : i32 {
            %mul3A_240 = arith.constant 16 : i32
            %mul3A_241 = arith.muli %while3A_237, %mul3A_240 : i32
            %add3A_242 = arith.addi %multiple_of3A, %mul3A_241 : i32
            %get3A_243 = arith.index_cast %add3A_242 : i32 to index
            %get3A_244 = arith.constant 0 : index
            %get3A_245 = vector.load %arg3[%get3A_243, %get3A_244] : memref<8816x256xf32, #tpu.memory_space<vmem>>, vector<16x256xf32>
            %iota3A_246 = tpu.iota {dimensions = array<i32: 0>} : vector<16x1xi32>
            %mul3A_247 = arith.constant 16 : i32
            %mul3A_248 = arith.muli %while3A_237, %mul3A_247 : i32
            %add3A_249 = vector.broadcast %mul3A_248 : i32 to vector<16x1xi32>
            %add3A_250 = arith.addi %iota3A_246, %add3A_249 : vector<16x1xi32>
            %lt3A = vector.broadcast %get3A_27 : i32 to vector<16x1xi32>
            %lt3A_251 = arith.cmpi slt, %add3A_250, %lt3A : vector<16x1xi32>
            %jit3A_252 = arith.constant 0.000000e+00 : f32
            %broadcast_in_dim3A_253 = vector.shape_cast %lt3A_251 : vector<16x1xi1> to vector<16x1xi1>
            %broadcast_in_dim3A_254 = vector.broadcast %broadcast_in_dim3A_253 : vector<16x1xi1> to vector<16x256xi1>
            %broadcast_in_dim3A_255 = vector.broadcast %jit3A_252 : f32 to vector<16x256xf32>
            %select_n3A_256 = arith.select %broadcast_in_dim3A_254, %get3A_245, %broadcast_in_dim3A_255 : vector<16x256xi1>, vector<16x256xf32>
            %mul3A_257 = arith.mulf %select_n3A_256, %select_n3A_256 : vector<16x256xf32>
            %reduce_sum3A_258 = arith.constant dense<0.000000e+00> : vector<16xf32>
            %reduce_sum3A_259 = vector.multi_reduction <add>, %mul3A_257, %reduce_sum3A_258 [1] : vector<16x256xf32> to vector<16xf32>
            %broadcast_in_dim3A_260 = vector.shape_cast %reduce_sum3A_259 : vector<16xf32> to vector<16x1xf32>
            %add3A_261 = vector.broadcast %broadcast_in_dim3A_260 : vector<16x1xf32> to vector<16x512xf32>
            %add3A_262 = vector.broadcast %broadcast_in_dim3A_160 : vector<1x512xf32> to vector<16x512xf32>
            %add3A_263 = arith.addf %add3A_261, %add3A_262 : vector<16x512xf32>
            %dot_general3A_264 = arith.constant dense<0.000000e+00> : vector<16x512xf32>
            %dot_general3A_265 = tpu.matmul %select_n3A_256, %get3A_156, %dot_general3A_264 {dimension_numbers = #tpu.dot_dimension_numbers<[1], [0], [0], [1], [0, 0, 1, 1], [], []>, transpose_lhs_hint = false} : vector<16x256xf32>, vector<256x512xf32>, vector<16x512xf32> -> vector<16x512xf32>
            %mul3A_266 = arith.constant 2.000000e+00 : f32
            %mul3A_267 = vector.broadcast %mul3A_266 : f32 to vector<16x512xf32>
            %mul3A_268 = arith.mulf %mul3A_267, %dot_general3A_265 : vector<16x512xf32>
            %sub3A_269 = arith.subf %add3A_263, %mul3A_268 : vector<16x512xf32>
            %mul3A_270 = arith.constant 16 : i32
            %mul3A_271 = arith.muli %while3A_237, %mul3A_270 : i32
            %swap3A_272 = arith.index_cast %mul3A_271 : i32 to index
            %swap3A_273 = arith.constant 0 : index
            %swap3A_274 = vector.load %arg9[%swap3A_272, %swap3A_273] : memref<1024x512xf32, #tpu.memory_space<vmem>>, vector<16x512xf32>
            tpu.vector_store %arg9[%swap3A_272, %swap3A_273], %sub3A_269 {strides = array<i32>} : memref<1024x512xf32, #tpu.memory_space<vmem>>, vector<16x512xf32>,
            %jit3A_275 = arith.constant 0x7F800000 : f32
            %broadcast_in_dim3A_276 = vector.shape_cast %lt3A_251 : vector<16x1xi1> to vector<16x1xi1>
            %broadcast_in_dim3A_277 = vector.broadcast %broadcast_in_dim3A_276 : vector<16x1xi1> to vector<16x512xi1>
            %broadcast_in_dim3A_278 = vector.broadcast %jit3A_275 : f32 to vector<16x512xf32>
            %select_n3A_279 = arith.select %broadcast_in_dim3A_277, %sub3A_269, %broadcast_in_dim3A_278 : vector<16x512xi1>, vector<16x512xf32>
            %reduce_min3A = vector.shape_cast %select_n3A_279 : vector<16x512xf32> to vector<1x16x512xf32>
            %reduce_min3A_280 = arith.constant dense<0x7F800000> : vector<1xf32>
            %reduce_min3A_281 = vector.multi_reduction <minimumf>, %reduce_min3A, %reduce_min3A_280 [1, 2] : vector<1x16x512xf32> to vector<1xf32>
            %reduce_min3A_282 = vector.shape_cast %reduce_min3A_281 : vector<1xf32> to vector<1x1x1xf32>
            %reduce_min3A_283 = vector.extract %reduce_min3A_282[0, 0, 0] : f32 from vector<1x1x1xf32>
            %min3A = arith.minimumf %while3A_238, %reduce_min3A_283 : f32
            %jit3A_284 = arith.constant 0xFF800000 : f32
            %broadcast_in_dim3A_285 = vector.shape_cast %lt3A_251 : vector<16x1xi1> to vector<16x1xi1>
            %broadcast_in_dim3A_286 = vector.broadcast %broadcast_in_dim3A_285 : vector<16x1xi1> to vector<16x512xi1>
            %broadcast_in_dim3A_287 = vector.broadcast %jit3A_284 : f32 to vector<16x512xf32>
            %select_n3A_288 = arith.select %broadcast_in_dim3A_286, %sub3A_269, %broadcast_in_dim3A_287 : vector<16x512xi1>, vector<16x512xf32>
            %reduce_max3A = vector.shape_cast %select_n3A_288 : vector<16x512xf32> to vector<1x16x512xf32>
            %reduce_max3A_289 = arith.constant dense<0xFF800000> : vector<1xf32>
            %reduce_max3A_290 = vector.multi_reduction <maximumf>, %reduce_max3A, %reduce_max3A_289 [1, 2] : vector<1x16x512xf32> to vector<1xf32>
            %reduce_max3A_291 = vector.shape_cast %reduce_max3A_290 : vector<1xf32> to vector<1x1x1xf32>
            %reduce_max3A_292 = vector.extract %reduce_max3A_291[0, 0, 0] : f32 from vector<1x1x1xf32>
            %max3A = arith.maximumf %while3A_239, %reduce_max3A_292 : f32
            scf.yield %min3A, %max3A : f32, f32
          }
          %while3A_172 = arith.constant 1 : i32
          %while3A_173:2 = scf.for %while3A_237 = %while3A_169 to %while3A_165 step %while3A_172 iter_args(%while3A_238 = %while3A_171#0, %while3A_239 = %while3A_171#1) -> (f32, f32)  : i32 {
            %mul3A_240 = arith.constant 16 : i32
            %mul3A_241 = arith.muli %while3A_237, %mul3A_240 : i32
            %add3A_242 = arith.addi %multiple_of3A, %mul3A_241 : i32
            %get3A_243 = arith.index_cast %add3A_242 : i32 to index
            %get3A_244 = arith.constant 0 : index
            %get3A_245 = vector.load %arg3[%get3A_243, %get3A_244] : memref<8816x256xf32, #tpu.memory_space<vmem>>, vector<16x256xf32>
            %iota3A_246 = tpu.iota {dimensions = array<i32: 0>} : vector<16x1xi32>
            %mul3A_247 = arith.constant 16 : i32
            %mul3A_248 = arith.muli %while3A_237, %mul3A_247 : i32
            %add3A_249 = vector.broadcast %mul3A_248 : i32 to vector<16x1xi32>
            %add3A_250 = arith.addi %iota3A_246, %add3A_249 : vector<16x1xi32>
            %lt3A = vector.broadcast %get3A_27 : i32 to vector<16x1xi32>
            %lt3A_251 = arith.cmpi slt, %add3A_250, %lt3A : vector<16x1xi32>
            %jit3A_252 = arith.constant 0.000000e+00 : f32
            %broadcast_in_dim3A_253 = vector.shape_cast %lt3A_251 : vector<16x1xi1> to vector<16x1xi1>
            %broadcast_in_dim3A_254 = vector.broadcast %broadcast_in_dim3A_253 : vector<16x1xi1> to vector<16x256xi1>
            %broadcast_in_dim3A_255 = vector.broadcast %jit3A_252 : f32 to vector<16x256xf32>
            %select_n3A_256 = arith.select %broadcast_in_dim3A_254, %get3A_245, %broadcast_in_dim3A_255 : vector<16x256xi1>, vector<16x256xf32>
            %mul3A_257 = arith.mulf %select_n3A_256, %select_n3A_256 : vector<16x256xf32>
            %reduce_sum3A_258 = arith.constant dense<0.000000e+00> : vector<16xf32>
            %reduce_sum3A_259 = vector.multi_reduction <add>, %mul3A_257, %reduce_sum3A_258 [1] : vector<16x256xf32> to vector<16xf32>
            %broadcast_in_dim3A_260 = vector.shape_cast %reduce_sum3A_259 : vector<16xf32> to vector<16x1xf32>
            %add3A_261 = vector.broadcast %broadcast_in_dim3A_260 : vector<16x1xf32> to vector<16x512xf32>
            %add3A_262 = vector.broadcast %broadcast_in_dim3A_160 : vector<1x512xf32> to vector<16x512xf32>
            %add3A_263 = arith.addf %add3A_261, %add3A_262 : vector<16x512xf32>
            %dot_general3A_264 = arith.constant dense<0.000000e+00> : vector<16x512xf32>
            %dot_general3A_265 = tpu.matmul %select_n3A_256, %get3A_156, %dot_general3A_264 {dimension_numbers = #tpu.dot_dimension_numbers<[1], [0], [0], [1], [0, 0, 1, 1], [], []>, transpose_lhs_hint = false} : vector<16x256xf32>, vector<256x512xf32>, vector<16x512xf32> -> vector<16x512xf32>
            %mul3A_266 = arith.constant 2.000000e+00 : f32
            %mul3A_267 = vector.broadcast %mul3A_266 : f32 to vector<16x512xf32>
            %mul3A_268 = arith.mulf %mul3A_267, %dot_general3A_265 : vector<16x512xf32>
            %sub3A_269 = arith.subf %add3A_263, %mul3A_268 : vector<16x512xf32>
            %mul3A_270 = arith.constant 16 : i32
            %mul3A_271 = arith.muli %while3A_237, %mul3A_270 : i32
            %swap3A_272 = arith.index_cast %mul3A_271 : i32 to index
            %swap3A_273 = arith.constant 0 : index
            %swap3A_274 = vector.load %arg9[%swap3A_272, %swap3A_273] : memref<1024x512xf32, #tpu.memory_space<vmem>>, vector<16x512xf32>
            tpu.vector_store %arg9[%swap3A_272, %swap3A_273], %sub3A_269 {strides = array<i32>} : memref<1024x512xf32, #tpu.memory_space<vmem>>, vector<16x512xf32>,
            %jit3A_275 = arith.constant 0x7F800000 : f32
            %broadcast_in_dim3A_276 = vector.shape_cast %lt3A_251 : vector<16x1xi1> to vector<16x1xi1>
            %broadcast_in_dim3A_277 = vector.broadcast %broadcast_in_dim3A_276 : vector<16x1xi1> to vector<16x512xi1>
            %broadcast_in_dim3A_278 = vector.broadcast %jit3A_275 : f32 to vector<16x512xf32>
            %select_n3A_279 = arith.select %broadcast_in_dim3A_277, %sub3A_269, %broadcast_in_dim3A_278 : vector<16x512xi1>, vector<16x512xf32>
            %reduce_min3A = vector.shape_cast %select_n3A_279 : vector<16x512xf32> to vector<1x16x512xf32>
            %reduce_min3A_280 = arith.constant dense<0x7F800000> : vector<1xf32>
            %reduce_min3A_281 = vector.multi_reduction <minimumf>, %reduce_min3A, %reduce_min3A_280 [1, 2] : vector<1x16x512xf32> to vector<1xf32>
            %reduce_min3A_282 = vector.shape_cast %reduce_min3A_281 : vector<1xf32> to vector<1x1x1xf32>
            %reduce_min3A_283 = vector.extract %reduce_min3A_282[0, 0, 0] : f32 from vector<1x1x1xf32>
            %min3A = arith.minimumf %while3A_238, %reduce_min3A_283 : f32
            %jit3A_284 = arith.constant 0xFF800000 : f32
            %broadcast_in_dim3A_285 = vector.shape_cast %lt3A_251 : vector<16x1xi1> to vector<16x1xi1>
            %broadcast_in_dim3A_286 = vector.broadcast %broadcast_in_dim3A_285 : vector<16x1xi1> to vector<16x512xi1>
            %broadcast_in_dim3A_287 = vector.broadcast %jit3A_284 : f32 to vector<16x512xf32>
            %select_n3A_288 = arith.select %broadcast_in_dim3A_286, %sub3A_269, %broadcast_in_dim3A_287 : vector<16x512xi1>, vector<16x512xf32>
            %reduce_max3A = vector.shape_cast %select_n3A_288 : vector<16x512xf32> to vector<1x16x512xf32>
            %reduce_max3A_289 = arith.constant dense<0xFF800000> : vector<1xf32>
            %reduce_max3A_290 = vector.multi_reduction <maximumf>, %reduce_max3A, %reduce_max3A_289 [1, 2] : vector<1x16x512xf32> to vector<1xf32>
            %reduce_max3A_291 = vector.shape_cast %reduce_max3A_290 : vector<1xf32> to vector<1x1x1xf32>
            %reduce_max3A_292 = vector.extract %reduce_max3A_291[0, 0, 0] : f32 from vector<1x1x1xf32>
            %max3A = arith.maximumf %while3A_239, %reduce_max3A_292 : f32
            scf.yield %min3A, %max3A : f32, f32
          }
          %broadcast_in_dim3A_174 = arith.constant 0.000000e+00 : f32
          %broadcast_in_dim3A_175 = vector.broadcast %broadcast_in_dim3A_174 : f32 to vector<256x512xf32>
          %swap3A_176 = arith.constant 0 : index
          %swap3A_177 = arith.constant 0 : index
          %swap3A_178 = vector.load %arg7[%swap3A_176, %swap3A_177] : memref<256x512xf32, #tpu.memory_space<vmem>>, vector<256x512xf32>
          tpu.vector_store %arg7[%swap3A_176, %swap3A_177], %broadcast_in_dim3A_175 {strides = array<i32>} : memref<256x512xf32, #tpu.memory_space<vmem>>, vector<256x512xf32>,
          %broadcast_in_dim3A_179 = arith.constant 0.000000e+00 : f32
          %broadcast_in_dim3A_180 = vector.broadcast %broadcast_in_dim3A_179 : f32 to vector<1x512xf32>
          %swap3A_181 = arith.constant 0 : index
          %swap3A_182 = arith.constant 0 : index
          %swap3A_183 = vector.load %arg8[%swap3A_181, %swap3A_182] : memref<1x512xf32, #tpu.memory_space<vmem>>, vector<1x512xf32>
          tpu.vector_store %arg8[%swap3A_181, %swap3A_182], %broadcast_in_dim3A_180 {strides = array<i32>} : memref<1x512xf32, #tpu.memory_space<vmem>>, vector<1x512xf32>,
          %sub3A_184 = arith.subf %while3A_173#1, %while3A_173#0 : f32
          %div3A_185 = arith.constant 1.000000e+00 : f32
          %div3A_186 = arith.divf %div3A_185, %sub3A_184 : f32
          %while3A_187 = arith.constant 0 : i32
          %while3A_188 = arith.constant 0 : i32
          %while3A_189 = arith.subi %select_n3A, %while3A_187 : i32
          %while3A_190 = arith.addi %while3A_187, %while3A_189 : i32
          %while3A_191 = arith.constant 1 : i32
          %while3A_192 = arith.divsi %while3A_189, %while3A_191 : i32
          %while3A_193 = arith.muli %while3A_192, %while3A_191 : i32
          %while3A_194 = arith.addi %while3A_187, %while3A_193 : i32
          %while3A_195 = arith.constant 1 : i32
          %while3A_196 = scf.for %while3A_237 = %while3A_187 to %while3A_194 step %while3A_195 iter_args(%while3A_238 = %while3A_188) -> (i32)  : i32 {
            %mul3A_239 = arith.constant 16 : i32
            %mul3A_240 = arith.muli %while3A_237, %mul3A_239 : i32
            %get3A_241 = arith.index_cast %mul3A_240 : i32 to index
            %get3A_242 = arith.constant 0 : index
            %get3A_243 = vector.load %arg9[%get3A_241, %get3A_242] : memref<1024x512xf32, #tpu.memory_space<vmem>>, vector<16x512xf32>
            %iota3A_244 = tpu.iota {dimensions = array<i32: 0>} : vector<16x1xi32>
            %mul3A_245 = arith.constant 16 : i32
            %mul3A_246 = arith.muli %while3A_237, %mul3A_245 : i32
            %add3A_247 = vector.broadcast %mul3A_246 : i32 to vector<16x1xi32>
            %add3A_248 = arith.addi %iota3A_244, %add3A_247 : vector<16x1xi32>
            %lt3A = vector.broadcast %get3A_27 : i32 to vector<16x1xi32>
            %lt3A_249 = arith.cmpi slt, %add3A_248, %lt3A : vector<16x1xi32>
            %mul3A_250 = arith.constant 16 : i32
            %mul3A_251 = arith.muli %while3A_237, %mul3A_250 : i32
            %add3A_252 = arith.addi %multiple_of3A, %mul3A_251 : i32
            %get3A_253 = arith.index_cast %add3A_252 : i32 to index
            %get3A_254 = arith.constant 0 : index
            %get3A_255 = vector.load %arg3[%get3A_253, %get3A_254] : memref<8816x256xf32, #tpu.memory_space<vmem>>, vector<16x256xf32>
            %jit3A_256 = arith.constant 0.000000e+00 : f32
            %broadcast_in_dim3A_257 = vector.shape_cast %lt3A_249 : vector<16x1xi1> to vector<16x1xi1>
            %broadcast_in_dim3A_258 = vector.broadcast %broadcast_in_dim3A_257 : vector<16x1xi1> to vector<16x256xi1>
            %broadcast_in_dim3A_259 = vector.broadcast %jit3A_256 : f32 to vector<16x256xf32>
            %select_n3A_260 = arith.select %broadcast_in_dim3A_258, %get3A_255, %broadcast_in_dim3A_259 : vector<16x256xi1>, vector<16x256xf32>
            %sub3A_261 = vector.broadcast %while3A_173#0 : f32 to vector<16x512xf32>
            %sub3A_262 = arith.subf %get3A_243, %sub3A_261 : vector<16x512xf32>
            %mul3A_263 = vector.broadcast %div3A_186 : f32 to vector<16x512xf32>
            %mul3A_264 = arith.mulf %sub3A_262, %mul3A_263 : vector<16x512xf32>
            %mul3A_265 = arith.constant -0.00999999977 : f32
            %mul3A_266 = vector.broadcast %mul3A_265 : f32 to vector<16x512xf32>
            %mul3A_267 = arith.mulf %mul3A_266, %mul3A_264 : vector<16x512xf32>
            %exp3A = math.exp %mul3A_267 : vector<16x512xf32>
            %reduce_sum3A_268 = arith.constant dense<0.000000e+00> : vector<16xf32>
            %reduce_sum3A_269 = vector.multi_reduction <add>, %exp3A, %reduce_sum3A_268 [1] : vector<16x512xf32> to vector<16xf32>
            %broadcast_in_dim3A_270 = vector.shape_cast %reduce_sum3A_269 : vector<16xf32> to vector<16x1xf32>
            %div3A_271 = vector.broadcast %broadcast_in_dim3A_270 : vector<16x1xf32> to vector<16x512xf32>
            %div3A_272 = arith.divf %exp3A, %div3A_271 : vector<16x512xf32>
            %add3A_273 = arith.constant 1.000000e-10 : f32
            %add3A_274 = vector.broadcast %add3A_273 : f32 to vector<16x512xf32>
            %add3A_275 = arith.addf %div3A_272, %add3A_274 : vector<16x512xf32>
            %jit3A_276 = arith.constant 0.000000e+00 : f32
            %broadcast_in_dim3A_277 = vector.shape_cast %lt3A_249 : vector<16x1xi1> to vector<16x1xi1>
            %broadcast_in_dim3A_278 = vector.broadcast %broadcast_in_dim3A_277 : vector<16x1xi1> to vector<16x512xi1>
            %broadcast_in_dim3A_279 = vector.broadcast %jit3A_276 : f32 to vector<16x512xf32>
            %select_n3A_280 = arith.select %broadcast_in_dim3A_278, %add3A_275, %broadcast_in_dim3A_279 : vector<16x512xi1>, vector<16x512xf32>
            %get3A_281 = arith.constant 0 : index
            %get3A_282 = arith.constant 0 : index
            %get3A_283 = vector.load %arg7[%get3A_281, %get3A_282] : memref<256x512xf32, #tpu.memory_space<vmem>>, vector<256x512xf32>
            %dot_general3A_284 = arith.constant dense<0.000000e+00> : vector<256x512xf32>
            %dot_general3A_285 = tpu.matmul %select_n3A_260, %select_n3A_280, %dot_general3A_284 {dimension_numbers = #tpu.dot_dimension_numbers<[0], [0], [1], [1], [0, 1, 1, 1], [], []>, transpose_lhs_hint = false} : vector<16x256xf32>, vector<16x512xf32>, vector<256x512xf32> -> vector<256x512xf32>
            %add3A_286 = arith.addf %get3A_283, %dot_general3A_285 : vector<256x512xf32>
            %swap3A_287 = arith.constant 0 : index
            %swap3A_288 = arith.constant 0 : index
            %swap3A_289 = vector.load %arg7[%swap3A_287, %swap3A_288] : memref<256x512xf32, #tpu.memory_space<vmem>>, vector<256x512xf32>
            tpu.vector_store %arg7[%swap3A_287, %swap3A_288], %add3A_286 {strides = array<i32>} : memref<256x512xf32, #tpu.memory_space<vmem>>, vector<256x512xf32>,
            %get3A_290 = arith.constant 0 : index
            %get3A_291 = arith.constant 0 : index
            %get3A_292 = vector.load %arg8[%get3A_290, %get3A_291] : memref<1x512xf32, #tpu.memory_space<vmem>>, vector<1x512xf32>
            %reduce_sum3A_293 = arith.constant dense<0.000000e+00> : vector<512xf32>
            %reduce_sum3A_294 = vector.multi_reduction <add>, %select_n3A_280, %reduce_sum3A_293 [0] : vector<16x512xf32> to vector<512xf32>
            %broadcast_in_dim3A_295 = vector.shape_cast %reduce_sum3A_294 : vector<512xf32> to vector<1x512xf32>
            %add3A_296 = arith.addf %get3A_292, %broadcast_in_dim3A_295 : vector<1x512xf32>
            %swap3A_297 = arith.constant 0 : index
            %swap3A_298 = arith.constant 0 : index
            %swap3A_299 = vector.load %arg8[%swap3A_297, %swap3A_298] : memref<1x512xf32, #tpu.memory_space<vmem>>, vector<1x512xf32>
            tpu.vector_store %arg8[%swap3A_297, %swap3A_298], %add3A_296 {strides = array<i32>} : memref<1x512xf32, #tpu.memory_space<vmem>>, vector<1x512xf32>,
            %while3A_300 = arith.constant 0 : i32
            scf.yield %while3A_300 : i32
          }
          %while3A_197 = arith.constant 1 : i32
          %while3A_198 = scf.for %while3A_237 = %while3A_194 to %while3A_190 step %while3A_197 iter_args(%while3A_238 = %while3A_196) -> (i32)  : i32 {
            %mul3A_239 = arith.constant 16 : i32
            %mul3A_240 = arith.muli %while3A_237, %mul3A_239 : i32
            %get3A_241 = arith.index_cast %mul3A_240 : i32 to index
            %get3A_242 = arith.constant 0 : index
            %get3A_243 = vector.load %arg9[%get3A_241, %get3A_242] : memref<1024x512xf32, #tpu.memory_space<vmem>>, vector<16x512xf32>
            %iota3A_244 = tpu.iota {dimensions = array<i32: 0>} : vector<16x1xi32>
            %mul3A_245 = arith.constant 16 : i32
            %mul3A_246 = arith.muli %while3A_237, %mul3A_245 : i32
            %add3A_247 = vector.broadcast %mul3A_246 : i32 to vector<16x1xi32>
            %add3A_248 = arith.addi %iota3A_244, %add3A_247 : vector<16x1xi32>
            %lt3A = vector.broadcast %get3A_27 : i32 to vector<16x1xi32>
            %lt3A_249 = arith.cmpi slt, %add3A_248, %lt3A : vector<16x1xi32>
            %mul3A_250 = arith.constant 16 : i32
            %mul3A_251 = arith.muli %while3A_237, %mul3A_250 : i32
            %add3A_252 = arith.addi %multiple_of3A, %mul3A_251 : i32
            %get3A_253 = arith.index_cast %add3A_252 : i32 to index
            %get3A_254 = arith.constant 0 : index
            %get3A_255 = vector.load %arg3[%get3A_253, %get3A_254] : memref<8816x256xf32, #tpu.memory_space<vmem>>, vector<16x256xf32>
            %jit3A_256 = arith.constant 0.000000e+00 : f32
            %broadcast_in_dim3A_257 = vector.shape_cast %lt3A_249 : vector<16x1xi1> to vector<16x1xi1>
            %broadcast_in_dim3A_258 = vector.broadcast %broadcast_in_dim3A_257 : vector<16x1xi1> to vector<16x256xi1>
            %broadcast_in_dim3A_259 = vector.broadcast %jit3A_256 : f32 to vector<16x256xf32>
            %select_n3A_260 = arith.select %broadcast_in_dim3A_258, %get3A_255, %broadcast_in_dim3A_259 : vector<16x256xi1>, vector<16x256xf32>
            %sub3A_261 = vector.broadcast %while3A_173#0 : f32 to vector<16x512xf32>
            %sub3A_262 = arith.subf %get3A_243, %sub3A_261 : vector<16x512xf32>
            %mul3A_263 = vector.broadcast %div3A_186 : f32 to vector<16x512xf32>
            %mul3A_264 = arith.mulf %sub3A_262, %mul3A_263 : vector<16x512xf32>
            %mul3A_265 = arith.constant -0.00999999977 : f32
            %mul3A_266 = vector.broadcast %mul3A_265 : f32 to vector<16x512xf32>
            %mul3A_267 = arith.mulf %mul3A_266, %mul3A_264 : vector<16x512xf32>
            %exp3A = math.exp %mul3A_267 : vector<16x512xf32>
            %reduce_sum3A_268 = arith.constant dense<0.000000e+00> : vector<16xf32>
            %reduce_sum3A_269 = vector.multi_reduction <add>, %exp3A, %reduce_sum3A_268 [1] : vector<16x512xf32> to vector<16xf32>
            %broadcast_in_dim3A_270 = vector.shape_cast %reduce_sum3A_269 : vector<16xf32> to vector<16x1xf32>
            %div3A_271 = vector.broadcast %broadcast_in_dim3A_270 : vector<16x1xf32> to vector<16x512xf32>
            %div3A_272 = arith.divf %exp3A, %div3A_271 : vector<16x512xf32>
            %add3A_273 = arith.constant 1.000000e-10 : f32
            %add3A_274 = vector.broadcast %add3A_273 : f32 to vector<16x512xf32>
            %add3A_275 = arith.addf %div3A_272, %add3A_274 : vector<16x512xf32>
            %jit3A_276 = arith.constant 0.000000e+00 : f32
            %broadcast_in_dim3A_277 = vector.shape_cast %lt3A_249 : vector<16x1xi1> to vector<16x1xi1>
            %broadcast_in_dim3A_278 = vector.broadcast %broadcast_in_dim3A_277 : vector<16x1xi1> to vector<16x512xi1>
            %broadcast_in_dim3A_279 = vector.broadcast %jit3A_276 : f32 to vector<16x512xf32>
            %select_n3A_280 = arith.select %broadcast_in_dim3A_278, %add3A_275, %broadcast_in_dim3A_279 : vector<16x512xi1>, vector<16x512xf32>
            %get3A_281 = arith.constant 0 : index
            %get3A_282 = arith.constant 0 : index
            %get3A_283 = vector.load %arg7[%get3A_281, %get3A_282] : memref<256x512xf32, #tpu.memory_space<vmem>>, vector<256x512xf32>
            %dot_general3A_284 = arith.constant dense<0.000000e+00> : vector<256x512xf32>
            %dot_general3A_285 = tpu.matmul %select_n3A_260, %select_n3A_280, %dot_general3A_284 {dimension_numbers = #tpu.dot_dimension_numbers<[0], [0], [1], [1], [0, 1, 1, 1], [], []>, transpose_lhs_hint = false} : vector<16x256xf32>, vector<16x512xf32>, vector<256x512xf32> -> vector<256x512xf32>
            %add3A_286 = arith.addf %get3A_283, %dot_general3A_285 : vector<256x512xf32>
            %swap3A_287 = arith.constant 0 : index
            %swap3A_288 = arith.constant 0 : index
            %swap3A_289 = vector.load %arg7[%swap3A_287, %swap3A_288] : memref<256x512xf32, #tpu.memory_space<vmem>>, vector<256x512xf32>
            tpu.vector_store %arg7[%swap3A_287, %swap3A_288], %add3A_286 {strides = array<i32>} : memref<256x512xf32, #tpu.memory_space<vmem>>, vector<256x512xf32>,
            %get3A_290 = arith.constant 0 : index
            %get3A_291 = arith.constant 0 : index
            %get3A_292 = vector.load %arg8[%get3A_290, %get3A_291] : memref<1x512xf32, #tpu.memory_space<vmem>>, vector<1x512xf32>
            %reduce_sum3A_293 = arith.constant dense<0.000000e+00> : vector<512xf32>
            %reduce_sum3A_294 = vector.multi_reduction <add>, %select_n3A_280, %reduce_sum3A_293 [0] : vector<16x512xf32> to vector<512xf32>
            %broadcast_in_dim3A_295 = vector.shape_cast %reduce_sum3A_294 : vector<512xf32> to vector<1x512xf32>
            %add3A_296 = arith.addf %get3A_292, %broadcast_in_dim3A_295 : vector<1x512xf32>
            %swap3A_297 = arith.constant 0 : index
            %swap3A_298 = arith.constant 0 : index
            %swap3A_299 = vector.load %arg8[%swap3A_297, %swap3A_298] : memref<1x512xf32, #tpu.memory_space<vmem>>, vector<1x512xf32>
            tpu.vector_store %arg8[%swap3A_297, %swap3A_298], %add3A_296 {strides = array<i32>} : memref<1x512xf32, #tpu.memory_space<vmem>>, vector<1x512xf32>,
            %while3A_300 = arith.constant 0 : i32
            scf.yield %while3A_300 : i32
          }
          %get3A_199 = arith.constant 0 : index
          %get3A_200 = arith.constant 0 : index
          %get3A_201 = vector.load %arg7[%get3A_199, %get3A_200] : memref<256x512xf32, #tpu.memory_space<vmem>>, vector<256x512xf32>
          %get3A_202 = arith.constant 0 : index
          %get3A_203 = arith.constant 0 : index
          %get3A_204 = vector.load %arg8[%get3A_202, %get3A_203] : memref<1x512xf32, #tpu.memory_space<vmem>>, vector<1x512xf32>
          %div3A_205 = vector.broadcast %get3A_204 : vector<1x512xf32> to vector<256x512xf32>
          %div3A_206 = arith.divf %get3A_201, %div3A_205 : vector<256x512xf32>
          %add3A_207 = arith.constant 1.000000e-10 : f32
          %add3A_208 = vector.broadcast %add3A_207 : f32 to vector<256x512xf32>
          %add3A_209 = arith.addf %div3A_206, %add3A_208 : vector<256x512xf32>
          %get3A_210 = arith.constant 0 : index
          %get3A_211 = arith.constant 0 : index
          %get3A_212 = vector.load %arg6[%get3A_210, %get3A_211] : memref<256x512xf32, #tpu.memory_space<vmem>>, vector<256x512xf32>
          %sub3A_213 = arith.subf %add3A_209, %get3A_212 : vector<256x512xf32>
          %mul3A_214 = arith.mulf %sub3A_213, %sub3A_213 : vector<256x512xf32>
          %reduce_sum3A_215 = arith.constant dense<0.000000e+00> : vector<512xf32>
          %reduce_sum3A_216 = vector.multi_reduction <add>, %mul3A_214, %reduce_sum3A_215 [0] : vector<256x512xf32> to vector<512xf32>
          %broadcast_in_dim3A_217 = vector.shape_cast %reduce_sum3A_216 : vector<512xf32> to vector<1x512xf32>
          %sqrt3A = math.sqrt %broadcast_in_dim3A_217 : vector<1x512xf32>
          %reduce_sum3A_218 = vector.shape_cast %sqrt3A : vector<1x512xf32> to vector<1x1x512xf32>
          %reduce_sum3A_219 = arith.constant dense<0.000000e+00> : vector<1xf32>
          %reduce_sum3A_220 = vector.multi_reduction <add>, %reduce_sum3A_218, %reduce_sum3A_219 [1, 2] : vector<1x1x512xf32> to vector<1xf32>
          %reduce_sum3A_221 = vector.shape_cast %reduce_sum3A_220 : vector<1xf32> to vector<1x1x1xf32>
          %reduce_sum3A_222 = vector.extract %reduce_sum3A_221[0, 0, 0] : f32 from vector<1x1x1xf32>
          %eq3A_223 = vector.broadcast %scan3A_24 : i32 to vector<256x512xi32>
          %eq3A_224 = arith.cmpi eq, %iota3A, %eq3A_223 : vector<256x512xi32>
          %get3A_225 = arith.constant 0 : index
          %get3A_226 = arith.constant 0 : index
          %get3A_227 = vector.load %arg5[%get3A_225, %get3A_226] : memref<256x512xf32, #tpu.memory_space<vmem>>, vector<256x512xf32>
          %select_n3A_228 = arith.select %eq3A_224, %add3A_209, %get3A_227 : vector<256x512xi1>, vector<256x512xf32>
          %swap3A_229 = arith.constant 0 : index
          %swap3A_230 = arith.constant 0 : index
          %swap3A_231 = vector.load %arg5[%swap3A_229, %swap3A_230] : memref<256x512xf32, #tpu.memory_space<vmem>>, vector<256x512xf32>
          tpu.vector_store %arg5[%swap3A_229, %swap3A_230], %select_n3A_228 {strides = array<i32>} : memref<256x512xf32, #tpu.memory_space<vmem>>, vector<256x512xf32>,
          %swap3A_232 = arith.constant 0 : index
          %swap3A_233 = arith.constant 0 : index
          %swap3A_234 = vector.load %arg6[%swap3A_232, %swap3A_233] : memref<256x512xf32, #tpu.memory_space<vmem>>, vector<256x512xf32>
          tpu.vector_store %arg6[%swap3A_232, %swap3A_233], %add3A_209 {strides = array<i32>} : memref<256x512xf32, #tpu.memory_space<vmem>>, vector<256x512xf32>,
          %add3A_235 = arith.constant 1 : i32
          %add3A_236 = arith.addi %while3A_152, %add3A_235 : i32
          scf.yield %add3A_236, %reduce_sum3A_222 : i32, f32
        }
        %get3A_96 = arith.constant 0 : index
        %get3A_97 = arith.constant 0 : index
        %get3A_98 = vector.load %arg5[%get3A_96, %get3A_97] : memref<256x512xf32, #tpu.memory_space<vmem>>, vector<256x512xf32>
        %dot_general3A_99 = arith.constant dense<0.000000e+00> : vector<256x1xf32>
        %dot_general3A_100 = tpu.matmul %get3A_98, %convert_element_type3A_84, %dot_general3A_99 {dimension_numbers = #tpu.dot_dimension_numbers<[1], [0], [0], [1], [0, 0, 1, 1], [], []>, transpose_lhs_hint = false} : vector<256x512xf32>, vector<512x1xf32>, vector<256x1xf32> -> vector<256x1xf32>
        %mul3A_101 = arith.mulf %dot_general3A_100, %dot_general3A_100 : vector<256x1xf32>
        %reduce_sum3A_102 = vector.shape_cast %mul3A_101 : vector<256x1xf32> to vector<1x256x1xf32>
        %reduce_sum3A_103 = arith.constant dense<0.000000e+00> : vector<1xf32>
        %reduce_sum3A_104 = vector.multi_reduction <add>, %reduce_sum3A_102, %reduce_sum3A_103 [1, 2] : vector<1x256x1xf32> to vector<1xf32>
        %reduce_sum3A_105 = vector.shape_cast %reduce_sum3A_104 : vector<1xf32> to vector<1x1x1xf32>
        %reduce_sum3A_106 = vector.extract %reduce_sum3A_105[0, 0, 0] : f32 from vector<1x1x1xf32>
        %eq3A_107 = vector.broadcast %scan3A_24 : i32 to vector<1x512xi32>
        %eq3A_108 = arith.cmpi eq, %iota3A_14, %eq3A_107 : vector<1x512xi32>
        %get3A_109 = arith.constant 0 : index
        %get3A_110 = arith.constant 0 : index
        %get3A_111 = vector.load %arg10[%get3A_109, %get3A_110] : memref<1x512xf32, #tpu.memory_space<vmem>>, vector<1x512xf32>
        %broadcast_in_dim3A_112 = vector.broadcast %reduce_sum3A_106 : f32 to vector<1x512xf32>
        %select_n3A_113 = arith.select %eq3A_108, %broadcast_in_dim3A_112, %get3A_111 : vector<1x512xi1>, vector<1x512xf32>
        %swap3A_114 = arith.constant 0 : index
        %swap3A_115 = arith.constant 0 : index
        %swap3A_116 = vector.load %arg10[%swap3A_114, %swap3A_115] : memref<1x512xf32, #tpu.memory_space<vmem>>, vector<1x512xf32>
        tpu.vector_store %arg10[%swap3A_114, %swap3A_115], %select_n3A_113 {strides = array<i32>} : memref<1x512xf32, #tpu.memory_space<vmem>>, vector<1x512xf32>,
        %eq3A_117 = vector.broadcast %scan3A_24 : i32 to vector<1x512xi32>
        %eq3A_118 = arith.cmpi eq, %iota3A_14, %eq3A_117 : vector<1x512xi32>
        %reduce_sum3A_119 = vector.shape_cast %dot_general3A_100 : vector<256x1xf32> to vector<1x256x1xf32>
        %reduce_sum3A_120 = arith.constant dense<0.000000e+00> : vector<1xf32>
        %reduce_sum3A_121 = vector.multi_reduction <add>, %reduce_sum3A_119, %reduce_sum3A_120 [1, 2] : vector<1x256x1xf32> to vector<1xf32>
        %reduce_sum3A_122 = vector.shape_cast %reduce_sum3A_121 : vector<1xf32> to vector<1x1x1xf32>
        %reduce_sum3A_123 = vector.extract %reduce_sum3A_122[0, 0, 0] : f32 from vector<1x1x1xf32>
        %get3A_124 = arith.constant 0 : index
        %get3A_125 = arith.constant 0 : index
        %get3A_126 = vector.load %arg11[%get3A_124, %get3A_125] : memref<1x512xf32, #tpu.memory_space<vmem>>, vector<1x512xf32>
        %broadcast_in_dim3A_127 = vector.broadcast %reduce_sum3A_123 : f32 to vector<1x512xf32>
        %select_n3A_128 = arith.select %eq3A_118, %broadcast_in_dim3A_127, %get3A_126 : vector<1x512xi1>, vector<1x512xf32>
        %swap3A_129 = arith.constant 0 : index
        %swap3A_130 = arith.constant 0 : index
        %swap3A_131 = vector.load %arg11[%swap3A_129, %swap3A_130] : memref<1x512xf32, #tpu.memory_space<vmem>>, vector<1x512xf32>
        tpu.vector_store %arg11[%swap3A_129, %swap3A_130], %select_n3A_128 {strides = array<i32>} : memref<1x512xf32, #tpu.memory_space<vmem>>, vector<1x512xf32>,
        %while3A_132 = arith.constant 0 : i32
        %while3A_133 = arith.constant 0.000000e+00 : f32
        %while3A_134 = arith.subi %select_n3A, %while3A_132 : i32
        %while3A_135 = arith.addi %while3A_132, %while3A_134 : i32
        %while3A_136 = arith.constant 1 : i32
        %while3A_137 = arith.divsi %while3A_134, %while3A_136 : i32
        %while3A_138 = arith.muli %while3A_137, %while3A_136 : i32
        %while3A_139 = arith.addi %while3A_132, %while3A_138 : i32
        %while3A_140 = arith.constant 1 : i32
        %while3A_141 = scf.for %while3A_152 = %while3A_132 to %while3A_139 step %while3A_140 iter_args(%while3A_153 = %while3A_133) -> (f32)  : i32 {
          %mul3A_154 = arith.constant 16 : i32
          %mul3A_155 = arith.muli %while3A_152, %mul3A_154 : i32
          %add3A_156 = arith.addi %multiple_of3A, %mul3A_155 : i32
          %get3A_157 = arith.index_cast %add3A_156 : i32 to index
          %get3A_158 = arith.constant 0 : index
          %get3A_159 = vector.load %arg3[%get3A_157, %get3A_158] : memref<8816x256xf32, #tpu.memory_space<vmem>>, vector<16x256xf32>
          %iota3A_160 = tpu.iota {dimensions = array<i32: 0>} : vector<16x1xi32>
          %mul3A_161 = arith.constant 16 : i32
          %mul3A_162 = arith.muli %while3A_152, %mul3A_161 : i32
          %add3A_163 = vector.broadcast %mul3A_162 : i32 to vector<16x1xi32>
          %add3A_164 = arith.addi %iota3A_160, %add3A_163 : vector<16x1xi32>
          %lt3A = vector.broadcast %get3A_27 : i32 to vector<16x1xi32>
          %lt3A_165 = arith.cmpi slt, %add3A_164, %lt3A : vector<16x1xi32>
          %jit3A_166 = arith.constant 0.000000e+00 : f32
          %broadcast_in_dim3A_167 = vector.shape_cast %lt3A_165 : vector<16x1xi1> to vector<16x1xi1>
          %broadcast_in_dim3A_168 = vector.broadcast %broadcast_in_dim3A_167 : vector<16x1xi1> to vector<16x256xi1>
          %broadcast_in_dim3A_169 = vector.broadcast %jit3A_166 : f32 to vector<16x256xf32>
          %select_n3A_170 = arith.select %broadcast_in_dim3A_168, %get3A_159, %broadcast_in_dim3A_169 : vector<16x256xi1>, vector<16x256xf32>
          %mul3A_171 = arith.mulf %select_n3A_170, %select_n3A_170 : vector<16x256xf32>
          %reduce_sum3A_172 = arith.constant dense<0.000000e+00> : vector<16xf32>
          %reduce_sum3A_173 = vector.multi_reduction <add>, %mul3A_171, %reduce_sum3A_172 [1] : vector<16x256xf32> to vector<16xf32>
          %broadcast_in_dim3A_174 = vector.shape_cast %reduce_sum3A_173 : vector<16xf32> to vector<16x1xf32>
          %dot_general3A_175 = arith.constant dense<0.000000e+00> : vector<16x1xf32>
          %dot_general3A_176 = tpu.matmul %select_n3A_170, %dot_general3A_100, %dot_general3A_175 {dimension_numbers = #tpu.dot_dimension_numbers<[1], [0], [0], [1], [0, 0, 1, 1], [], []>, transpose_lhs_hint = false} : vector<16x256xf32>, vector<256x1xf32>, vector<16x1xf32> -> vector<16x1xf32>
          %mul3A_177 = arith.constant 2.000000e+00 : f32
          %mul3A_178 = vector.broadcast %mul3A_177 : f32 to vector<16x1xf32>
          %mul3A_179 = arith.mulf %mul3A_178, %dot_general3A_176 : vector<16x1xf32>
          %sub3A_180 = arith.subf %broadcast_in_dim3A_174, %mul3A_179 : vector<16x1xf32>
          %add3A_181 = vector.broadcast %reduce_sum3A_106 : f32 to vector<16x1xf32>
          %add3A_182 = arith.addf %sub3A_180, %add3A_181 : vector<16x1xf32>
          %jit3A_183 = arith.constant 0.000000e+00 : f32
          %broadcast_in_dim3A_184 = vector.broadcast %jit3A_183 : f32 to vector<16x1xf32>
          %select_n3A_185 = arith.select %lt3A_165, %add3A_182, %broadcast_in_dim3A_184 : vector<16x1xi1>, vector<16x1xf32>
          %reduce_sum3A_186 = vector.shape_cast %select_n3A_185 : vector<16x1xf32> to vector<1x16x1xf32>
          %reduce_sum3A_187 = arith.constant dense<0.000000e+00> : vector<1xf32>
          %reduce_sum3A_188 = vector.multi_reduction <add>, %reduce_sum3A_186, %reduce_sum3A_187 [1, 2] : vector<1x16x1xf32> to vector<1xf32>
          %reduce_sum3A_189 = vector.shape_cast %reduce_sum3A_188 : vector<1xf32> to vector<1x1x1xf32>
          %reduce_sum3A_190 = vector.extract %reduce_sum3A_189[0, 0, 0] : f32 from vector<1x1x1xf32>
          %add3A_191 = arith.addf %while3A_153, %reduce_sum3A_190 : f32
          scf.yield %add3A_191 : f32
        }
        %while3A_142 = arith.constant 1 : i32
        %while3A_143 = scf.for %while3A_152 = %while3A_139 to %while3A_135 step %while3A_142 iter_args(%while3A_153 = %while3A_141) -> (f32)  : i32 {
          %mul3A_154 = arith.constant 16 : i32
          %mul3A_155 = arith.muli %while3A_152, %mul3A_154 : i32
          %add3A_156 = arith.addi %multiple_of3A, %mul3A_155 : i32
          %get3A_157 = arith.index_cast %add3A_156 : i32 to index
          %get3A_158 = arith.constant 0 : index
          %get3A_159 = vector.load %arg3[%get3A_157, %get3A_158] : memref<8816x256xf32, #tpu.memory_space<vmem>>, vector<16x256xf32>
          %iota3A_160 = tpu.iota {dimensions = array<i32: 0>} : vector<16x1xi32>
          %mul3A_161 = arith.constant 16 : i32
          %mul3A_162 = arith.muli %while3A_152, %mul3A_161 : i32
          %add3A_163 = vector.broadcast %mul3A_162 : i32 to vector<16x1xi32>
          %add3A_164 = arith.addi %iota3A_160, %add3A_163 : vector<16x1xi32>
          %lt3A = vector.broadcast %get3A_27 : i32 to vector<16x1xi32>
          %lt3A_165 = arith.cmpi slt, %add3A_164, %lt3A : vector<16x1xi32>
          %jit3A_166 = arith.constant 0.000000e+00 : f32
          %broadcast_in_dim3A_167 = vector.shape_cast %lt3A_165 : vector<16x1xi1> to vector<16x1xi1>
          %broadcast_in_dim3A_168 = vector.broadcast %broadcast_in_dim3A_167 : vector<16x1xi1> to vector<16x256xi1>
          %broadcast_in_dim3A_169 = vector.broadcast %jit3A_166 : f32 to vector<16x256xf32>
          %select_n3A_170 = arith.select %broadcast_in_dim3A_168, %get3A_159, %broadcast_in_dim3A_169 : vector<16x256xi1>, vector<16x256xf32>
          %mul3A_171 = arith.mulf %select_n3A_170, %select_n3A_170 : vector<16x256xf32>
          %reduce_sum3A_172 = arith.constant dense<0.000000e+00> : vector<16xf32>
          %reduce_sum3A_173 = vector.multi_reduction <add>, %mul3A_171, %reduce_sum3A_172 [1] : vector<16x256xf32> to vector<16xf32>
          %broadcast_in_dim3A_174 = vector.shape_cast %reduce_sum3A_173 : vector<16xf32> to vector<16x1xf32>
          %dot_general3A_175 = arith.constant dense<0.000000e+00> : vector<16x1xf32>
          %dot_general3A_176 = tpu.matmul %select_n3A_170, %dot_general3A_100, %dot_general3A_175 {dimension_numbers = #tpu.dot_dimension_numbers<[1], [0], [0], [1], [0, 0, 1, 1], [], []>, transpose_lhs_hint = false} : vector<16x256xf32>, vector<256x1xf32>, vector<16x1xf32> -> vector<16x1xf32>
          %mul3A_177 = arith.constant 2.000000e+00 : f32
          %mul3A_178 = vector.broadcast %mul3A_177 : f32 to vector<16x1xf32>
          %mul3A_179 = arith.mulf %mul3A_178, %dot_general3A_176 : vector<16x1xf32>
          %sub3A_180 = arith.subf %broadcast_in_dim3A_174, %mul3A_179 : vector<16x1xf32>
          %add3A_181 = vector.broadcast %reduce_sum3A_106 : f32 to vector<16x1xf32>
          %add3A_182 = arith.addf %sub3A_180, %add3A_181 : vector<16x1xf32>
          %jit3A_183 = arith.constant 0.000000e+00 : f32
          %broadcast_in_dim3A_184 = vector.broadcast %jit3A_183 : f32 to vector<16x1xf32>
          %select_n3A_185 = arith.select %lt3A_165, %add3A_182, %broadcast_in_dim3A_184 : vector<16x1xi1>, vector<16x1xf32>
          %reduce_sum3A_186 = vector.shape_cast %select_n3A_185 : vector<16x1xf32> to vector<1x16x1xf32>
          %reduce_sum3A_187 = arith.constant dense<0.000000e+00> : vector<1xf32>
          %reduce_sum3A_188 = vector.multi_reduction <add>, %reduce_sum3A_186, %reduce_sum3A_187 [1, 2] : vector<1x16x1xf32> to vector<1xf32>
          %reduce_sum3A_189 = vector.shape_cast %reduce_sum3A_188 : vector<1xf32> to vector<1x1x1xf32>
          %reduce_sum3A_190 = vector.extract %reduce_sum3A_189[0, 0, 0] : f32 from vector<1x1x1xf32>
          %add3A_191 = arith.addf %while3A_153, %reduce_sum3A_190 : f32
          scf.yield %add3A_191 : f32
        }
        %get3A_144 = arith.constant 0 : index
        %get3A_145 = arith.constant 0 : index
        %get3A_146 = vector.load %arg4[%get3A_144, %get3A_145] : memref<1x1xf32, #tpu.memory_space<vmem>>, vector<1x1xf32>
        %add3A_147 = vector.broadcast %while3A_143 : f32 to vector<1x1xf32>
        %add3A_148 = arith.addf %get3A_146, %add3A_147 : vector<1x1xf32>
        %swap3A_149 = arith.constant 0 : index
        %swap3A_150 = arith.constant 0 : index
        %swap3A_151 = vector.load %arg4[%swap3A_149, %swap3A_150] : memref<1x1xf32, #tpu.memory_space<vmem>>, vector<1x1xf32>
        tpu.vector_store %arg4[%swap3A_149, %swap3A_150], %add3A_148 {strides = array<i32>} : memref<1x1xf32, #tpu.memory_space<vmem>>, vector<1x1xf32>,
      } else {
      }
    }
    %scan3A_23 = arith.constant 512 : i32
    return
  }
}

</mosaic_0001>

<sc_bundles>
// kernel: kernel.5.cloned.1.call-start
scs
__scs_entry_jumppad:
0x0: {  	(pc) =	sbr.rel $0x88, $3  }
0x1: {  	(tag) =	ssettag $0x0;
	lr =	simm.s32 $0x1  }
0x2: {  	[smem:$0x3F83] =	sst lr;
	_ =	strace $0xD0000000  }
0x3: {  	_ = 	snop  }
0x4: {  	_ = 	snop  }
0x5: {  	_ = 	snop  }
0x6: {  	_ = 	snop  }
0x7: {  	_ = 	snop  }
__scs_overlays_trampoline_lowered:
0x8: {  	[smem:$0x3F92] =	sst s0  }
0x9: {  	[smem:$0x3F93] =	sst s1  }
0xa: {  	[smem:$0x3F94] =	sst s2  }
0xb: {  	[smem:$0x3F95] =	sst s3  }
0xc: {  	[smem:$0x3F96] =	sst s4  }
0xd: {  	[smem:$0x3F97] =	sst s5  }
0xe: {  	[smem:$0x3F98] =	sst s6  }
0xf: {  	[smem:$0x3F99] =	sst s7  }
0x10: {  	[smem:$0x3F9A] =	sst s8  }
0x11: {  	[smem:$0x3F9B] =	sst s9;
	s0 =	simm.s32 @!p0 $0x0  }
0x12: {  	s1 =	sld [smem:$0x3F81];
	s0 =	simm.s32 @p0 $0x1  }
0x13: {  	[smem:$0x3F9C] =	sst s0;
	s0 =	simm.s32 @!p1 $0x0  }
0x14: {  	s2 =	sld [smem:$0x3F80];
	s0 =	simm.s32 @p1 $0x1  }
0x15: {  	[smem:$0x3F9D] =	sst s0;
	s0 =	simm.s32 @!p2 $0x0  }
0x16: {  	s3 =	sld [smem:$0x3FDB];
	s0 =	simm.s32 @p2 $0x1  }
0x17: {  	s4 =	simm.s32 $0x1BF5;
	[smem:$0x3F9F] =	sst s0  }
0x18: {  	s0 =	sld [smem:$0x3F82];
	_ =	swait.ge [sflag:s4], $0x0  }
0x19: {  	s7 =	sld [smem:$0x3F83]  }
0x1a: {  	s8 =	sadd.s32 $0xFFFFE003, lr  }
0x1b: {  	s9 =	sadd.s32 $0xFFFFFEF7, lr;
	s5 =	simm.s32 $0xFFFFFFFF;
	p2 =	slt.u32 s8, $0xFFFFF086  }
0x1c: {  	p1 =	slt.u32 s9, $0xF7A;
	s5 =	simm.s32 @!p2 $0x0  }
0x1d: {  	s5 =	simm.s32 @p1 $0x1;
	p0 =	seq.s32 s7, s2  }
0x1e: {  	s7 =	smul.u32 @!p0 $0xF7A, s2;
	p2 =	seq.s32 @!p0 s5, $0x0  }
0x1f: {  	s9 =	smul.u32 $0xF7A, s1;
	s8 =	simm.s32 @!p0 $0x1BF5;
	p2 =	por !p2, p0  }
0x20: {  	[sflag:s8] =	ssyncset.s32 @!p0 $0xFFFFF086;
	s6 =	sadd.s32 @!p0 s3, s7;
	s7 =	simm.s32 @!p0 $0x108  }
0x21: {  	s3 =	sadd.s32 s3, s9;
	s6 =	sadd.s32 @!p0 $0x88, s6;
	s7 =	simm.s32 @p2 $0x1082  }
0x22: {  	[simem:s7], [sflag:s8] =	dma.local @!p0 [hbm:s6], $0xF7A  }
0x23: {  	s9 =	sor.u32 $0xD0000000, s2;
	s6 =	simm.s32 $0x108;
	_ =	swait.ge @!p0 [sflag:s8], $0x0  }
0x24: {  	s3 =	sadd.s32 $0x88, s3;
	s6 =	simm.s32 @!p1 $0x1082;
	[sflag:s4] =	ssyncset.s32 $0xFFFFF086  }
0x25: {  	[simem:s6], [sflag:s4] =	dma.local [hbm:s3], $0xF7A  }
0x26: {  	[smem:$0x3F83] =	sst s1;
	(tag) =	ssettag s2;
	_ =	strace s9  }
0x27: {  	s1 =	sld [smem:$0x3F93]  }
0x28: {  	s2 =	sld [smem:$0x3F94]  }
0x29: {  	s4 =	sld [smem:$0x3F96]  }
0x2a: {  	p0 =	seq.s32 s5, $0x0;
	s5 =	sld [smem:$0x3F97]  }
0x2b: {  	s6 =	sld [smem:$0x3F98]  }
0x2c: {  	s7 =	sld [smem:$0x3F99]  }
0x2d: {  	s3 =	simm.s32 $0x108;
	s8 =	sld [smem:$0x3F9A]  }
0x2e: {  	s3 =	simm.s32 @!p0 $0x1082;
	s9 =	sld [smem:$0x3F9B]  }
0x2f: {  	lr =	sadd.s32 s0, s3;
	s0 =	sld [smem:$0x3F92]  }
0x30: {  	s3 =	sld [smem:$0x3F95]  }
0x31: {  	[smem:$0x3F9E] =	sst s10  }
0x32: {  	s10 =	sld [smem:$0x3F9C];
	_ =	sdelay $0x3  }
0x33: {  	p0 =	seq.s32 s10, $0x1;
	s10 =	sld [smem:$0x3F9E];
	_ =	sdelay $0x3  }
0x34: {  	[smem:$0x3F9E] =	sst s10  }
0x35: {  	s10 =	sld [smem:$0x3F9D];
	_ =	sdelay $0x3  }
0x36: {  	p1 =	seq.s32 s10, $0x1;
	s10 =	sld [smem:$0x3F9E];
	_ =	sdelay $0x3  }
0x37: {  	[smem:$0x3F9E] =	sst s10  }
0x38: {  	s10 =	sld [smem:$0x3F9F]  }
0x39: {  	_ = 	snop;
	(pc) =	sbr.ind lr, $3  }
0x3a: {  	_ = 	snop  }
0x3b: {  	_ = 	snop  }
0x3c: {  	p2 =	seq.s32 s10, $0x1;
	s10 =	sld [smem:$0x3F9E]  }
0x3d: {  	_ =	shalt  }
0x3e: {  	_ =	shalt  }
0x3f: {  	_ =	shalt  }
0x40: {  	_ =	shalt  }
0x41: {  	_ =	shalt  }
0x42: {  	_ =	shalt  }
0x43: {  	_ =	shalt  }
0x44: {  	_ =	shalt  }
0x45: {  	_ =	shalt  }
0x46: {  	_ =	shalt  }
0x47: {  	_ =	shalt  }
0x48: {  	_ =	shalt  }
0x49: {  	_ =	shalt  }
0x4a: {  	_ =	shalt  }
0x4b: {  	_ =	shalt  }
0x4c: {  	_ =	shalt  }
0x4d: {  	_ =	shalt  }
0x4e: {  	_ =	shalt  }
0x4f: {  	_ =	shalt  }
0x50: {  	_ =	shalt  }
0x51: {  	_ =	shalt  }
0x52: {  	_ =	shalt  }
0x53: {  	_ =	shalt  }
0x54: {  	_ =	shalt  }
0x55: {  	_ =	shalt  }
0x56: {  	_ =	shalt  }
0x57: {  	_ =	shalt  }
0x58: {  	_ =	shalt  }
0x59: {  	_ =	shalt  }
0x5a: {  	_ =	shalt  }
0x5b: {  	_ =	shalt  }
0x5c: {  	_ =	shalt  }
0x5d: {  	_ =	shalt  }
0x5e: {  	_ =	shalt  }
0x5f: {  	_ =	shalt  }
0x60: {  	_ =	shalt  }
0x61: {  	_ =	shalt  }
0x62: {  	_ =	shalt  }
0x63: {  	_ =	shalt  }
0x64: {  	_ =	shalt  }
0x65: {  	_ =	shalt  }
0x66: {  	_ =	shalt  }
0x67: {  	_ =	shalt  }
0x68: {  	_ =	shalt  }
0x69: {  	_ =	shalt  }
0x6a: {  	_ =	shalt  }
0x6b: {  	_ =	shalt  }
0x6c: {  	_ =	shalt  }
0x6d: {  	_ =	shalt  }
0x6e: {  	_ =	shalt  }
0x6f: {  	_ =	shalt  }
0x70: {  	_ =	shalt  }
0x71: {  	_ =	shalt  }
0x72: {  	_ =	shalt  }
0x73: {  	_ =	shalt  }
0x74: {  	_ =	shalt  }
0x75: {  	_ =	shalt  }
0x76: {  	_ =	shalt  }
0x77: {  	_ =	shalt  }
0x78: {  	_ =	shalt  }
0x79: {  	_ =	shalt  }
0x7a: {  	_ =	shalt  }
0x7b: {  	_ =	shalt  }
0x7c: {  	_ =	shalt  }
0x7d: {  	_ =	shalt  }
0x7e: {  	_ =	shalt  }
0x7f: {  	_ =	shalt  }
0x80: {  	_ =	shalt  }
0x81: {  	_ =	shalt  }
0x82: {  	_ =	shalt  }
0x83: {  	_ =	shalt  }
0x84: {  	_ =	shalt  }
0x85: {  	_ =	shalt  }
0x86: {  	_ =	shalt  }
0x87: {  	_ =	shalt  }
.Lfunc_end0:
.L_simem_size_0:
called_computation_lowered:
.L_overlay_start_0:
0x88: {  	s2 =	sld [smem:$0x3FD9]  }
0x89: {  	s3 =	sld [smem:$0x3FFE];
	_ =	sdelay $0x1  }
0x8a: {  	s1 =	srdreg.scid  }
0x8b: {  	s0 =	sand.u32 $0x1, s1  }
0x8c: {  	s16 =	sshll.u32 s0, $0xA;
	s2 =	sadd.s32 s3, s2  }
0x8d: {  	s2 =	sadd.s32 s2, s16  }
0x8e: {  	[smem:$0x3FAA] =	sst s2  }
0x8f: {  	_ = 	snop  }
0x90: {  	(tm) =	ssettm $0x1  }
0x91: {  	s17 =	sld [smem:$0x3FFB];
	_ =	sdelay $0x3  }
0x92: {  	_ =	strace s17  }
0x93: {  	s2 =	sld [smem:$0x3FFC];
	_ =	sdelay $0x3  }
0x94: {  	_ =	strace s2  }
0x95: {  	s2 =	sld [smem:$0x3FFD];
	_ =	sdelay $0x3  }
0x96: {  	_ =	strace s2  }
0x97: {  	_ =	strace $0x8FFFFFFF  }
0x98: {  	s18 =	sld [smem:$0x3FDB];
	_ =	sdelay $0x1  }
0x99: {  	s19 =	simm.s32 $_scs_section_size  }
0x9a: {  	s4 =	simm.s32 $_size__tile_overlayer_lowered;
	s5 =	simm.s32 $_tile_overlayer_lowered  }
0x9b: {  	s22 =	simm.s32 $0x1BFF;
	s21 =	sshll.u32 s5, $0x1;
	s2 =	sadd.s32 s19, s18  }
0x9c: {  	s6 =	simm.s32 $0x0;
	s20 =	sshll.u32 s4, $0x1;
	s4 =	sadd.s32 s21, s2  }
0x9d: {  	[timem:s6], [sflag:s22] =	dma.local [hbm:s4], s20  }
0x9e: {  	_ =	swait.ge [sflag:s22], s20  }
0x9f: {  	s3 =	ssub.s32 $0x0, s20;
	[sflag:s22] =	ssyncset.done $0x0  }
0xa0: {  	[sflag:s22] =	ssyncadd.s32 s3;
	_ =	sdelay $0x1  }
0xa1: {  	s23 =	simm.s32 $0x1B8B  }
0xa2: {  	_ =	swait.ge [sflag:s23], $0x1  }
0xa3: {  	[sflag:s23] =	ssyncset.done $0x0  }
0xa4: {  	s25 =	simm.s32 $0x1B8E;
	s24 =	sld [smem:$0x3FFE];
	[sflag:s23] =	ssyncadd.s32 $0xFFFFFFFF  }
0xa5: {  	s26 =	simm.s32 $execute0_lowered;
	[smem:$0x3FD2] =	sst s25  }
0xa6: {  	s4 =	sshll.u32 s26, $0x1;
	_ =	strace $0x80000046;
	[dreg:$0x1] =	wrdreg $0xFFFFFFFF  }
0xa7: {  	s28 =	simm.s32 $_size_execute0_lowered;
	s2 =	sadd.s32 s2, s4;
	[dreg:$0x0] =	wrdreg $0x0  }
0xa8: {  	s4 =	sshll.u32 s28, $0x1;
	[dreg:$0x2] =	wrdreg s2  }
0xa9: {  	[dreg:$0x3] =	wrdreg s4  }
0xaa: {  	[dreg:$0x4] =	wrdreg $0xC0  }
0xab: {  	_ =	task [dreg:s6], $0x5FFFF  }
0xac: {  	[dreg:$0x1] =	wrdreg $0xFFFFFFFF  }
0xad: {  	[dreg:$0x0] =	wrdreg $0x60  }
0xae: {  	[dreg:$0x2] =	wrdreg s24  }
0xaf: {  	[dreg:$0x3] =	wrdreg $0x9  }
0xb0: {  	_ =	task.clear_ibuf [dreg:s6], $0x4FFFF;
	_ =	strace $0x90000046  }
0xb1: {  	s29 =	simm.s32 $0x9;
	_ =	strace $0x80000048  }
0xb2: {  	_ =	swait.ge [sflag:s29], $0x1  }
0xb3: {  	[sflag:s29] =	ssyncadd.s32 $0xFFFFFFFF  }
0xb4: {  	_ =	strace $0x90000048  }
0xb5: {  	_ =	sfence  }
0xb6: {  	s30 =	sld [smem:$0x0];
	_ =	sdelay $0x2  }
0xb7: {  	s31 =	sshll.u32 s1, $0xD;
	s1 =	sshrl.u32 s1, $0x2  }
0xb8: {  	s3 =	sand.u32 $0x4000, s31;
	s1 =	sadd.s32 s1, s30  }
0xb9: {  	s0 =	sor.u32 s3, s0;
	s1 =	sshll.u32 s1, $0x11  }
0xba: {  	s0 =	sor.u32 s1, s0  }
0xbb: {  	s0 =	sadd.s32 $0x8F2B, s0  }
0xbc: {  	[sflag:s0] =	ssyncadd.remote.s32 $0x1  }
0xbd: {  	_ =	sfence.sel $0xFFFF  }
0xbe: {  	[dreg:$0x0] =	wrdreg $0xFFFFFFFF;
	(pc) =	sbr.abs _section_cstart, $3  }
0xbf: {  	[dreg:$0x1] =	wrdreg $0xFFFFFFFF  }
0xc0: {  	_ =	task.clear_ibuf [dreg:s6], $0x2FFFF;
	_ =	strace $0x9FFFFFFF  }
0xc1: {  	(tm) =	ssettm $0x7FFFFFFF  }
tec
execute0_lowered:
.L_overlay_start_1:
0x0: {  	(tag) =	ssettag $0x1  }
0x1: {  	s3 =	rddreg [dreg:$0x0];
	s2 =	srdreg.scid  }
0x2: {  	s0 =	rddreg [dreg:$0x1];
	s1 =	stileid.u32  }
0x3: {  	s8 =	simm.s32 $0x80;
	s9 =	simm.s32 $0x880;
	s10 =	simm.s32 $0x1080  }
0x4: {  	s11 =	simm.s32 $0x1880;
	s12 =	simm.s32 $0x1;
	s4 =	sand.u32 $0x1, s2  }
0x5: {  	s2 =	simm.s32 $0x0;
	s5 =	sshll.u32 s1, $0x6;
	s6 =	sshll.u32 s4, $0x5  }
0x6: {  	[smem:$0x7FF] =	sst s2;
	s4 =	ssub.s32 $0x2, s4;
	s5 =	sor.u32 s6, s5  }
0x7: {  	s7 =	sshrl.u32 s4, $0x1;
	s6 =	sshll.u32 s5, $0x5;
	s5 =	sshrl.u32 s5, $0x3  }
0x8: {  	v2 =	vlaneseq.u32;
	_ =	strace $0x80000047;
	s7 =	ssub.s32 s4, s7;
	s5 =	sadd.s32 s5, s3  }
0x9: {  	vm0 =	vmmov $0xffff;
	v1 =	vshrl.u32 v2, $0x3;
	s6 =	sadd.s32 s6, s3;
	s3 =	sadd.s32 $0xC200, s3;
	s4 =	sadd.s32 $0xC000, s5  }
0xa: {  	v0 =	vand.u32 $0x7, v2;
	v2 =	vor.u32 $0x8, v2;
	v1 =	vmul.u32 $0x8, v1;
	s5 =	sadd.s32 $0x4000, s6;
	s6 =	smax.u32 s7, $0x1;
	s7 =	simm.s32 $0x2  }
.LBB2_1:
0xb: {  	[tilespmem:s2], [sflag:$0x2] =	stream.linear.gather [hbm4b:s4+s2], $0x20, $0x38;
	[tilespmem:$0x2080] =	vst v63  }
0xc: {  	_ =	swait.ge [sflag:s7], $0x20  }
0xd: {  	[sflag:s7] =	ssyncset.done $0x0  }
0xe: {  	[sflag:s7] =	ssyncadd.s32 $0xFFFFFFE0  }
0xf: {  	[tilespmem:s8], [sflag:$0x2] =	stream.linear.gather [hbm4b:s5+s2], $0x2000, $0x38;
	[tilespmem:$0x2080] =	vst v63  }
0x10: {  	_ =	swait.ge [sflag:s7], $0x2000  }
0x11: {  	[sflag:s7] =	ssyncset.done $0x0  }
0x12: {  	[sflag:s7] =	ssyncadd.s32 $0xFFFFE000  }
0x13: {  	v3 =	vld [tilespmem:$0x0];
	_ =	sdelay $0x4  }
0x14: {  	v4 =	vshll.u32 v3, $0x1  }
0x15: {  	v3 =	vand.u32 $0x7, v3;
	v4 =	vand.u32 $0xFFFFFFF0, v4  }
0x16: {  	v3 =	vor.u32 v3, v4  }
0x17: {  	v4 =	vperm.xlane v3, v0;
	_ =	sdelay $0x1  }
0x18: {  	v3 =	vperm.xlane v3, v2;
	v4 =	vadd.s32 v1, v4;
	_ =	sdelay $0x1  }
0x19: {  	v3 =	vadd.s32 v1, v3;
	_ =	sdelay $0x2  }
0x1a: {  	[hbm4b:s3+s2] =	stream.indirect_vreg.scatter [tilespmem:s8], [sflag:$0x1], $0x80, v4, vm0, $0xb8;
	[tilespmem:$0x2080] =	vst v63  }
0x1b: {  	_ = 	snop  }
0x1c: {  	[hbm4b:s3+s2] =	stream.indirect_vreg.scatter [tilespmem:s9], [sflag:$0x1], $0x80, v3, vm0, $0xb8;
	[tilespmem:$0x2080] =	vst v63  }
0x1d: {  	v3 =	vld [tilespmem:$0x10];
	_ =	sdelay $0x4  }
0x1e: {  	v63 =	vshll.u32 v3, $0x1  }
0x1f: {  	v3 =	vand.u32 $0x7, v3;
	v4 =	vand.u32 $0xFFFFFFF0, v63  }
0x20: {  	v3 =	vor.u32 v3, v4  }
0x21: {  	v4 =	vperm.xlane v3, v0;
	_ =	sdelay $0x1  }
0x22: {  	v3 =	vperm.xlane v3, v2;
	v4 =	vadd.s32 v1, v4;
	_ =	sdelay $0x1  }
0x23: {  	v3 =	vadd.s32 v1, v3;
	_ =	sdelay $0x1  }
0x24: {  	p0 =	sne.s32 s6, $0x1  }
0x25: {  	[hbm4b:s3+s2] =	stream.indirect_vreg.scatter [tilespmem:s10], [sflag:$0x1], $0x80, v4, vm0, $0xb8;
	[tilespmem:$0x2080] =	vst v63  }
.Ltmp0:
0x26: {  	_ = 	snop;
	(pc) =	sbr.rel @p0 .LBB2_1-.Ltmp0, $4  }
0x27: {  	[hbm4b:s3+s2] =	stream.indirect_vreg.scatter [tilespmem:s11], [sflag:$0x1], $0x80, v3, vm0, $0xb8;
	[tilespmem:$0x2080] =	vst v63  }
0x28: {  	_ =	swait.ge [sflag:s12], $0x2000  }
0x29: {  	[sflag:s12] =	ssyncset.done $0x0  }
0x2a: {  	s6 =	sadd.s32 $0xFFFFFFFF, s6;
	[sflag:s12] =	ssyncadd.s32 $0xFFFFE000  }
0x2b: {  	_ =	sfence.sel $0x180000  }
0x2c: {  	[bflag:$0x0] =	sbarrier.arrive $0xFFFF  }
0x2d: {  	p0 =	sne.s32 s1, $0x0;
	_ =	strace $0x90000047  }
0x2e: {  	s0 =	sadd.s32 @!p0 $0x100000, s0;
	[bflag:$0x2] =	sbarrier.arrive $0xFFFF  }
0x2f: {  	[sflag:s0] =	ssyncadd.tile.s32 @!p0 $0x1;
	_ =	shalt  }
.Lfunc_end2:
_tile_overlayer_lowered:
.L_overlay_start_2:
0x30: {  	(tag) =	ssettag $0x2  }
0x31: {  	s0 =	rddreg [dreg:$0x0];
	s2 =	stileid.u32  }
0x32: {  	s1 =	rddreg [dreg:$0x1];
	p0 =	sne.s32 s2, $0x0  }
0x33: {  	s3 =	rddreg [dreg:$0x2];
	[bflag:$0x3] =	sbarrier.arrive $0xFFFF;
	s2 =	simm.s32 @!p0 $0x1C02  }
0x34: {  	[timem:s3], [sflag:s2] =	dma.local @!p0 [hbm:s0], s1  }
0x35: {  	s0 =	simm.s32 @!p0 $0x2  }
0x36: {  	_ =	swait.ge @!p0 [sflag:s0], s1  }
0x37: {  	s1 =	ssub.s32 @!p0 $0x0, s1;
	[sflag:s0] =	ssyncset.done @!p0 $0x0  }
0x38: {  	[sflag:s0] =	ssyncadd.s32 @!p0 s1  }
0x39: {  	[bflag:$0x3] =	sbarrier.arrive $0xFFFF  }
0x3a: {  	_ =	shalt  }

</sc_bundles>
